<compile_context>
chip_gen: v7x
topology: tpu7x:2x2x1
jax: 0.10.2.dev20260603
libtpu: 0.0.44.dev20260713+nightly
codegen_flags: <defaults>
</compile_context>

<pallas_src>
import functools

import jax
import jax.numpy as jnp
from jax import lax
from jax.experimental import pallas as pl
from jax.experimental.pallas import tpu as pltpu
from jax.experimental.pallas import tpu_sc as plsc

B = 1024
EMB = 768
SUBVEC = 96
SUBDIM = 8
K = 256
AUG = 16
NW = 32
SPT = SUBVEC // NW
BF = jnp.bfloat16


def _rotsel_body(rot_ref, dn_ref, cb_ref, rdnt_ref, idx_ref):
    rt32 = lax.dot_general(rot_ref[...], dn_ref[...], (((1,), (1,)), ((), ())),
                           preferred_element_type=jnp.float32)
    rt = rt32.astype(BF)
    rdnt_ref[...] = rt
    ones = jnp.ones((AUG - SUBDIM, B), BF)
    rows = []
    for n in range(SUBVEC):
        cba = cb_ref[pl.ds(n * AUG, AUG), :]
        vn = rt[n * SUBDIM:(n + 1) * SUBDIM, :]
        va = jnp.concatenate([vn, ones], axis=0)
        score = lax.dot_general(cba, va, (((0,), (0,)), ((), ())),
                                preferred_element_type=jnp.float32)
        m = jnp.max(score, axis=0, keepdims=True)
        ks = lax.broadcasted_iota(jnp.int32, score.shape, 0)
        rows.append(jnp.min(jnp.where(score >= m, ks, K), axis=0, keepdims=True))
    idx_ref[...] = jnp.concatenate(rows, axis=0)[None]


def _rot_select(rot_bf, dn_bf, cb_aug):
    return pl.pallas_call(
        _rotsel_body,
        grid=(2,),
        in_specs=[pl.BlockSpec((EMB, EMB), lambda i: (0, 0)),
                  pl.BlockSpec((B, EMB), lambda i: (i, 0)),
                  pl.BlockSpec((SUBVEC * AUG, K), lambda i: (0, 0))],
        out_specs=[pl.BlockSpec((EMB, B), lambda i: (0, i)),
                   pl.BlockSpec((1, SUBVEC, B), lambda i: (i, 0, 0))],
        out_shape=[jax.ShapeDtypeStruct((EMB, 2 * B), BF),
                   jax.ShapeDtypeStruct((2, SUBVEC, B), jnp.int32)],
    )(rot_bf, dn_bf, cb_aug)


def _quant_gather(idx_flat, cb9_flat):
    mesh = plsc.VectorSubcoreMesh(core_axis_name="c", subcore_axis_name="s")
    CBW = K * 9
    TIW = SPT * B

    @functools.partial(
        pl.kernel, mesh=mesh,
        compiler_params=pltpu.CompilerParams(needs_layout_passes=False),
        out_type=jax.ShapeDtypeStruct((2 * SUBVEC * SUBDIM, B), jnp.float32),
        scratch_types=[
            pltpu.VMEM((2 * TIW,), jnp.int32),
            pltpu.VMEM((SPT * CBW,), jnp.float32),
            pltpu.VMEM((2 * SPT * SUBDIM, B), jnp.float32),
        ],
    )
    def k(idx_hbm, cb_hbm, out_hbm, idx_v, cb_v, out_v):
        wid = lax.axis_index("c") * 16 + lax.axis_index("s")
        base = wid * SPT
        for m in range(2):
            pltpu.sync_copy(
                idx_hbm.at[pl.ds((m * SUBVEC + base) * B, TIW)],
                idx_v.at[pl.ds(m * TIW, TIW)])
        pltpu.sync_copy(cb_hbm.at[pl.ds(base * CBW, SPT * CBW)], cb_v)

        def chunk(c, carry):
            off = c * 16
            for m in range(2):
                for j in range(SPT):
                    kidx = idx_v[pl.ds(m * TIW + j * B + off, 16)]
                    wbase = kidx * 9 + (j * CBW)
                    for d in range(SUBDIM):
                        vals = plsc.load_gather(cb_v, [wbase + d])
                        out_v[(m * SPT + j) * SUBDIM + d, pl.ds(off, 16)] = vals
            return carry

        lax.fori_loop(0, B // 16, chunk, 0)
        for m in range(2):
            pltpu.sync_copy(
                out_v.at[pl.ds(m * SPT * SUBDIM, SPT * SUBDIM)],
                out_hbm.at[pl.ds((m * SUBVEC + base) * SUBDIM, SPT * SUBDIM)])

    return k(idx_flat, cb9_flat)


def _loss_body(oq_ref, rot_ref, odn_ref, rdnt_ref, qt_ref, dl_ref, pl_ref):
    i = pl.program_id(0)

    @pl.when(i == 0)
    def _init():
        dl_ref[0, 0] = 0.0
        pl_ref[0, 0] = 0.0

    nt = (((1,), (1,)), ((), ()))
    nn = (((1,), (0,)), ((), ()))
    oq = oq_ref[...].astype(BF)
    rq = lax.dot_general(oq, rot_ref[...], nt,
                         preferred_element_type=jnp.float32).astype(BF)
    ts = lax.dot_general(oq, odn_ref[...], nt,
                         preferred_element_type=jnp.float32)
    tm = jnp.max(ts, axis=1, keepdims=True)
    te = jnp.exp(ts - tm)
    tp = te / jnp.sum(te, axis=1, keepdims=True)

    def student_ce(s):
        sm = jnp.max(s, axis=1, keepdims=True)
        se = jnp.exp(s - sm)
        p = se / jnp.sum(se, axis=1, keepdims=True) + 1e-6
        return jnp.sum(tp * (-jnp.log(p)))

    ds_ = lax.dot_general(rq, rdnt_ref[...], nn,
                          preferred_element_type=jnp.float32)
    q0 = qt_ref[0].astype(BF)
    q1 = qt_ref[1].astype(BF)
    ps_ = jnp.concatenate(
        [lax.dot_general(rq, q0, nn, preferred_element_type=jnp.float32),
         lax.dot_general(rq, q1, nn, preferred_element_type=jnp.float32)],
        axis=1)
    dl_ref[0, 0] += student_ce(ds_)
    pl_ref[0, 0] += student_ce(ps_)

    @pl.when(i == pl.num_programs(0) - 1)
    def _fin():
        dl_ref[0, 0] = dl_ref[0, 0] * (1.0 / B)
        pl_ref[0, 0] = pl_ref[0, 0] * (1.0 / B)


def _losses(oq_bf, rot_bf, odn, rdnt, qt):
    bm = 256
    scal = jax.ShapeDtypeStruct((1, 1), jnp.float32)
    smem = pl.BlockSpec(memory_space=pltpu.SMEM)
    dl, pq = pl.pallas_call(
        _loss_body,
        grid=(B // bm,),
        in_specs=[pl.BlockSpec((bm, EMB), lambda i: (i, 0)),
                  pl.BlockSpec((EMB, EMB), lambda i: (0, 0)),
                  pl.BlockSpec((2 * B, EMB), lambda i: (0, 0)),
                  pl.BlockSpec((EMB, 2 * B), lambda i: (0, 0)),
                  pl.BlockSpec((2, EMB, B), lambda i: (0, 0, 0))],
        out_specs=[smem, smem],
        out_shape=[scal, scal],
    )(oq_bf, rot_bf, odn, rdnt, qt)
    return dl, pq


def kernel(query_token_ids, query_attention_mask, doc_token_ids,
           doc_attention_mask, neg_token_ids, neg_attention_mask,
           origin_q_emb, origin_d_emb, origin_n_emb, doc_ids, neg_ids,
           rotate, codebook):
    dn_bf = jnp.concatenate([origin_d_emb, origin_n_emb], axis=0).astype(BF)
    rot_bf = rotate.astype(BF)

    cbt = codebook.transpose(0, 2, 1)
    csq = jnp.sum(codebook * codebook, axis=-1)
    zpad = jnp.zeros((SUBVEC, AUG - SUBDIM - 1, K), codebook.dtype)
    cb_aug = jnp.concatenate([cbt, -0.5 * csq[:, None, :], zpad],
                             axis=1).reshape(SUBVEC * AUG, K).astype(BF)

    rdnt, idx = _rot_select(rot_bf, dn_bf, cb_aug)
    cb9 = jnp.concatenate(
        [codebook, jnp.zeros((SUBVEC, K, 1), codebook.dtype)], axis=-1)
    qout = _quant_gather(idx.reshape(-1), cb9.reshape(-1))
    qt = qout.reshape(2, EMB, B)

    dl, pq = _losses(origin_q_emb, rot_bf, dn_bf, rdnt, qt)
    return (dl.reshape(()), jnp.zeros((), jnp.float32), pq.reshape(()))

# --- scband reference (transcript-rebuilt; emitter-appended) ---
"""Pipeline reference for scband-learnable-vq-12335146074672 (READ-ONLY COPY).

The authoritative reference and input builder live on the scoring server;
editing this copy changes nothing except your own understanding.
"""

import jax, jax.numpy as jnp
import numpy as np

B = 1024
QLEN = 32
DLEN = 128
EMB = 768
SUBVEC = 96
SUBDIM = EMB // SUBVEC
K = 256  # 2 ** subvector_bits
TEMP = 1.0


def setup_inputs(seed: int = 0) -> dict:
    key = jax.random.key(seed)
    ks = jax.random.split(key, 16)
    inp = {}
    inp["query_token_ids"] = jax.random.randint(ks[0], (B, QLEN), 0, 30000, dtype=jnp.int32)
    inp["query_attention_mask"] = jnp.ones((B, QLEN), dtype=jnp.int32)
    inp["doc_token_ids"] = jax.random.randint(ks[1], (B, DLEN), 0, 30000, dtype=jnp.int32)
    inp["doc_attention_mask"] = jnp.ones((B, DLEN), dtype=jnp.int32)
    inp["neg_token_ids"] = jax.random.randint(ks[2], (B, DLEN), 0, 30000, dtype=jnp.int32)
    inp["neg_attention_mask"] = jnp.ones((B, DLEN), dtype=jnp.int32)
    inp["origin_q_emb"] = jax.random.normal(ks[3], (B, EMB), dtype=jnp.float32)
    inp["origin_d_emb"] = jax.random.normal(ks[4], (B, EMB), dtype=jnp.float32)
    inp["origin_n_emb"] = jax.random.normal(ks[5], (B, EMB), dtype=jnp.float32)
    inp["doc_ids"] = jax.random.randint(ks[6], (B,), 0, 1000000, dtype=jnp.int32)
    inp["neg_ids"] = jax.random.randint(ks[7], (B,), 0, 1000000, dtype=jnp.int32)
    # learned PQ parameters (Quantization module): rotation matrix + codebook
    inp["rotate"] = jnp.eye(EMB, dtype=jnp.float32) + 0.01 * jax.random.normal(ks[8], (EMB, EMB), dtype=jnp.float32)
    inp["codebook"] = 0.1 * jax.random.normal(ks[9], (SUBVEC, K, SUBDIM), dtype=jnp.float32)
    return inp


def _rotate_vec(v, rotate):
    return v @ rotate.T


def _code_selection(v, codebook):
    vv = v.reshape(v.shape[0], SUBVEC, SUBDIM)
    # squared L2 distance to every code, expanded form (same math as (v-c)^2 sum)
    v_sq = jnp.sum(vv * vv, axis=-1, keepdims=True)            # [B, SUBVEC, 1]
    c_sq = jnp.sum(codebook * codebook, axis=-1)[None, :, :]    # [1, SUBVEC, K]
    cross = jnp.einsum('bnd,nkd->bnk', vv, codebook)            # [B, SUBVEC, K]
    dist = v_sq - 2.0 * cross + c_sq
    return jax.nn.softmax(-dist, axis=-1)


def _st_estimator(assign):
    idx = jnp.argmax(assign, axis=-1)
    hard = jax.nn.one_hot(idx, K, dtype=assign.dtype)
    return jax.lax.stop_gradient(hard - assign) + assign


def _quantization(v, codebook):
    assign = _st_estimator(_code_selection(v, codebook))
    q = jnp.einsum('bnk,nkd->bnd', assign, codebook)
    return q.reshape(v.shape[0], -1)


def _compute_score(q, d, n):
    score = jnp.matmul(q, d.T)
    n_score = jnp.matmul(q, n.T)
    return jnp.concatenate([score, n_score], axis=-1) / TEMP


def _distill_loss(teacher_score, student_score):
    preds_smax = jax.nn.softmax(student_score, axis=1) + 1e-06
    true_smax = jax.nn.softmax(teacher_score, axis=1)
    preds_log = jnp.log(preds_smax)
    return jnp.mean(-jnp.sum(true_smax * preds_log, axis=1))


def reference(query_token_ids, query_attention_mask, doc_token_ids, doc_attention_mask, neg_token_ids, neg_attention_mask, origin_q_emb, origin_d_emb, origin_n_emb, doc_ids, neg_ids, rotate, codebook):
    # fix_emb='query_doc' path: use precomputed embeddings for query, doc, neg (no encoder)
    query_vecs = origin_q_emb
    rotate_query_vecs = _rotate_vec(query_vecs, rotate)
    doc_vecs, neg_vecs = origin_d_emb, origin_n_emb
    rotate_doc_vecs = _rotate_vec(doc_vecs, rotate)
    rotate_neg_vecs = _rotate_vec(neg_vecs, rotate)
    # ivf is None (built from config, not faiss index)
    quantized_doc = _quantization(rotate_doc_vecs, codebook)
    quantized_neg = _quantization(rotate_neg_vecs, codebook)
    origin_score = _compute_score(origin_q_emb, origin_d_emb, origin_n_emb)
    dense_score = _compute_score(rotate_query_vecs, rotate_doc_vecs, rotate_neg_vecs)
    pq_score = _compute_score(rotate_query_vecs, quantized_doc, quantized_neg)
    # loss_method='distill'; ivf_score is None -> ivf_loss = 0.0
    dense_loss = _distill_loss(origin_score, dense_score)
    ivf_loss = jnp.asarray(0.0, dtype=jnp.float32)
    pq_loss = _distill_loss(origin_score, pq_score)
    return (dense_loss, ivf_loss, pq_loss)

if __name__ == "__main__":
    import jax
    _d = setup_inputs()
    print(jax.jit(kernel)(*tuple(_d.values())))

</pallas_src>

<mosaic_0001>
#map = affine_map<(d0, d1) -> (0)>
#map1 = affine_map<(d0, d1) -> (0, 0)>
module attributes {stable_mosaic.version = 14 : i64} {
  func.func @k(%arg0: i32, %arg1: i32, %arg2: memref<196608xi32, #tpu.memory_space<hbm>>, %arg3: memref<221184xf32, #tpu.memory_space<hbm>>, %arg4: memref<1536x1024xf32, #tpu.memory_space<hbm>>, %arg5: memref<6144xi32, #tpu.memory_space<vmem>>, %arg6: memref<6912xf32, #tpu.memory_space<vmem>>, %arg7: memref<48x1024xf32, #tpu.memory_space<vmem>>) attributes {dimension_semantics = [#tpu.dimension_semantics<core_parallel>, #tpu.dimension_semantics<subcore_parallel>], iteration_bounds = array<i64: 2, 16>, scalar_prefetch = 0 : i64, scratch_operands = 3 : i64, tpu.core_type = #tpu.core_type<sc_vector_subcore>, window_params = [{transform_indices = #map}, {transform_indices = #map}, {transform_indices = #map1}]} {
    %mul3A = arith.constant 16 : i32
    %mul3A_0 = arith.muli %arg0, %mul3A : i32
    %add3A = arith.addi %mul3A_0, %arg1 : i32
    %mul3A_1 = arith.constant 3 : i32
    %mul3A_2 = arith.muli %add3A, %mul3A_1 : i32
    %add3A_3 = arith.constant 0 : i32
    %add3A_4 = arith.addi %add3A_3, %mul3A_2 : i32
    %mul3A_5 = arith.constant 1024 : i32
    %mul3A_6 = arith.muli %add3A_4, %mul3A_5 : i32
    "tpu.region"() ({
      %run_scoped3A = tpu.sem_alloc : memref<!tpu.dma_semaphore, #tpu.memory_space<semaphore_mem>>
      %dma_start3A = arith.constant 0 : i32
      %dma_start3A_26 = tpu.memref_slice %arg5[%dma_start3A] : memref<6144xi32, #tpu.memory_space<vmem>> -> memref<3072xi32, #tpu.memory_space<vmem>>
      %dma_start3A_27 = tpu.memref_slice %arg2[%mul3A_6] : memref<196608xi32, #tpu.memory_space<hbm>> -> memref<3072xi32, #tpu.memory_space<hbm>>
      %dma_start3A_28 = arith.constant 0 : i32
      %dma_start3A_29 = tpu.memref_slice %arg5[%dma_start3A_28] : memref<6144xi32, #tpu.memory_space<vmem>> -> memref<3072xi32, #tpu.memory_space<vmem>>
      %dma_start3A_30 = tpu.memref_slice %arg2[%mul3A_6] : memref<196608xi32, #tpu.memory_space<hbm>> -> memref<3072xi32, #tpu.memory_space<hbm>>
      tpu.enqueue_dma source(%dma_start3A_30 : memref<3072xi32, #tpu.memory_space<hbm>>) target(%dma_start3A_29 : memref<3072xi32, #tpu.memory_space<vmem>>) target_semaphore(%run_scoped3A : memref<!tpu.dma_semaphore, #tpu.memory_space<semaphore_mem>>)
      %dma_wait3A = arith.constant 0 : i32
      %dma_wait3A_31 = tpu.memref_slice %arg5[%dma_wait3A] : memref<6144xi32, #tpu.memory_space<vmem>> -> memref<3072xi32, #tpu.memory_space<vmem>>
      %dma_wait3A_32 = tpu.memref_slice %arg2[%mul3A_6] : memref<196608xi32, #tpu.memory_space<hbm>> -> memref<3072xi32, #tpu.memory_space<hbm>>
      %dma_wait3A_33 = arith.constant 0 : i32
      %dma_wait3A_34 = tpu.memref_slice %arg5[%dma_wait3A_33] : memref<6144xi32, #tpu.memory_space<vmem>> -> memref<3072xi32, #tpu.memory_space<vmem>>
      %dma_wait3A_35 = tpu.memref_slice %arg2[%mul3A_6] : memref<196608xi32, #tpu.memory_space<hbm>> -> memref<3072xi32, #tpu.memory_space<hbm>>
      tpu.wait_dma2 semaphore(%run_scoped3A : memref<!tpu.dma_semaphore, #tpu.memory_space<semaphore_mem>>) src(%dma_wait3A_35 : memref<3072xi32, #tpu.memory_space<hbm>>) dst(%dma_wait3A_34 : memref<3072xi32, #tpu.memory_space<vmem>>)
      tpu.yield
    }) : () -> ()
    %add3A_7 = arith.constant 96 : i32
    %add3A_8 = arith.addi %add3A_7, %mul3A_2 : i32
    %mul3A_9 = arith.constant 1024 : i32
    %mul3A_10 = arith.muli %add3A_8, %mul3A_9 : i32
    "tpu.region"() ({
      %run_scoped3A = tpu.sem_alloc : memref<!tpu.dma_semaphore, #tpu.memory_space<semaphore_mem>>
      %dma_start3A = arith.constant 3072 : i32
      %dma_start3A_26 = tpu.memref_slice %arg5[%dma_start3A] : memref<6144xi32, #tpu.memory_space<vmem>> -> memref<3072xi32, #tpu.memory_space<vmem>>
      %dma_start3A_27 = tpu.memref_slice %arg2[%mul3A_10] : memref<196608xi32, #tpu.memory_space<hbm>> -> memref<3072xi32, #tpu.memory_space<hbm>>
      %dma_start3A_28 = arith.constant 3072 : i32
      %dma_start3A_29 = tpu.memref_slice %arg5[%dma_start3A_28] : memref<6144xi32, #tpu.memory_space<vmem>> -> memref<3072xi32, #tpu.memory_space<vmem>>
      %dma_start3A_30 = tpu.memref_slice %arg2[%mul3A_10] : memref<196608xi32, #tpu.memory_space<hbm>> -> memref<3072xi32, #tpu.memory_space<hbm>>
      tpu.enqueue_dma source(%dma_start3A_30 : memref<3072xi32, #tpu.memory_space<hbm>>) target(%dma_start3A_29 : memref<3072xi32, #tpu.memory_space<vmem>>) target_semaphore(%run_scoped3A : memref<!tpu.dma_semaphore, #tpu.memory_space<semaphore_mem>>)
      %dma_wait3A = arith.constant 3072 : i32
      %dma_wait3A_31 = tpu.memref_slice %arg5[%dma_wait3A] : memref<6144xi32, #tpu.memory_space<vmem>> -> memref<3072xi32, #tpu.memory_space<vmem>>
      %dma_wait3A_32 = tpu.memref_slice %arg2[%mul3A_10] : memref<196608xi32, #tpu.memory_space<hbm>> -> memref<3072xi32, #tpu.memory_space<hbm>>
      %dma_wait3A_33 = arith.constant 3072 : i32
      %dma_wait3A_34 = tpu.memref_slice %arg5[%dma_wait3A_33] : memref<6144xi32, #tpu.memory_space<vmem>> -> memref<3072xi32, #tpu.memory_space<vmem>>
      %dma_wait3A_35 = tpu.memref_slice %arg2[%mul3A_10] : memref<196608xi32, #tpu.memory_space<hbm>> -> memref<3072xi32, #tpu.memory_space<hbm>>
      tpu.wait_dma2 semaphore(%run_scoped3A : memref<!tpu.dma_semaphore, #tpu.memory_space<semaphore_mem>>) src(%dma_wait3A_35 : memref<3072xi32, #tpu.memory_space<hbm>>) dst(%dma_wait3A_34 : memref<3072xi32, #tpu.memory_space<vmem>>)
      tpu.yield
    }) : () -> ()
    %mul3A_11 = arith.constant 2304 : i32
    %mul3A_12 = arith.muli %mul3A_2, %mul3A_11 : i32
    "tpu.region"() ({
      %run_scoped3A = tpu.sem_alloc : memref<!tpu.dma_semaphore, #tpu.memory_space<semaphore_mem>>
      %dma_start3A = tpu.memref_slice %arg3[%mul3A_12] : memref<221184xf32, #tpu.memory_space<hbm>> -> memref<6912xf32, #tpu.memory_space<hbm>>
      %dma_start3A_26 = tpu.memref_slice %arg3[%mul3A_12] : memref<221184xf32, #tpu.memory_space<hbm>> -> memref<6912xf32, #tpu.memory_space<hbm>>
      tpu.enqueue_dma source(%dma_start3A_26 : memref<6912xf32, #tpu.memory_space<hbm>>) target(%arg6 : memref<6912xf32, #tpu.memory_space<vmem>>) target_semaphore(%run_scoped3A : memref<!tpu.dma_semaphore, #tpu.memory_space<semaphore_mem>>)
      %dma_wait3A = tpu.memref_slice %arg3[%mul3A_12] : memref<221184xf32, #tpu.memory_space<hbm>> -> memref<6912xf32, #tpu.memory_space<hbm>>
      %dma_wait3A_27 = tpu.memref_slice %arg3[%mul3A_12] : memref<221184xf32, #tpu.memory_space<hbm>> -> memref<6912xf32, #tpu.memory_space<hbm>>
      tpu.wait_dma2 semaphore(%run_scoped3A : memref<!tpu.dma_semaphore, #tpu.memory_space<semaphore_mem>>) src(%dma_wait3A_27 : memref<6912xf32, #tpu.memory_space<hbm>>) dst(%arg6 : memref<6912xf32, #tpu.memory_space<vmem>>)
      tpu.yield
    }) : () -> ()
    %scan3A = arith.constant 0 : i32
    %scan3A_13 = arith.constant 0 : i32
    %scan3A_14 = arith.constant 64 : i32
    %scan3A_15 = arith.addi %scan3A_13, %scan3A_14 : i32
    %scan3A_16 = arith.constant 1 : i32
    scf.for %scan3A_26 = %scan3A_13 to %scan3A_15 step %scan3A_16  : i32 {
      %mul3A_27 = arith.constant 16 : i32
      %mul3A_28 = arith.muli %scan3A_26, %mul3A_27 : i32
      %add3A_29 = arith.constant 0 : i32
      %add3A_30 = arith.addi %add3A_29, %mul3A_28 : i32
      %get3A = arith.index_cast %add3A_30 : i32 to index
      %get3A_31 = tpu.vector_load %arg5[%get3A] {strides = array<i32>} : memref<6144xi32, #tpu.memory_space<vmem>>, vector<16xi32>,
      %mul3A_32 = arith.constant 9 : i32
      %mul3A_33 = vector.broadcast %mul3A_32 : i32 to vector<16xi32>
      %mul3A_34 = arith.muli %get3A_31, %mul3A_33 : vector<16xi32>
      %add3A_35 = arith.constant 0 : i32
      %add3A_36 = vector.broadcast %add3A_35 : i32 to vector<16xi32>
      %add3A_37 = arith.addi %mul3A_34, %add3A_36 : vector<16xi32>
      %add3A_38 = arith.constant 0 : i32
      %add3A_39 = vector.broadcast %add3A_38 : i32 to vector<16xi32>
      %add3A_40 = arith.addi %add3A_37, %add3A_39 : vector<16xi32>
      %gather3A = tpu.vector_load_idx %arg6[%add3A_40] : memref<6912xf32, #tpu.memory_space<vmem>>[vector<16xi32>], vector<16xf32>,
      %swap3A = arith.constant 0 : i32
      %swap3A_41 = arith.index_cast %swap3A : i32 to index
      %swap3A_42 = arith.index_cast %mul3A_28 : i32 to index
      %swap3A_43 = tpu.vector_load %arg7[%swap3A_41, %swap3A_42] {strides = array<i32>} : memref<48x1024xf32, #tpu.memory_space<vmem>>, vector<16xf32>,
      tpu.vector_store %arg7[%swap3A_41, %swap3A_42], %gather3A {strides = array<i32>} : memref<48x1024xf32, #tpu.memory_space<vmem>>, vector<16xf32>,
      %add3A_44 = arith.constant 1 : i32
      %add3A_45 = vector.broadcast %add3A_44 : i32 to vector<16xi32>
      %add3A_46 = arith.addi %add3A_37, %add3A_45 : vector<16xi32>
      %gather3A_47 = tpu.vector_load_idx %arg6[%add3A_46] : memref<6912xf32, #tpu.memory_space<vmem>>[vector<16xi32>], vector<16xf32>,
      %swap3A_48 = arith.constant 1 : i32
      %swap3A_49 = arith.index_cast %swap3A_48 : i32 to index
      %swap3A_50 = arith.index_cast %mul3A_28 : i32 to index
      %swap3A_51 = tpu.vector_load %arg7[%swap3A_49, %swap3A_50] {strides = array<i32>} : memref<48x1024xf32, #tpu.memory_space<vmem>>, vector<16xf32>,
      tpu.vector_store %arg7[%swap3A_49, %swap3A_50], %gather3A_47 {strides = array<i32>} : memref<48x1024xf32, #tpu.memory_space<vmem>>, vector<16xf32>,
      %add3A_52 = arith.constant 2 : i32
      %add3A_53 = vector.broadcast %add3A_52 : i32 to vector<16xi32>
      %add3A_54 = arith.addi %add3A_37, %add3A_53 : vector<16xi32>
      %gather3A_55 = tpu.vector_load_idx %arg6[%add3A_54] : memref<6912xf32, #tpu.memory_space<vmem>>[vector<16xi32>], vector<16xf32>,
      %swap3A_56 = arith.constant 2 : i32
      %swap3A_57 = arith.index_cast %swap3A_56 : i32 to index
      %swap3A_58 = arith.index_cast %mul3A_28 : i32 to index
      %swap3A_59 = tpu.vector_load %arg7[%swap3A_57, %swap3A_58] {strides = array<i32>} : memref<48x1024xf32, #tpu.memory_space<vmem>>, vector<16xf32>,
      tpu.vector_store %arg7[%swap3A_57, %swap3A_58], %gather3A_55 {strides = array<i32>} : memref<48x1024xf32, #tpu.memory_space<vmem>>, vector<16xf32>,
      %add3A_60 = arith.constant 3 : i32
      %add3A_61 = vector.broadcast %add3A_60 : i32 to vector<16xi32>
      %add3A_62 = arith.addi %add3A_37, %add3A_61 : vector<16xi32>
      %gather3A_63 = tpu.vector_load_idx %arg6[%add3A_62] : memref<6912xf32, #tpu.memory_space<vmem>>[vector<16xi32>], vector<16xf32>,
      %swap3A_64 = arith.constant 3 : i32
      %swap3A_65 = arith.index_cast %swap3A_64 : i32 to index
      %swap3A_66 = arith.index_cast %mul3A_28 : i32 to index
      %swap3A_67 = tpu.vector_load %arg7[%swap3A_65, %swap3A_66] {strides = array<i32>} : memref<48x1024xf32, #tpu.memory_space<vmem>>, vector<16xf32>,
      tpu.vector_store %arg7[%swap3A_65, %swap3A_66], %gather3A_63 {strides = array<i32>} : memref<48x1024xf32, #tpu.memory_space<vmem>>, vector<16xf32>,
      %add3A_68 = arith.constant 4 : i32
      %add3A_69 = vector.broadcast %add3A_68 : i32 to vector<16xi32>
      %add3A_70 = arith.addi %add3A_37, %add3A_69 : vector<16xi32>
      %gather3A_71 = tpu.vector_load_idx %arg6[%add3A_70] : memref<6912xf32, #tpu.memory_space<vmem>>[vector<16xi32>], vector<16xf32>,
      %swap3A_72 = arith.constant 4 : i32
      %swap3A_73 = arith.index_cast %swap3A_72 : i32 to index
      %swap3A_74 = arith.index_cast %mul3A_28 : i32 to index
      %swap3A_75 = tpu.vector_load %arg7[%swap3A_73, %swap3A_74] {strides = array<i32>} : memref<48x1024xf32, #tpu.memory_space<vmem>>, vector<16xf32>,
      tpu.vector_store %arg7[%swap3A_73, %swap3A_74], %gather3A_71 {strides = array<i32>} : memref<48x1024xf32, #tpu.memory_space<vmem>>, vector<16xf32>,
      %add3A_76 = arith.constant 5 : i32
      %add3A_77 = vector.broadcast %add3A_76 : i32 to vector<16xi32>
      %add3A_78 = arith.addi %add3A_37, %add3A_77 : vector<16xi32>
      %gather3A_79 = tpu.vector_load_idx %arg6[%add3A_78] : memref<6912xf32, #tpu.memory_space<vmem>>[vector<16xi32>], vector<16xf32>,
      %swap3A_80 = arith.constant 5 : i32
      %swap3A_81 = arith.index_cast %swap3A_80 : i32 to index
      %swap3A_82 = arith.index_cast %mul3A_28 : i32 to index
      %swap3A_83 = tpu.vector_load %arg7[%swap3A_81, %swap3A_82] {strides = array<i32>} : memref<48x1024xf32, #tpu.memory_space<vmem>>, vector<16xf32>,
      tpu.vector_store %arg7[%swap3A_81, %swap3A_82], %gather3A_79 {strides = array<i32>} : memref<48x1024xf32, #tpu.memory_space<vmem>>, vector<16xf32>,
      %add3A_84 = arith.constant 6 : i32
      %add3A_85 = vector.broadcast %add3A_84 : i32 to vector<16xi32>
      %add3A_86 = arith.addi %add3A_37, %add3A_85 : vector<16xi32>
      %gather3A_87 = tpu.vector_load_idx %arg6[%add3A_86] : memref<6912xf32, #tpu.memory_space<vmem>>[vector<16xi32>], vector<16xf32>,
      %swap3A_88 = arith.constant 6 : i32
      %swap3A_89 = arith.index_cast %swap3A_88 : i32 to index
      %swap3A_90 = arith.index_cast %mul3A_28 : i32 to index
      %swap3A_91 = tpu.vector_load %arg7[%swap3A_89, %swap3A_90] {strides = array<i32>} : memref<48x1024xf32, #tpu.memory_space<vmem>>, vector<16xf32>,
      tpu.vector_store %arg7[%swap3A_89, %swap3A_90], %gather3A_87 {strides = array<i32>} : memref<48x1024xf32, #tpu.memory_space<vmem>>, vector<16xf32>,
      %add3A_92 = arith.constant 7 : i32
      %add3A_93 = vector.broadcast %add3A_92 : i32 to vector<16xi32>
      %add3A_94 = arith.addi %add3A_37, %add3A_93 : vector<16xi32>
      %gather3A_95 = tpu.vector_load_idx %arg6[%add3A_94] : memref<6912xf32, #tpu.memory_space<vmem>>[vector<16xi32>], vector<16xf32>,
      %swap3A_96 = arith.constant 7 : i32
      %swap3A_97 = arith.index_cast %swap3A_96 : i32 to index
      %swap3A_98 = arith.index_cast %mul3A_28 : i32 to index
      %swap3A_99 = tpu.vector_load %arg7[%swap3A_97, %swap3A_98] {strides = array<i32>} : memref<48x1024xf32, #tpu.memory_space<vmem>>, vector<16xf32>,
      tpu.vector_store %arg7[%swap3A_97, %swap3A_98], %gather3A_95 {strides = array<i32>} : memref<48x1024xf32, #tpu.memory_space<vmem>>, vector<16xf32>,
      %add3A_100 = arith.constant 1024 : i32
      %add3A_101 = arith.addi %add3A_100, %mul3A_28 : i32
      %get3A_102 = arith.index_cast %add3A_101 : i32 to index
      %get3A_103 = tpu.vector_load %arg5[%get3A_102] {strides = array<i32>} : memref<6144xi32, #tpu.memory_space<vmem>>, vector<16xi32>,
      %mul3A_104 = arith.constant 9 : i32
      %mul3A_105 = vector.broadcast %mul3A_104 : i32 to vector<16xi32>
      %mul3A_106 = arith.muli %get3A_103, %mul3A_105 : vector<16xi32>
      %add3A_107 = arith.constant 2304 : i32
      %add3A_108 = vector.broadcast %add3A_107 : i32 to vector<16xi32>
      %add3A_109 = arith.addi %mul3A_106, %add3A_108 : vector<16xi32>
      %add3A_110 = arith.constant 0 : i32
      %add3A_111 = vector.broadcast %add3A_110 : i32 to vector<16xi32>
      %add3A_112 = arith.addi %add3A_109, %add3A_111 : vector<16xi32>
      %gather3A_113 = tpu.vector_load_idx %arg6[%add3A_112] : memref<6912xf32, #tpu.memory_space<vmem>>[vector<16xi32>], vector<16xf32>,
      %swap3A_114 = arith.constant 8 : i32
      %swap3A_115 = arith.index_cast %swap3A_114 : i32 to index
      %swap3A_116 = arith.index_cast %mul3A_28 : i32 to index
      %swap3A_117 = tpu.vector_load %arg7[%swap3A_115, %swap3A_116] {strides = array<i32>} : memref<48x1024xf32, #tpu.memory_space<vmem>>, vector<16xf32>,
      tpu.vector_store %arg7[%swap3A_115, %swap3A_116], %gather3A_113 {strides = array<i32>} : memref<48x1024xf32, #tpu.memory_space<vmem>>, vector<16xf32>,
      %add3A_118 = arith.constant 1 : i32
      %add3A_119 = vector.broadcast %add3A_118 : i32 to vector<16xi32>
      %add3A_120 = arith.addi %add3A_109, %add3A_119 : vector<16xi32>
      %gather3A_121 = tpu.vector_load_idx %arg6[%add3A_120] : memref<6912xf32, #tpu.memory_space<vmem>>[vector<16xi32>], vector<16xf32>,
      %swap3A_122 = arith.constant 9 : i32
      %swap3A_123 = arith.index_cast %swap3A_122 : i32 to index
      %swap3A_124 = arith.index_cast %mul3A_28 : i32 to index
      %swap3A_125 = tpu.vector_load %arg7[%swap3A_123, %swap3A_124] {strides = array<i32>} : memref<48x1024xf32, #tpu.memory_space<vmem>>, vector<16xf32>,
      tpu.vector_store %arg7[%swap3A_123, %swap3A_124], %gather3A_121 {strides = array<i32>} : memref<48x1024xf32, #tpu.memory_space<vmem>>, vector<16xf32>,
      %add3A_126 = arith.constant 2 : i32
      %add3A_127 = vector.broadcast %add3A_126 : i32 to vector<16xi32>
      %add3A_128 = arith.addi %add3A_109, %add3A_127 : vector<16xi32>
      %gather3A_129 = tpu.vector_load_idx %arg6[%add3A_128] : memref<6912xf32, #tpu.memory_space<vmem>>[vector<16xi32>], vector<16xf32>,
      %swap3A_130 = arith.constant 10 : i32
      %swap3A_131 = arith.index_cast %swap3A_130 : i32 to index
      %swap3A_132 = arith.index_cast %mul3A_28 : i32 to index
      %swap3A_133 = tpu.vector_load %arg7[%swap3A_131, %swap3A_132] {strides = array<i32>} : memref<48x1024xf32, #tpu.memory_space<vmem>>, vector<16xf32>,
      tpu.vector_store %arg7[%swap3A_131, %swap3A_132], %gather3A_129 {strides = array<i32>} : memref<48x1024xf32, #tpu.memory_space<vmem>>, vector<16xf32>,
      %add3A_134 = arith.constant 3 : i32
      %add3A_135 = vector.broadcast %add3A_134 : i32 to vector<16xi32>
      %add3A_136 = arith.addi %add3A_109, %add3A_135 : vector<16xi32>
      %gather3A_137 = tpu.vector_load_idx %arg6[%add3A_136] : memref<6912xf32, #tpu.memory_space<vmem>>[vector<16xi32>], vector<16xf32>,
      %swap3A_138 = arith.constant 11 : i32
      %swap3A_139 = arith.index_cast %swap3A_138 : i32 to index
      %swap3A_140 = arith.index_cast %mul3A_28 : i32 to index
      %swap3A_141 = tpu.vector_load %arg7[%swap3A_139, %swap3A_140] {strides = array<i32>} : memref<48x1024xf32, #tpu.memory_space<vmem>>, vector<16xf32>,
      tpu.vector_store %arg7[%swap3A_139, %swap3A_140], %gather3A_137 {strides = array<i32>} : memref<48x1024xf32, #tpu.memory_space<vmem>>, vector<16xf32>,
      %add3A_142 = arith.constant 4 : i32
      %add3A_143 = vector.broadcast %add3A_142 : i32 to vector<16xi32>
      %add3A_144 = arith.addi %add3A_109, %add3A_143 : vector<16xi32>
      %gather3A_145 = tpu.vector_load_idx %arg6[%add3A_144] : memref<6912xf32, #tpu.memory_space<vmem>>[vector<16xi32>], vector<16xf32>,
      %swap3A_146 = arith.constant 12 : i32
      %swap3A_147 = arith.index_cast %swap3A_146 : i32 to index
      %swap3A_148 = arith.index_cast %mul3A_28 : i32 to index
      %swap3A_149 = tpu.vector_load %arg7[%swap3A_147, %swap3A_148] {strides = array<i32>} : memref<48x1024xf32, #tpu.memory_space<vmem>>, vector<16xf32>,
      tpu.vector_store %arg7[%swap3A_147, %swap3A_148], %gather3A_145 {strides = array<i32>} : memref<48x1024xf32, #tpu.memory_space<vmem>>, vector<16xf32>,
      %add3A_150 = arith.constant 5 : i32
      %add3A_151 = vector.broadcast %add3A_150 : i32 to vector<16xi32>
      %add3A_152 = arith.addi %add3A_109, %add3A_151 : vector<16xi32>
      %gather3A_153 = tpu.vector_load_idx %arg6[%add3A_152] : memref<6912xf32, #tpu.memory_space<vmem>>[vector<16xi32>], vector<16xf32>,
      %swap3A_154 = arith.constant 13 : i32
      %swap3A_155 = arith.index_cast %swap3A_154 : i32 to index
      %swap3A_156 = arith.index_cast %mul3A_28 : i32 to index
      %swap3A_157 = tpu.vector_load %arg7[%swap3A_155, %swap3A_156] {strides = array<i32>} : memref<48x1024xf32, #tpu.memory_space<vmem>>, vector<16xf32>,
      tpu.vector_store %arg7[%swap3A_155, %swap3A_156], %gather3A_153 {strides = array<i32>} : memref<48x1024xf32, #tpu.memory_space<vmem>>, vector<16xf32>,
      %add3A_158 = arith.constant 6 : i32
      %add3A_159 = vector.broadcast %add3A_158 : i32 to vector<16xi32>
      %add3A_160 = arith.addi %add3A_109, %add3A_159 : vector<16xi32>
      %gather3A_161 = tpu.vector_load_idx %arg6[%add3A_160] : memref<6912xf32, #tpu.memory_space<vmem>>[vector<16xi32>], vector<16xf32>,
      %swap3A_162 = arith.constant 14 : i32
      %swap3A_163 = arith.index_cast %swap3A_162 : i32 to index
      %swap3A_164 = arith.index_cast %mul3A_28 : i32 to index
      %swap3A_165 = tpu.vector_load %arg7[%swap3A_163, %swap3A_164] {strides = array<i32>} : memref<48x1024xf32, #tpu.memory_space<vmem>>, vector<16xf32>,
      tpu.vector_store %arg7[%swap3A_163, %swap3A_164], %gather3A_161 {strides = array<i32>} : memref<48x1024xf32, #tpu.memory_space<vmem>>, vector<16xf32>,
      %add3A_166 = arith.constant 7 : i32
      %add3A_167 = vector.broadcast %add3A_166 : i32 to vector<16xi32>
      %add3A_168 = arith.addi %add3A_109, %add3A_167 : vector<16xi32>
      %gather3A_169 = tpu.vector_load_idx %arg6[%add3A_168] : memref<6912xf32, #tpu.memory_space<vmem>>[vector<16xi32>], vector<16xf32>,
      %swap3A_170 = arith.constant 15 : i32
      %swap3A_171 = arith.index_cast %swap3A_170 : i32 to index
      %swap3A_172 = arith.index_cast %mul3A_28 : i32 to index
      %swap3A_173 = tpu.vector_load %arg7[%swap3A_171, %swap3A_172] {strides = array<i32>} : memref<48x1024xf32, #tpu.memory_space<vmem>>, vector<16xf32>,
      tpu.vector_store %arg7[%swap3A_171, %swap3A_172], %gather3A_169 {strides = array<i32>} : memref<48x1024xf32, #tpu.memory_space<vmem>>, vector<16xf32>,
      %add3A_174 = arith.constant 2048 : i32
      %add3A_175 = arith.addi %add3A_174, %mul3A_28 : i32
      %get3A_176 = arith.index_cast %add3A_175 : i32 to index
      %get3A_177 = tpu.vector_load %arg5[%get3A_176] {strides = array<i32>} : memref<6144xi32, #tpu.memory_space<vmem>>, vector<16xi32>,
      %mul3A_178 = arith.constant 9 : i32
      %mul3A_179 = vector.broadcast %mul3A_178 : i32 to vector<16xi32>
      %mul3A_180 = arith.muli %get3A_177, %mul3A_179 : vector<16xi32>
      %add3A_181 = arith.constant 4608 : i32
      %add3A_182 = vector.broadcast %add3A_181 : i32 to vector<16xi32>
      %add3A_183 = arith.addi %mul3A_180, %add3A_182 : vector<16xi32>
      %add3A_184 = arith.constant 0 : i32
      %add3A_185 = vector.broadcast %add3A_184 : i32 to vector<16xi32>
      %add3A_186 = arith.addi %add3A_183, %add3A_185 : vector<16xi32>
      %gather3A_187 = tpu.vector_load_idx %arg6[%add3A_186] : memref<6912xf32, #tpu.memory_space<vmem>>[vector<16xi32>], vector<16xf32>,
      %swap3A_188 = arith.constant 16 : i32
      %swap3A_189 = arith.index_cast %swap3A_188 : i32 to index
      %swap3A_190 = arith.index_cast %mul3A_28 : i32 to index
      %swap3A_191 = tpu.vector_load %arg7[%swap3A_189, %swap3A_190] {strides = array<i32>} : memref<48x1024xf32, #tpu.memory_space<vmem>>, vector<16xf32>,
      tpu.vector_store %arg7[%swap3A_189, %swap3A_190], %gather3A_187 {strides = array<i32>} : memref<48x1024xf32, #tpu.memory_space<vmem>>, vector<16xf32>,
      %add3A_192 = arith.constant 1 : i32
      %add3A_193 = vector.broadcast %add3A_192 : i32 to vector<16xi32>
      %add3A_194 = arith.addi %add3A_183, %add3A_193 : vector<16xi32>
      %gather3A_195 = tpu.vector_load_idx %arg6[%add3A_194] : memref<6912xf32, #tpu.memory_space<vmem>>[vector<16xi32>], vector<16xf32>,
      %swap3A_196 = arith.constant 17 : i32
      %swap3A_197 = arith.index_cast %swap3A_196 : i32 to index
      %swap3A_198 = arith.index_cast %mul3A_28 : i32 to index
      %swap3A_199 = tpu.vector_load %arg7[%swap3A_197, %swap3A_198] {strides = array<i32>} : memref<48x1024xf32, #tpu.memory_space<vmem>>, vector<16xf32>,
      tpu.vector_store %arg7[%swap3A_197, %swap3A_198], %gather3A_195 {strides = array<i32>} : memref<48x1024xf32, #tpu.memory_space<vmem>>, vector<16xf32>,
      %add3A_200 = arith.constant 2 : i32
      %add3A_201 = vector.broadcast %add3A_200 : i32 to vector<16xi32>
      %add3A_202 = arith.addi %add3A_183, %add3A_201 : vector<16xi32>
      %gather3A_203 = tpu.vector_load_idx %arg6[%add3A_202] : memref<6912xf32, #tpu.memory_space<vmem>>[vector<16xi32>], vector<16xf32>,
      %swap3A_204 = arith.constant 18 : i32
      %swap3A_205 = arith.index_cast %swap3A_204 : i32 to index
      %swap3A_206 = arith.index_cast %mul3A_28 : i32 to index
      %swap3A_207 = tpu.vector_load %arg7[%swap3A_205, %swap3A_206] {strides = array<i32>} : memref<48x1024xf32, #tpu.memory_space<vmem>>, vector<16xf32>,
      tpu.vector_store %arg7[%swap3A_205, %swap3A_206], %gather3A_203 {strides = array<i32>} : memref<48x1024xf32, #tpu.memory_space<vmem>>, vector<16xf32>,
      %add3A_208 = arith.constant 3 : i32
      %add3A_209 = vector.broadcast %add3A_208 : i32 to vector<16xi32>
      %add3A_210 = arith.addi %add3A_183, %add3A_209 : vector<16xi32>
      %gather3A_211 = tpu.vector_load_idx %arg6[%add3A_210] : memref<6912xf32, #tpu.memory_space<vmem>>[vector<16xi32>], vector<16xf32>,
      %swap3A_212 = arith.constant 19 : i32
      %swap3A_213 = arith.index_cast %swap3A_212 : i32 to index
      %swap3A_214 = arith.index_cast %mul3A_28 : i32 to index
      %swap3A_215 = tpu.vector_load %arg7[%swap3A_213, %swap3A_214] {strides = array<i32>} : memref<48x1024xf32, #tpu.memory_space<vmem>>, vector<16xf32>,
      tpu.vector_store %arg7[%swap3A_213, %swap3A_214], %gather3A_211 {strides = array<i32>} : memref<48x1024xf32, #tpu.memory_space<vmem>>, vector<16xf32>,
      %add3A_216 = arith.constant 4 : i32
      %add3A_217 = vector.broadcast %add3A_216 : i32 to vector<16xi32>
      %add3A_218 = arith.addi %add3A_183, %add3A_217 : vector<16xi32>
      %gather3A_219 = tpu.vector_load_idx %arg6[%add3A_218] : memref<6912xf32, #tpu.memory_space<vmem>>[vector<16xi32>], vector<16xf32>,
      %swap3A_220 = arith.constant 20 : i32
      %swap3A_221 = arith.index_cast %swap3A_220 : i32 to index
      %swap3A_222 = arith.index_cast %mul3A_28 : i32 to index
      %swap3A_223 = tpu.vector_load %arg7[%swap3A_221, %swap3A_222] {strides = array<i32>} : memref<48x1024xf32, #tpu.memory_space<vmem>>, vector<16xf32>,
      tpu.vector_store %arg7[%swap3A_221, %swap3A_222], %gather3A_219 {strides = array<i32>} : memref<48x1024xf32, #tpu.memory_space<vmem>>, vector<16xf32>,
      %add3A_224 = arith.constant 5 : i32
      %add3A_225 = vector.broadcast %add3A_224 : i32 to vector<16xi32>
      %add3A_226 = arith.addi %add3A_183, %add3A_225 : vector<16xi32>
      %gather3A_227 = tpu.vector_load_idx %arg6[%add3A_226] : memref<6912xf32, #tpu.memory_space<vmem>>[vector<16xi32>], vector<16xf32>,
      %swap3A_228 = arith.constant 21 : i32
      %swap3A_229 = arith.index_cast %swap3A_228 : i32 to index
      %swap3A_230 = arith.index_cast %mul3A_28 : i32 to index
      %swap3A_231 = tpu.vector_load %arg7[%swap3A_229, %swap3A_230] {strides = array<i32>} : memref<48x1024xf32, #tpu.memory_space<vmem>>, vector<16xf32>,
      tpu.vector_store %arg7[%swap3A_229, %swap3A_230], %gather3A_227 {strides = array<i32>} : memref<48x1024xf32, #tpu.memory_space<vmem>>, vector<16xf32>,
      %add3A_232 = arith.constant 6 : i32
      %add3A_233 = vector.broadcast %add3A_232 : i32 to vector<16xi32>
      %add3A_234 = arith.addi %add3A_183, %add3A_233 : vector<16xi32>
      %gather3A_235 = tpu.vector_load_idx %arg6[%add3A_234] : memref<6912xf32, #tpu.memory_space<vmem>>[vector<16xi32>], vector<16xf32>,
      %swap3A_236 = arith.constant 22 : i32
      %swap3A_237 = arith.index_cast %swap3A_236 : i32 to index
      %swap3A_238 = arith.index_cast %mul3A_28 : i32 to index
      %swap3A_239 = tpu.vector_load %arg7[%swap3A_237, %swap3A_238] {strides = array<i32>} : memref<48x1024xf32, #tpu.memory_space<vmem>>, vector<16xf32>,
      tpu.vector_store %arg7[%swap3A_237, %swap3A_238], %gather3A_235 {strides = array<i32>} : memref<48x1024xf32, #tpu.memory_space<vmem>>, vector<16xf32>,
      %add3A_240 = arith.constant 7 : i32
      %add3A_241 = vector.broadcast %add3A_240 : i32 to vector<16xi32>
      %add3A_242 = arith.addi %add3A_183, %add3A_241 : vector<16xi32>
      %gather3A_243 = tpu.vector_load_idx %arg6[%add3A_242] : memref<6912xf32, #tpu.memory_space<vmem>>[vector<16xi32>], vector<16xf32>,
      %swap3A_244 = arith.constant 23 : i32
      %swap3A_245 = arith.index_cast %swap3A_244 : i32 to index
      %swap3A_246 = arith.index_cast %mul3A_28 : i32 to index
      %swap3A_247 = tpu.vector_load %arg7[%swap3A_245, %swap3A_246] {strides = array<i32>} : memref<48x1024xf32, #tpu.memory_space<vmem>>, vector<16xf32>,
      tpu.vector_store %arg7[%swap3A_245, %swap3A_246], %gather3A_243 {strides = array<i32>} : memref<48x1024xf32, #tpu.memory_space<vmem>>, vector<16xf32>,
      %add3A_248 = arith.constant 3072 : i32
      %add3A_249 = arith.addi %add3A_248, %mul3A_28 : i32
      %get3A_250 = arith.index_cast %add3A_249 : i32 to index
      %get3A_251 = tpu.vector_load %arg5[%get3A_250] {strides = array<i32>} : memref<6144xi32, #tpu.memory_space<vmem>>, vector<16xi32>,
      %mul3A_252 = arith.constant 9 : i32
      %mul3A_253 = vector.broadcast %mul3A_252 : i32 to vector<16xi32>
      %mul3A_254 = arith.muli %get3A_251, %mul3A_253 : vector<16xi32>
      %add3A_255 = arith.constant 0 : i32
      %add3A_256 = vector.broadcast %add3A_255 : i32 to vector<16xi32>
      %add3A_257 = arith.addi %mul3A_254, %add3A_256 : vector<16xi32>
      %add3A_258 = arith.constant 0 : i32
      %add3A_259 = vector.broadcast %add3A_258 : i32 to vector<16xi32>
      %add3A_260 = arith.addi %add3A_257, %add3A_259 : vector<16xi32>
      %gather3A_261 = tpu.vector_load_idx %arg6[%add3A_260] : memref<6912xf32, #tpu.memory_space<vmem>>[vector<16xi32>], vector<16xf32>,
      %swap3A_262 = arith.constant 24 : i32
      %swap3A_263 = arith.index_cast %swap3A_262 : i32 to index
      %swap3A_264 = arith.index_cast %mul3A_28 : i32 to index
      %swap3A_265 = tpu.vector_load %arg7[%swap3A_263, %swap3A_264] {strides = array<i32>} : memref<48x1024xf32, #tpu.memory_space<vmem>>, vector<16xf32>,
      tpu.vector_store %arg7[%swap3A_263, %swap3A_264], %gather3A_261 {strides = array<i32>} : memref<48x1024xf32, #tpu.memory_space<vmem>>, vector<16xf32>,
      %add3A_266 = arith.constant 1 : i32
      %add3A_267 = vector.broadcast %add3A_266 : i32 to vector<16xi32>
      %add3A_268 = arith.addi %add3A_257, %add3A_267 : vector<16xi32>
      %gather3A_269 = tpu.vector_load_idx %arg6[%add3A_268] : memref<6912xf32, #tpu.memory_space<vmem>>[vector<16xi32>], vector<16xf32>,
      %swap3A_270 = arith.constant 25 : i32
      %swap3A_271 = arith.index_cast %swap3A_270 : i32 to index
      %swap3A_272 = arith.index_cast %mul3A_28 : i32 to index
      %swap3A_273 = tpu.vector_load %arg7[%swap3A_271, %swap3A_272] {strides = array<i32>} : memref<48x1024xf32, #tpu.memory_space<vmem>>, vector<16xf32>,
      tpu.vector_store %arg7[%swap3A_271, %swap3A_272], %gather3A_269 {strides = array<i32>} : memref<48x1024xf32, #tpu.memory_space<vmem>>, vector<16xf32>,
      %add3A_274 = arith.constant 2 : i32
      %add3A_275 = vector.broadcast %add3A_274 : i32 to vector<16xi32>
      %add3A_276 = arith.addi %add3A_257, %add3A_275 : vector<16xi32>
      %gather3A_277 = tpu.vector_load_idx %arg6[%add3A_276] : memref<6912xf32, #tpu.memory_space<vmem>>[vector<16xi32>], vector<16xf32>,
      %swap3A_278 = arith.constant 26 : i32
      %swap3A_279 = arith.index_cast %swap3A_278 : i32 to index
      %swap3A_280 = arith.index_cast %mul3A_28 : i32 to index
      %swap3A_281 = tpu.vector_load %arg7[%swap3A_279, %swap3A_280] {strides = array<i32>} : memref<48x1024xf32, #tpu.memory_space<vmem>>, vector<16xf32>,
      tpu.vector_store %arg7[%swap3A_279, %swap3A_280], %gather3A_277 {strides = array<i32>} : memref<48x1024xf32, #tpu.memory_space<vmem>>, vector<16xf32>,
      %add3A_282 = arith.constant 3 : i32
      %add3A_283 = vector.broadcast %add3A_282 : i32 to vector<16xi32>
      %add3A_284 = arith.addi %add3A_257, %add3A_283 : vector<16xi32>
      %gather3A_285 = tpu.vector_load_idx %arg6[%add3A_284] : memref<6912xf32, #tpu.memory_space<vmem>>[vector<16xi32>], vector<16xf32>,
      %swap3A_286 = arith.constant 27 : i32
      %swap3A_287 = arith.index_cast %swap3A_286 : i32 to index
      %swap3A_288 = arith.index_cast %mul3A_28 : i32 to index
      %swap3A_289 = tpu.vector_load %arg7[%swap3A_287, %swap3A_288] {strides = array<i32>} : memref<48x1024xf32, #tpu.memory_space<vmem>>, vector<16xf32>,
      tpu.vector_store %arg7[%swap3A_287, %swap3A_288], %gather3A_285 {strides = array<i32>} : memref<48x1024xf32, #tpu.memory_space<vmem>>, vector<16xf32>,
      %add3A_290 = arith.constant 4 : i32
      %add3A_291 = vector.broadcast %add3A_290 : i32 to vector<16xi32>
      %add3A_292 = arith.addi %add3A_257, %add3A_291 : vector<16xi32>
      %gather3A_293 = tpu.vector_load_idx %arg6[%add3A_292] : memref<6912xf32, #tpu.memory_space<vmem>>[vector<16xi32>], vector<16xf32>,
      %swap3A_294 = arith.constant 28 : i32
      %swap3A_295 = arith.index_cast %swap3A_294 : i32 to index
      %swap3A_296 = arith.index_cast %mul3A_28 : i32 to index
      %swap3A_297 = tpu.vector_load %arg7[%swap3A_295, %swap3A_296] {strides = array<i32>} : memref<48x1024xf32, #tpu.memory_space<vmem>>, vector<16xf32>,
      tpu.vector_store %arg7[%swap3A_295, %swap3A_296], %gather3A_293 {strides = array<i32>} : memref<48x1024xf32, #tpu.memory_space<vmem>>, vector<16xf32>,
      %add3A_298 = arith.constant 5 : i32
      %add3A_299 = vector.broadcast %add3A_298 : i32 to vector<16xi32>
      %add3A_300 = arith.addi %add3A_257, %add3A_299 : vector<16xi32>
      %gather3A_301 = tpu.vector_load_idx %arg6[%add3A_300] : memref<6912xf32, #tpu.memory_space<vmem>>[vector<16xi32>], vector<16xf32>,
      %swap3A_302 = arith.constant 29 : i32
      %swap3A_303 = arith.index_cast %swap3A_302 : i32 to index
      %swap3A_304 = arith.index_cast %mul3A_28 : i32 to index
      %swap3A_305 = tpu.vector_load %arg7[%swap3A_303, %swap3A_304] {strides = array<i32>} : memref<48x1024xf32, #tpu.memory_space<vmem>>, vector<16xf32>,
      tpu.vector_store %arg7[%swap3A_303, %swap3A_304], %gather3A_301 {strides = array<i32>} : memref<48x1024xf32, #tpu.memory_space<vmem>>, vector<16xf32>,
      %add3A_306 = arith.constant 6 : i32
      %add3A_307 = vector.broadcast %add3A_306 : i32 to vector<16xi32>
      %add3A_308 = arith.addi %add3A_257, %add3A_307 : vector<16xi32>
      %gather3A_309 = tpu.vector_load_idx %arg6[%add3A_308] : memref<6912xf32, #tpu.memory_space<vmem>>[vector<16xi32>], vector<16xf32>,
      %swap3A_310 = arith.constant 30 : i32
      %swap3A_311 = arith.index_cast %swap3A_310 : i32 to index
      %swap3A_312 = arith.index_cast %mul3A_28 : i32 to index
      %swap3A_313 = tpu.vector_load %arg7[%swap3A_311, %swap3A_312] {strides = array<i32>} : memref<48x1024xf32, #tpu.memory_space<vmem>>, vector<16xf32>,
      tpu.vector_store %arg7[%swap3A_311, %swap3A_312], %gather3A_309 {strides = array<i32>} : memref<48x1024xf32, #tpu.memory_space<vmem>>, vector<16xf32>,
      %add3A_314 = arith.constant 7 : i32
      %add3A_315 = vector.broadcast %add3A_314 : i32 to vector<16xi32>
      %add3A_316 = arith.addi %add3A_257, %add3A_315 : vector<16xi32>
      %gather3A_317 = tpu.vector_load_idx %arg6[%add3A_316] : memref<6912xf32, #tpu.memory_space<vmem>>[vector<16xi32>], vector<16xf32>,
      %swap3A_318 = arith.constant 31 : i32
      %swap3A_319 = arith.index_cast %swap3A_318 : i32 to index
      %swap3A_320 = arith.index_cast %mul3A_28 : i32 to index
      %swap3A_321 = tpu.vector_load %arg7[%swap3A_319, %swap3A_320] {strides = array<i32>} : memref<48x1024xf32, #tpu.memory_space<vmem>>, vector<16xf32>,
      tpu.vector_store %arg7[%swap3A_319, %swap3A_320], %gather3A_317 {strides = array<i32>} : memref<48x1024xf32, #tpu.memory_space<vmem>>, vector<16xf32>,
      %add3A_322 = arith.constant 4096 : i32
      %add3A_323 = arith.addi %add3A_322, %mul3A_28 : i32
      %get3A_324 = arith.index_cast %add3A_323 : i32 to index
      %get3A_325 = tpu.vector_load %arg5[%get3A_324] {strides = array<i32>} : memref<6144xi32, #tpu.memory_space<vmem>>, vector<16xi32>,
      %mul3A_326 = arith.constant 9 : i32
      %mul3A_327 = vector.broadcast %mul3A_326 : i32 to vector<16xi32>
      %mul3A_328 = arith.muli %get3A_325, %mul3A_327 : vector<16xi32>
      %add3A_329 = arith.constant 2304 : i32
      %add3A_330 = vector.broadcast %add3A_329 : i32 to vector<16xi32>
      %add3A_331 = arith.addi %mul3A_328, %add3A_330 : vector<16xi32>
      %add3A_332 = arith.constant 0 : i32
      %add3A_333 = vector.broadcast %add3A_332 : i32 to vector<16xi32>
      %add3A_334 = arith.addi %add3A_331, %add3A_333 : vector<16xi32>
      %gather3A_335 = tpu.vector_load_idx %arg6[%add3A_334] : memref<6912xf32, #tpu.memory_space<vmem>>[vector<16xi32>], vector<16xf32>,
      %swap3A_336 = arith.constant 32 : i32
      %swap3A_337 = arith.index_cast %swap3A_336 : i32 to index
      %swap3A_338 = arith.index_cast %mul3A_28 : i32 to index
      %swap3A_339 = tpu.vector_load %arg7[%swap3A_337, %swap3A_338] {strides = array<i32>} : memref<48x1024xf32, #tpu.memory_space<vmem>>, vector<16xf32>,
      tpu.vector_store %arg7[%swap3A_337, %swap3A_338], %gather3A_335 {strides = array<i32>} : memref<48x1024xf32, #tpu.memory_space<vmem>>, vector<16xf32>,
      %add3A_340 = arith.constant 1 : i32
      %add3A_341 = vector.broadcast %add3A_340 : i32 to vector<16xi32>
      %add3A_342 = arith.addi %add3A_331, %add3A_341 : vector<16xi32>
      %gather3A_343 = tpu.vector_load_idx %arg6[%add3A_342] : memref<6912xf32, #tpu.memory_space<vmem>>[vector<16xi32>], vector<16xf32>,
      %swap3A_344 = arith.constant 33 : i32
      %swap3A_345 = arith.index_cast %swap3A_344 : i32 to index
      %swap3A_346 = arith.index_cast %mul3A_28 : i32 to index
      %swap3A_347 = tpu.vector_load %arg7[%swap3A_345, %swap3A_346] {strides = array<i32>} : memref<48x1024xf32, #tpu.memory_space<vmem>>, vector<16xf32>,
      tpu.vector_store %arg7[%swap3A_345, %swap3A_346], %gather3A_343 {strides = array<i32>} : memref<48x1024xf32, #tpu.memory_space<vmem>>, vector<16xf32>,
      %add3A_348 = arith.constant 2 : i32
      %add3A_349 = vector.broadcast %add3A_348 : i32 to vector<16xi32>
      %add3A_350 = arith.addi %add3A_331, %add3A_349 : vector<16xi32>
      %gather3A_351 = tpu.vector_load_idx %arg6[%add3A_350] : memref<6912xf32, #tpu.memory_space<vmem>>[vector<16xi32>], vector<16xf32>,
      %swap3A_352 = arith.constant 34 : i32
      %swap3A_353 = arith.index_cast %swap3A_352 : i32 to index
      %swap3A_354 = arith.index_cast %mul3A_28 : i32 to index
      %swap3A_355 = tpu.vector_load %arg7[%swap3A_353, %swap3A_354] {strides = array<i32>} : memref<48x1024xf32, #tpu.memory_space<vmem>>, vector<16xf32>,
      tpu.vector_store %arg7[%swap3A_353, %swap3A_354], %gather3A_351 {strides = array<i32>} : memref<48x1024xf32, #tpu.memory_space<vmem>>, vector<16xf32>,
      %add3A_356 = arith.constant 3 : i32
      %add3A_357 = vector.broadcast %add3A_356 : i32 to vector<16xi32>
      %add3A_358 = arith.addi %add3A_331, %add3A_357 : vector<16xi32>
      %gather3A_359 = tpu.vector_load_idx %arg6[%add3A_358] : memref<6912xf32, #tpu.memory_space<vmem>>[vector<16xi32>], vector<16xf32>,
      %swap3A_360 = arith.constant 35 : i32
      %swap3A_361 = arith.index_cast %swap3A_360 : i32 to index
      %swap3A_362 = arith.index_cast %mul3A_28 : i32 to index
      %swap3A_363 = tpu.vector_load %arg7[%swap3A_361, %swap3A_362] {strides = array<i32>} : memref<48x1024xf32, #tpu.memory_space<vmem>>, vector<16xf32>,
      tpu.vector_store %arg7[%swap3A_361, %swap3A_362], %gather3A_359 {strides = array<i32>} : memref<48x1024xf32, #tpu.memory_space<vmem>>, vector<16xf32>,
      %add3A_364 = arith.constant 4 : i32
      %add3A_365 = vector.broadcast %add3A_364 : i32 to vector<16xi32>
      %add3A_366 = arith.addi %add3A_331, %add3A_365 : vector<16xi32>
      %gather3A_367 = tpu.vector_load_idx %arg6[%add3A_366] : memref<6912xf32, #tpu.memory_space<vmem>>[vector<16xi32>], vector<16xf32>,
      %swap3A_368 = arith.constant 36 : i32
      %swap3A_369 = arith.index_cast %swap3A_368 : i32 to index
      %swap3A_370 = arith.index_cast %mul3A_28 : i32 to index
      %swap3A_371 = tpu.vector_load %arg7[%swap3A_369, %swap3A_370] {strides = array<i32>} : memref<48x1024xf32, #tpu.memory_space<vmem>>, vector<16xf32>,
      tpu.vector_store %arg7[%swap3A_369, %swap3A_370], %gather3A_367 {strides = array<i32>} : memref<48x1024xf32, #tpu.memory_space<vmem>>, vector<16xf32>,
      %add3A_372 = arith.constant 5 : i32
      %add3A_373 = vector.broadcast %add3A_372 : i32 to vector<16xi32>
      %add3A_374 = arith.addi %add3A_331, %add3A_373 : vector<16xi32>
      %gather3A_375 = tpu.vector_load_idx %arg6[%add3A_374] : memref<6912xf32, #tpu.memory_space<vmem>>[vector<16xi32>], vector<16xf32>,
      %swap3A_376 = arith.constant 37 : i32
      %swap3A_377 = arith.index_cast %swap3A_376 : i32 to index
      %swap3A_378 = arith.index_cast %mul3A_28 : i32 to index
      %swap3A_379 = tpu.vector_load %arg7[%swap3A_377, %swap3A_378] {strides = array<i32>} : memref<48x1024xf32, #tpu.memory_space<vmem>>, vector<16xf32>,
      tpu.vector_store %arg7[%swap3A_377, %swap3A_378], %gather3A_375 {strides = array<i32>} : memref<48x1024xf32, #tpu.memory_space<vmem>>, vector<16xf32>,
      %add3A_380 = arith.constant 6 : i32
      %add3A_381 = vector.broadcast %add3A_380 : i32 to vector<16xi32>
      %add3A_382 = arith.addi %add3A_331, %add3A_381 : vector<16xi32>
      %gather3A_383 = tpu.vector_load_idx %arg6[%add3A_382] : memref<6912xf32, #tpu.memory_space<vmem>>[vector<16xi32>], vector<16xf32>,
      %swap3A_384 = arith.constant 38 : i32
      %swap3A_385 = arith.index_cast %swap3A_384 : i32 to index
      %swap3A_386 = arith.index_cast %mul3A_28 : i32 to index
      %swap3A_387 = tpu.vector_load %arg7[%swap3A_385, %swap3A_386] {strides = array<i32>} : memref<48x1024xf32, #tpu.memory_space<vmem>>, vector<16xf32>,
      tpu.vector_store %arg7[%swap3A_385, %swap3A_386], %gather3A_383 {strides = array<i32>} : memref<48x1024xf32, #tpu.memory_space<vmem>>, vector<16xf32>,
      %add3A_388 = arith.constant 7 : i32
      %add3A_389 = vector.broadcast %add3A_388 : i32 to vector<16xi32>
      %add3A_390 = arith.addi %add3A_331, %add3A_389 : vector<16xi32>
      %gather3A_391 = tpu.vector_load_idx %arg6[%add3A_390] : memref<6912xf32, #tpu.memory_space<vmem>>[vector<16xi32>], vector<16xf32>,
      %swap3A_392 = arith.constant 39 : i32
      %swap3A_393 = arith.index_cast %swap3A_392 : i32 to index
      %swap3A_394 = arith.index_cast %mul3A_28 : i32 to index
      %swap3A_395 = tpu.vector_load %arg7[%swap3A_393, %swap3A_394] {strides = array<i32>} : memref<48x1024xf32, #tpu.memory_space<vmem>>, vector<16xf32>,
      tpu.vector_store %arg7[%swap3A_393, %swap3A_394], %gather3A_391 {strides = array<i32>} : memref<48x1024xf32, #tpu.memory_space<vmem>>, vector<16xf32>,
      %add3A_396 = arith.constant 5120 : i32
      %add3A_397 = arith.addi %add3A_396, %mul3A_28 : i32
      %get3A_398 = arith.index_cast %add3A_397 : i32 to index
      %get3A_399 = tpu.vector_load %arg5[%get3A_398] {strides = array<i32>} : memref<6144xi32, #tpu.memory_space<vmem>>, vector<16xi32>,
      %mul3A_400 = arith.constant 9 : i32
      %mul3A_401 = vector.broadcast %mul3A_400 : i32 to vector<16xi32>
      %mul3A_402 = arith.muli %get3A_399, %mul3A_401 : vector<16xi32>
      %add3A_403 = arith.constant 4608 : i32
      %add3A_404 = vector.broadcast %add3A_403 : i32 to vector<16xi32>
      %add3A_405 = arith.addi %mul3A_402, %add3A_404 : vector<16xi32>
      %add3A_406 = arith.constant 0 : i32
      %add3A_407 = vector.broadcast %add3A_406 : i32 to vector<16xi32>
      %add3A_408 = arith.addi %add3A_405, %add3A_407 : vector<16xi32>
      %gather3A_409 = tpu.vector_load_idx %arg6[%add3A_408] : memref<6912xf32, #tpu.memory_space<vmem>>[vector<16xi32>], vector<16xf32>,
      %swap3A_410 = arith.constant 40 : i32
      %swap3A_411 = arith.index_cast %swap3A_410 : i32 to index
      %swap3A_412 = arith.index_cast %mul3A_28 : i32 to index
      %swap3A_413 = tpu.vector_load %arg7[%swap3A_411, %swap3A_412] {strides = array<i32>} : memref<48x1024xf32, #tpu.memory_space<vmem>>, vector<16xf32>,
      tpu.vector_store %arg7[%swap3A_411, %swap3A_412], %gather3A_409 {strides = array<i32>} : memref<48x1024xf32, #tpu.memory_space<vmem>>, vector<16xf32>,
      %add3A_414 = arith.constant 1 : i32
      %add3A_415 = vector.broadcast %add3A_414 : i32 to vector<16xi32>
      %add3A_416 = arith.addi %add3A_405, %add3A_415 : vector<16xi32>
      %gather3A_417 = tpu.vector_load_idx %arg6[%add3A_416] : memref<6912xf32, #tpu.memory_space<vmem>>[vector<16xi32>], vector<16xf32>,
      %swap3A_418 = arith.constant 41 : i32
      %swap3A_419 = arith.index_cast %swap3A_418 : i32 to index
      %swap3A_420 = arith.index_cast %mul3A_28 : i32 to index
      %swap3A_421 = tpu.vector_load %arg7[%swap3A_419, %swap3A_420] {strides = array<i32>} : memref<48x1024xf32, #tpu.memory_space<vmem>>, vector<16xf32>,
      tpu.vector_store %arg7[%swap3A_419, %swap3A_420], %gather3A_417 {strides = array<i32>} : memref<48x1024xf32, #tpu.memory_space<vmem>>, vector<16xf32>,
      %add3A_422 = arith.constant 2 : i32
      %add3A_423 = vector.broadcast %add3A_422 : i32 to vector<16xi32>
      %add3A_424 = arith.addi %add3A_405, %add3A_423 : vector<16xi32>
      %gather3A_425 = tpu.vector_load_idx %arg6[%add3A_424] : memref<6912xf32, #tpu.memory_space<vmem>>[vector<16xi32>], vector<16xf32>,
      %swap3A_426 = arith.constant 42 : i32
      %swap3A_427 = arith.index_cast %swap3A_426 : i32 to index
      %swap3A_428 = arith.index_cast %mul3A_28 : i32 to index
      %swap3A_429 = tpu.vector_load %arg7[%swap3A_427, %swap3A_428] {strides = array<i32>} : memref<48x1024xf32, #tpu.memory_space<vmem>>, vector<16xf32>,
      tpu.vector_store %arg7[%swap3A_427, %swap3A_428], %gather3A_425 {strides = array<i32>} : memref<48x1024xf32, #tpu.memory_space<vmem>>, vector<16xf32>,
      %add3A_430 = arith.constant 3 : i32
      %add3A_431 = vector.broadcast %add3A_430 : i32 to vector<16xi32>
      %add3A_432 = arith.addi %add3A_405, %add3A_431 : vector<16xi32>
      %gather3A_433 = tpu.vector_load_idx %arg6[%add3A_432] : memref<6912xf32, #tpu.memory_space<vmem>>[vector<16xi32>], vector<16xf32>,
      %swap3A_434 = arith.constant 43 : i32
      %swap3A_435 = arith.index_cast %swap3A_434 : i32 to index
      %swap3A_436 = arith.index_cast %mul3A_28 : i32 to index
      %swap3A_437 = tpu.vector_load %arg7[%swap3A_435, %swap3A_436] {strides = array<i32>} : memref<48x1024xf32, #tpu.memory_space<vmem>>, vector<16xf32>,
      tpu.vector_store %arg7[%swap3A_435, %swap3A_436], %gather3A_433 {strides = array<i32>} : memref<48x1024xf32, #tpu.memory_space<vmem>>, vector<16xf32>,
      %add3A_438 = arith.constant 4 : i32
      %add3A_439 = vector.broadcast %add3A_438 : i32 to vector<16xi32>
      %add3A_440 = arith.addi %add3A_405, %add3A_439 : vector<16xi32>
      %gather3A_441 = tpu.vector_load_idx %arg6[%add3A_440] : memref<6912xf32, #tpu.memory_space<vmem>>[vector<16xi32>], vector<16xf32>,
      %swap3A_442 = arith.constant 44 : i32
      %swap3A_443 = arith.index_cast %swap3A_442 : i32 to index
      %swap3A_444 = arith.index_cast %mul3A_28 : i32 to index
      %swap3A_445 = tpu.vector_load %arg7[%swap3A_443, %swap3A_444] {strides = array<i32>} : memref<48x1024xf32, #tpu.memory_space<vmem>>, vector<16xf32>,
      tpu.vector_store %arg7[%swap3A_443, %swap3A_444], %gather3A_441 {strides = array<i32>} : memref<48x1024xf32, #tpu.memory_space<vmem>>, vector<16xf32>,
      %add3A_446 = arith.constant 5 : i32
      %add3A_447 = vector.broadcast %add3A_446 : i32 to vector<16xi32>
      %add3A_448 = arith.addi %add3A_405, %add3A_447 : vector<16xi32>
      %gather3A_449 = tpu.vector_load_idx %arg6[%add3A_448] : memref<6912xf32, #tpu.memory_space<vmem>>[vector<16xi32>], vector<16xf32>,
      %swap3A_450 = arith.constant 45 : i32
      %swap3A_451 = arith.index_cast %swap3A_450 : i32 to index
      %swap3A_452 = arith.index_cast %mul3A_28 : i32 to index
      %swap3A_453 = tpu.vector_load %arg7[%swap3A_451, %swap3A_452] {strides = array<i32>} : memref<48x1024xf32, #tpu.memory_space<vmem>>, vector<16xf32>,
      tpu.vector_store %arg7[%swap3A_451, %swap3A_452], %gather3A_449 {strides = array<i32>} : memref<48x1024xf32, #tpu.memory_space<vmem>>, vector<16xf32>,
      %add3A_454 = arith.constant 6 : i32
      %add3A_455 = vector.broadcast %add3A_454 : i32 to vector<16xi32>
      %add3A_456 = arith.addi %add3A_405, %add3A_455 : vector<16xi32>
      %gather3A_457 = tpu.vector_load_idx %arg6[%add3A_456] : memref<6912xf32, #tpu.memory_space<vmem>>[vector<16xi32>], vector<16xf32>,
      %swap3A_458 = arith.constant 46 : i32
      %swap3A_459 = arith.index_cast %swap3A_458 : i32 to index
      %swap3A_460 = arith.index_cast %mul3A_28 : i32 to index
      %swap3A_461 = tpu.vector_load %arg7[%swap3A_459, %swap3A_460] {strides = array<i32>} : memref<48x1024xf32, #tpu.memory_space<vmem>>, vector<16xf32>,
      tpu.vector_store %arg7[%swap3A_459, %swap3A_460], %gather3A_457 {strides = array<i32>} : memref<48x1024xf32, #tpu.memory_space<vmem>>, vector<16xf32>,
      %add3A_462 = arith.constant 7 : i32
      %add3A_463 = vector.broadcast %add3A_462 : i32 to vector<16xi32>
      %add3A_464 = arith.addi %add3A_405, %add3A_463 : vector<16xi32>
      %gather3A_465 = tpu.vector_load_idx %arg6[%add3A_464] : memref<6912xf32, #tpu.memory_space<vmem>>[vector<16xi32>], vector<16xf32>,
      %swap3A_466 = arith.constant 47 : i32
      %swap3A_467 = arith.index_cast %swap3A_466 : i32 to index
      %swap3A_468 = arith.index_cast %mul3A_28 : i32 to index
      %swap3A_469 = tpu.vector_load %arg7[%swap3A_467, %swap3A_468] {strides = array<i32>} : memref<48x1024xf32, #tpu.memory_space<vmem>>, vector<16xf32>,
      tpu.vector_store %arg7[%swap3A_467, %swap3A_468], %gather3A_465 {strides = array<i32>} : memref<48x1024xf32, #tpu.memory_space<vmem>>, vector<16xf32>,
    }
    %scan3A_17 = arith.constant 64 : i32
    %add3A_18 = arith.constant 0 : i32
    %add3A_19 = arith.addi %add3A_18, %mul3A_2 : i32
    %mul3A_20 = arith.constant 8 : i32
    %mul3A_21 = arith.muli %add3A_19, %mul3A_20 : i32
    "tpu.region"() ({
      %run_scoped3A = tpu.sem_alloc : memref<!tpu.dma_semaphore, #tpu.memory_space<semaphore_mem>>
      %dma_start3A = arith.constant 0 : i32
      %dma_start3A_26 = arith.constant 0 : i32
      %dma_start3A_27 = tpu.memref_slice %arg7[%dma_start3A, %dma_start3A_26] : memref<48x1024xf32, #tpu.memory_space<vmem>> -> memref<24x1024xf32, #tpu.memory_space<vmem>>
      %dma_start3A_28 = arith.constant 0 : i32
      %dma_start3A_29 = tpu.memref_slice %arg4[%mul3A_21, %dma_start3A_28] : memref<1536x1024xf32, #tpu.memory_space<hbm>> -> memref<24x1024xf32, #tpu.memory_space<hbm>>
      %dma_start3A_30 = arith.constant 0 : i32
      %dma_start3A_31 = tpu.memref_slice %arg4[%mul3A_21, %dma_start3A_30] : memref<1536x1024xf32, #tpu.memory_space<hbm>> -> memref<24x1024xf32, #tpu.memory_space<hbm>>
      %dma_start3A_32 = arith.constant 0 : i32
      %dma_start3A_33 = arith.constant 0 : i32
      %dma_start3A_34 = tpu.memref_slice %arg7[%dma_start3A_32, %dma_start3A_33] : memref<48x1024xf32, #tpu.memory_space<vmem>> -> memref<24x1024xf32, #tpu.memory_space<vmem>>
      tpu.enqueue_dma source(%dma_start3A_34 : memref<24x1024xf32, #tpu.memory_space<vmem>>) target(%dma_start3A_31 : memref<24x1024xf32, #tpu.memory_space<hbm>>) target_semaphore(%run_scoped3A : memref<!tpu.dma_semaphore, #tpu.memory_space<semaphore_mem>>)
      %dma_wait3A = arith.constant 0 : i32
      %dma_wait3A_35 = arith.constant 0 : i32
      %dma_wait3A_36 = tpu.memref_slice %arg7[%dma_wait3A, %dma_wait3A_35] : memref<48x1024xf32, #tpu.memory_space<vmem>> -> memref<24x1024xf32, #tpu.memory_space<vmem>>
      %dma_wait3A_37 = arith.constant 0 : i32
      %dma_wait3A_38 = tpu.memref_slice %arg4[%mul3A_21, %dma_wait3A_37] : memref<1536x1024xf32, #tpu.memory_space<hbm>> -> memref<24x1024xf32, #tpu.memory_space<hbm>>
      %dma_wait3A_39 = arith.constant 0 : i32
      %dma_wait3A_40 = tpu.memref_slice %arg4[%mul3A_21, %dma_wait3A_39] : memref<1536x1024xf32, #tpu.memory_space<hbm>> -> memref<24x1024xf32, #tpu.memory_space<hbm>>
      %dma_wait3A_41 = arith.constant 0 : i32
      %dma_wait3A_42 = arith.constant 0 : i32
      %dma_wait3A_43 = tpu.memref_slice %arg7[%dma_wait3A_41, %dma_wait3A_42] : memref<48x1024xf32, #tpu.memory_space<vmem>> -> memref<24x1024xf32, #tpu.memory_space<vmem>>
      tpu.wait_dma2 semaphore(%run_scoped3A : memref<!tpu.dma_semaphore, #tpu.memory_space<semaphore_mem>>) src(%dma_wait3A_43 : memref<24x1024xf32, #tpu.memory_space<vmem>>) dst(%dma_wait3A_40 : memref<24x1024xf32, #tpu.memory_space<hbm>>)
      tpu.yield
    }) : () -> ()
    %add3A_22 = arith.constant 96 : i32
    %add3A_23 = arith.addi %add3A_22, %mul3A_2 : i32
    %mul3A_24 = arith.constant 8 : i32
    %mul3A_25 = arith.muli %add3A_23, %mul3A_24 : i32
    "tpu.region"() ({
      %run_scoped3A = tpu.sem_alloc : memref<!tpu.dma_semaphore, #tpu.memory_space<semaphore_mem>>
      %dma_start3A = arith.constant 24 : i32
      %dma_start3A_26 = arith.constant 0 : i32
      %dma_start3A_27 = tpu.memref_slice %arg7[%dma_start3A, %dma_start3A_26] : memref<48x1024xf32, #tpu.memory_space<vmem>> -> memref<24x1024xf32, #tpu.memory_space<vmem>>
      %dma_start3A_28 = arith.constant 0 : i32
      %dma_start3A_29 = tpu.memref_slice %arg4[%mul3A_25, %dma_start3A_28] : memref<1536x1024xf32, #tpu.memory_space<hbm>> -> memref<24x1024xf32, #tpu.memory_space<hbm>>
      %dma_start3A_30 = arith.constant 0 : i32
      %dma_start3A_31 = tpu.memref_slice %arg4[%mul3A_25, %dma_start3A_30] : memref<1536x1024xf32, #tpu.memory_space<hbm>> -> memref<24x1024xf32, #tpu.memory_space<hbm>>
      %dma_start3A_32 = arith.constant 24 : i32
      %dma_start3A_33 = arith.constant 0 : i32
      %dma_start3A_34 = tpu.memref_slice %arg7[%dma_start3A_32, %dma_start3A_33] : memref<48x1024xf32, #tpu.memory_space<vmem>> -> memref<24x1024xf32, #tpu.memory_space<vmem>>
      tpu.enqueue_dma source(%dma_start3A_34 : memref<24x1024xf32, #tpu.memory_space<vmem>>) target(%dma_start3A_31 : memref<24x1024xf32, #tpu.memory_space<hbm>>) target_semaphore(%run_scoped3A : memref<!tpu.dma_semaphore, #tpu.memory_space<semaphore_mem>>)
      %dma_wait3A = arith.constant 24 : i32
      %dma_wait3A_35 = arith.constant 0 : i32
      %dma_wait3A_36 = tpu.memref_slice %arg7[%dma_wait3A, %dma_wait3A_35] : memref<48x1024xf32, #tpu.memory_space<vmem>> -> memref<24x1024xf32, #tpu.memory_space<vmem>>
      %dma_wait3A_37 = arith.constant 0 : i32
      %dma_wait3A_38 = tpu.memref_slice %arg4[%mul3A_25, %dma_wait3A_37] : memref<1536x1024xf32, #tpu.memory_space<hbm>> -> memref<24x1024xf32, #tpu.memory_space<hbm>>
      %dma_wait3A_39 = arith.constant 0 : i32
      %dma_wait3A_40 = tpu.memref_slice %arg4[%mul3A_25, %dma_wait3A_39] : memref<1536x1024xf32, #tpu.memory_space<hbm>> -> memref<24x1024xf32, #tpu.memory_space<hbm>>
      %dma_wait3A_41 = arith.constant 24 : i32
      %dma_wait3A_42 = arith.constant 0 : i32
      %dma_wait3A_43 = tpu.memref_slice %arg7[%dma_wait3A_41, %dma_wait3A_42] : memref<48x1024xf32, #tpu.memory_space<vmem>> -> memref<24x1024xf32, #tpu.memory_space<vmem>>
      tpu.wait_dma2 semaphore(%run_scoped3A : memref<!tpu.dma_semaphore, #tpu.memory_space<semaphore_mem>>) src(%dma_wait3A_43 : memref<24x1024xf32, #tpu.memory_space<vmem>>) dst(%dma_wait3A_40 : memref<24x1024xf32, #tpu.memory_space<hbm>>)
      tpu.yield
    }) : () -> ()
    return
  }
}

module attributes {stable_mosaic.version = 14 : i64} {
  func.func @_rotsel_body(%arg0: i32, %arg1: memref<768x768xbf16, #tpu.memory_space<vmem>>, %arg2: memref<1024x768xbf16, #tpu.memory_space<vmem>>, %arg3: memref<1536x256xbf16, #tpu.memory_space<vmem>>, %arg4: memref<768x1024xbf16, #tpu.memory_space<vmem>>, %arg5: memref<1x96x1024xi32, #tpu.memory_space<vmem>>) attributes {dimension_semantics = [#tpu.dimension_semantics<arbitrary>], iteration_bounds = array<i64: 2>, scalar_prefetch = 0 : i64, scratch_operands = 0 : i64, tpu.core_type = #tpu.core_type<tc>, window_params = [{pipeline_mode = #tpu.pipeline_mode<synchronous>, transform_indices = @transform_0, window_bounds = array<i64: 768, 768>}, {transform_indices = @transform_1, window_bounds = array<i64: 1024, 768>}, {pipeline_mode = #tpu.pipeline_mode<synchronous>, transform_indices = @transform_2, window_bounds = array<i64: 1536, 256>}, {transform_indices = @transform_3, window_bounds = array<i64: 768, 1024>}, {transform_indices = @transform_4, window_bounds = array<i64: 1, 96, 1024>}]} {
    %get3A = arith.constant 0 : index
    %get3A_0 = arith.constant 0 : index
    %get3A_1 = vector.load %arg1[%get3A, %get3A_0] : memref<768x768xbf16, #tpu.memory_space<vmem>>, vector<768x768xbf16>
    %get3A_2 = arith.constant 0 : index
    %get3A_3 = arith.constant 0 : index
    %get3A_4 = vector.load %arg2[%get3A_2, %get3A_3] : memref<1024x768xbf16, #tpu.memory_space<vmem>>, vector<1024x768xbf16>
    %dot_general3A = arith.constant dense<0.000000e+00> : vector<768x1024xf32>
    %dot_general3A_5 = tpu.matmul %get3A_1, %get3A_4, %dot_general3A {dimension_numbers = #tpu.dot_dimension_numbers<[1], [1], [0], [0], [0, 0, 1, 0], [], []>, transpose_lhs_hint = false} : vector<768x768xbf16>, vector<1024x768xbf16>, vector<768x1024xf32> -> vector<768x1024xf32>
    %convert_element_type3A = arith.truncf %dot_general3A_5 : vector<768x1024xf32> to vector<768x1024xbf16>
    %swap3A = arith.constant 0 : index
    %swap3A_6 = arith.constant 0 : index
    %swap3A_7 = vector.load %arg4[%swap3A, %swap3A_6] : memref<768x1024xbf16, #tpu.memory_space<vmem>>, vector<768x1024xbf16>
    tpu.vector_store %arg4[%swap3A, %swap3A_6], %convert_element_type3A {strides = array<i32>} : memref<768x1024xbf16, #tpu.memory_space<vmem>>, vector<768x1024xbf16>,
    %broadcast_in_dim3A = arith.constant 1.000000e+00 : bf16
    %broadcast_in_dim3A_8 = vector.broadcast %broadcast_in_dim3A : bf16 to vector<8x1024xbf16>
    %get3A_9 = arith.constant 0 : index
    %get3A_10 = arith.constant 0 : index
    %get3A_11 = vector.load %arg3[%get3A_9, %get3A_10] : memref<1536x256xbf16, #tpu.memory_space<vmem>>, vector<16x256xbf16>
    %slice3A = vector.extract_strided_slice %convert_element_type3A {offsets = [0, 0], sizes = [8, 1024], strides = [1, 1]} : vector<768x1024xbf16> to vector<8x1024xbf16>
    %concatenate3A = tpu.concatenate %slice3A, %broadcast_in_dim3A_8 in 0 : vector<8x1024xbf16>, vector<8x1024xbf16> -> vector<16x1024xbf16>
    %dot_general3A_12 = arith.constant dense<0.000000e+00> : vector<256x1024xf32>
    %dot_general3A_13 = tpu.matmul %get3A_11, %concatenate3A, %dot_general3A_12 {dimension_numbers = #tpu.dot_dimension_numbers<[0], [0], [1], [1], [0, 1, 1, 1], [], []>, transpose_lhs_hint = false} : vector<16x256xbf16>, vector<16x1024xbf16>, vector<256x1024xf32> -> vector<256x1024xf32>
    %reduce_max3A = arith.constant dense<0xFF800000> : vector<1024xf32>
    %reduce_max3A_14 = vector.multi_reduction <maximumf>, %dot_general3A_13, %reduce_max3A [0] : vector<256x1024xf32> to vector<1024xf32>
    %broadcast_in_dim3A_15 = vector.shape_cast %reduce_max3A_14 : vector<1024xf32> to vector<1x1024xf32>
    %iota3A = tpu.iota {dimensions = array<i32: 0>} : vector<256x1024xi32>
    %ge3A = vector.broadcast %broadcast_in_dim3A_15 : vector<1x1024xf32> to vector<256x1024xf32>
    %ge3A_16 = arith.cmpf oge, %dot_general3A_13, %ge3A : vector<256x1024xf32>
    %jit3A = arith.constant 256 : i32
    %broadcast_in_dim3A_17 = vector.broadcast %jit3A : i32 to vector<256x1024xi32>
    %select_n3A = arith.select %ge3A_16, %iota3A, %broadcast_in_dim3A_17 : vector<256x1024xi1>, vector<256x1024xi32>
    %reduce_min3A = arith.constant dense<2147483647> : vector<1024xi32>
    %reduce_min3A_18 = vector.multi_reduction <minsi>, %select_n3A, %reduce_min3A [0] : vector<256x1024xi32> to vector<1024xi32>
    %broadcast_in_dim3A_19 = vector.shape_cast %reduce_min3A_18 : vector<1024xi32> to vector<1x1024xi32>
    %get3A_20 = arith.constant 16 : index
    %get3A_21 = arith.constant 0 : index
    %get3A_22 = vector.load %arg3[%get3A_20, %get3A_21] : memref<1536x256xbf16, #tpu.memory_space<vmem>>, vector<16x256xbf16>
    %slice3A_23 = vector.extract_strided_slice %convert_element_type3A {offsets = [8, 0], sizes = [8, 1024], strides = [1, 1]} : vector<768x1024xbf16> to vector<8x1024xbf16>
    %concatenate3A_24 = tpu.concatenate %slice3A_23, %broadcast_in_dim3A_8 in 0 : vector<8x1024xbf16>, vector<8x1024xbf16> -> vector<16x1024xbf16>
    %dot_general3A_25 = arith.constant dense<0.000000e+00> : vector<256x1024xf32>
    %dot_general3A_26 = tpu.matmul %get3A_22, %concatenate3A_24, %dot_general3A_25 {dimension_numbers = #tpu.dot_dimension_numbers<[0], [0], [1], [1], [0, 1, 1, 1], [], []>, transpose_lhs_hint = false} : vector<16x256xbf16>, vector<16x1024xbf16>, vector<256x1024xf32> -> vector<256x1024xf32>
    %reduce_max3A_27 = arith.constant dense<0xFF800000> : vector<1024xf32>
    %reduce_max3A_28 = vector.multi_reduction <maximumf>, %dot_general3A_26, %reduce_max3A_27 [0] : vector<256x1024xf32> to vector<1024xf32>
    %broadcast_in_dim3A_29 = vector.shape_cast %reduce_max3A_28 : vector<1024xf32> to vector<1x1024xf32>
    %iota3A_30 = tpu.iota {dimensions = array<i32: 0>} : vector<256x1024xi32>
    %ge3A_31 = vector.broadcast %broadcast_in_dim3A_29 : vector<1x1024xf32> to vector<256x1024xf32>
    %ge3A_32 = arith.cmpf oge, %dot_general3A_26, %ge3A_31 : vector<256x1024xf32>
    %jit3A_33 = arith.constant 256 : i32
    %broadcast_in_dim3A_34 = vector.broadcast %jit3A_33 : i32 to vector<256x1024xi32>
    %select_n3A_35 = arith.select %ge3A_32, %iota3A_30, %broadcast_in_dim3A_34 : vector<256x1024xi1>, vector<256x1024xi32>
    %reduce_min3A_36 = arith.constant dense<2147483647> : vector<1024xi32>
    %reduce_min3A_37 = vector.multi_reduction <minsi>, %select_n3A_35, %reduce_min3A_36 [0] : vector<256x1024xi32> to vector<1024xi32>
    %broadcast_in_dim3A_38 = vector.shape_cast %reduce_min3A_37 : vector<1024xi32> to vector<1x1024xi32>
    %get3A_39 = arith.constant 32 : index
    %get3A_40 = arith.constant 0 : index
    %get3A_41 = vector.load %arg3[%get3A_39, %get3A_40] : memref<1536x256xbf16, #tpu.memory_space<vmem>>, vector<16x256xbf16>
    %slice3A_42 = vector.extract_strided_slice %convert_element_type3A {offsets = [16, 0], sizes = [8, 1024], strides = [1, 1]} : vector<768x1024xbf16> to vector<8x1024xbf16>
    %concatenate3A_43 = tpu.concatenate %slice3A_42, %broadcast_in_dim3A_8 in 0 : vector<8x1024xbf16>, vector<8x1024xbf16> -> vector<16x1024xbf16>
    %dot_general3A_44 = arith.constant dense<0.000000e+00> : vector<256x1024xf32>
    %dot_general3A_45 = tpu.matmul %get3A_41, %concatenate3A_43, %dot_general3A_44 {dimension_numbers = #tpu.dot_dimension_numbers<[0], [0], [1], [1], [0, 1, 1, 1], [], []>, transpose_lhs_hint = false} : vector<16x256xbf16>, vector<16x1024xbf16>, vector<256x1024xf32> -> vector<256x1024xf32>
    %reduce_max3A_46 = arith.constant dense<0xFF800000> : vector<1024xf32>
    %reduce_max3A_47 = vector.multi_reduction <maximumf>, %dot_general3A_45, %reduce_max3A_46 [0] : vector<256x1024xf32> to vector<1024xf32>
    %broadcast_in_dim3A_48 = vector.shape_cast %reduce_max3A_47 : vector<1024xf32> to vector<1x1024xf32>
    %iota3A_49 = tpu.iota {dimensions = array<i32: 0>} : vector<256x1024xi32>
    %ge3A_50 = vector.broadcast %broadcast_in_dim3A_48 : vector<1x1024xf32> to vector<256x1024xf32>
    %ge3A_51 = arith.cmpf oge, %dot_general3A_45, %ge3A_50 : vector<256x1024xf32>
    %jit3A_52 = arith.constant 256 : i32
    %broadcast_in_dim3A_53 = vector.broadcast %jit3A_52 : i32 to vector<256x1024xi32>
    %select_n3A_54 = arith.select %ge3A_51, %iota3A_49, %broadcast_in_dim3A_53 : vector<256x1024xi1>, vector<256x1024xi32>
    %reduce_min3A_55 = arith.constant dense<2147483647> : vector<1024xi32>
    %reduce_min3A_56 = vector.multi_reduction <minsi>, %select_n3A_54, %reduce_min3A_55 [0] : vector<256x1024xi32> to vector<1024xi32>
    %broadcast_in_dim3A_57 = vector.shape_cast %reduce_min3A_56 : vector<1024xi32> to vector<1x1024xi32>
    %get3A_58 = arith.constant 48 : index
    %get3A_59 = arith.constant 0 : index
    %get3A_60 = vector.load %arg3[%get3A_58, %get3A_59] : memref<1536x256xbf16, #tpu.memory_space<vmem>>, vector<16x256xbf16>
    %slice3A_61 = vector.extract_strided_slice %convert_element_type3A {offsets = [24, 0], sizes = [8, 1024], strides = [1, 1]} : vector<768x1024xbf16> to vector<8x1024xbf16>
    %concatenate3A_62 = tpu.concatenate %slice3A_61, %broadcast_in_dim3A_8 in 0 : vector<8x1024xbf16>, vector<8x1024xbf16> -> vector<16x1024xbf16>
    %dot_general3A_63 = arith.constant dense<0.000000e+00> : vector<256x1024xf32>
    %dot_general3A_64 = tpu.matmul %get3A_60, %concatenate3A_62, %dot_general3A_63 {dimension_numbers = #tpu.dot_dimension_numbers<[0], [0], [1], [1], [0, 1, 1, 1], [], []>, transpose_lhs_hint = false} : vector<16x256xbf16>, vector<16x1024xbf16>, vector<256x1024xf32> -> vector<256x1024xf32>
    %reduce_max3A_65 = arith.constant dense<0xFF800000> : vector<1024xf32>
    %reduce_max3A_66 = vector.multi_reduction <maximumf>, %dot_general3A_64, %reduce_max3A_65 [0] : vector<256x1024xf32> to vector<1024xf32>
    %broadcast_in_dim3A_67 = vector.shape_cast %reduce_max3A_66 : vector<1024xf32> to vector<1x1024xf32>
    %iota3A_68 = tpu.iota {dimensions = array<i32: 0>} : vector<256x1024xi32>
    %ge3A_69 = vector.broadcast %broadcast_in_dim3A_67 : vector<1x1024xf32> to vector<256x1024xf32>
    %ge3A_70 = arith.cmpf oge, %dot_general3A_64, %ge3A_69 : vector<256x1024xf32>
    %jit3A_71 = arith.constant 256 : i32
    %broadcast_in_dim3A_72 = vector.broadcast %jit3A_71 : i32 to vector<256x1024xi32>
    %select_n3A_73 = arith.select %ge3A_70, %iota3A_68, %broadcast_in_dim3A_72 : vector<256x1024xi1>, vector<256x1024xi32>
    %reduce_min3A_74 = arith.constant dense<2147483647> : vector<1024xi32>
    %reduce_min3A_75 = vector.multi_reduction <minsi>, %select_n3A_73, %reduce_min3A_74 [0] : vector<256x1024xi32> to vector<1024xi32>
    %broadcast_in_dim3A_76 = vector.shape_cast %reduce_min3A_75 : vector<1024xi32> to vector<1x1024xi32>
    %get3A_77 = arith.constant 64 : index
    %get3A_78 = arith.constant 0 : index
    %get3A_79 = vector.load %arg3[%get3A_77, %get3A_78] : memref<1536x256xbf16, #tpu.memory_space<vmem>>, vector<16x256xbf16>
    %slice3A_80 = vector.extract_strided_slice %convert_element_type3A {offsets = [32, 0], sizes = [8, 1024], strides = [1, 1]} : vector<768x1024xbf16> to vector<8x1024xbf16>
    %concatenate3A_81 = tpu.concatenate %slice3A_80, %broadcast_in_dim3A_8 in 0 : vector<8x1024xbf16>, vector<8x1024xbf16> -> vector<16x1024xbf16>
    %dot_general3A_82 = arith.constant dense<0.000000e+00> : vector<256x1024xf32>
    %dot_general3A_83 = tpu.matmul %get3A_79, %concatenate3A_81, %dot_general3A_82 {dimension_numbers = #tpu.dot_dimension_numbers<[0], [0], [1], [1], [0, 1, 1, 1], [], []>, transpose_lhs_hint = false} : vector<16x256xbf16>, vector<16x1024xbf16>, vector<256x1024xf32> -> vector<256x1024xf32>
    %reduce_max3A_84 = arith.constant dense<0xFF800000> : vector<1024xf32>
    %reduce_max3A_85 = vector.multi_reduction <maximumf>, %dot_general3A_83, %reduce_max3A_84 [0] : vector<256x1024xf32> to vector<1024xf32>
    %broadcast_in_dim3A_86 = vector.shape_cast %reduce_max3A_85 : vector<1024xf32> to vector<1x1024xf32>
    %iota3A_87 = tpu.iota {dimensions = array<i32: 0>} : vector<256x1024xi32>
    %ge3A_88 = vector.broadcast %broadcast_in_dim3A_86 : vector<1x1024xf32> to vector<256x1024xf32>
    %ge3A_89 = arith.cmpf oge, %dot_general3A_83, %ge3A_88 : vector<256x1024xf32>
    %jit3A_90 = arith.constant 256 : i32
    %broadcast_in_dim3A_91 = vector.broadcast %jit3A_90 : i32 to vector<256x1024xi32>
    %select_n3A_92 = arith.select %ge3A_89, %iota3A_87, %broadcast_in_dim3A_91 : vector<256x1024xi1>, vector<256x1024xi32>
    %reduce_min3A_93 = arith.constant dense<2147483647> : vector<1024xi32>
    %reduce_min3A_94 = vector.multi_reduction <minsi>, %select_n3A_92, %reduce_min3A_93 [0] : vector<256x1024xi32> to vector<1024xi32>
    %broadcast_in_dim3A_95 = vector.shape_cast %reduce_min3A_94 : vector<1024xi32> to vector<1x1024xi32>
    %get3A_96 = arith.constant 80 : index
    %get3A_97 = arith.constant 0 : index
    %get3A_98 = vector.load %arg3[%get3A_96, %get3A_97] : memref<1536x256xbf16, #tpu.memory_space<vmem>>, vector<16x256xbf16>
    %slice3A_99 = vector.extract_strided_slice %convert_element_type3A {offsets = [40, 0], sizes = [8, 1024], strides = [1, 1]} : vector<768x1024xbf16> to vector<8x1024xbf16>
    %concatenate3A_100 = tpu.concatenate %slice3A_99, %broadcast_in_dim3A_8 in 0 : vector<8x1024xbf16>, vector<8x1024xbf16> -> vector<16x1024xbf16>
    %dot_general3A_101 = arith.constant dense<0.000000e+00> : vector<256x1024xf32>
    %dot_general3A_102 = tpu.matmul %get3A_98, %concatenate3A_100, %dot_general3A_101 {dimension_numbers = #tpu.dot_dimension_numbers<[0], [0], [1], [1], [0, 1, 1, 1], [], []>, transpose_lhs_hint = false} : vector<16x256xbf16>, vector<16x1024xbf16>, vector<256x1024xf32> -> vector<256x1024xf32>
    %reduce_max3A_103 = arith.constant dense<0xFF800000> : vector<1024xf32>
    %reduce_max3A_104 = vector.multi_reduction <maximumf>, %dot_general3A_102, %reduce_max3A_103 [0] : vector<256x1024xf32> to vector<1024xf32>
    %broadcast_in_dim3A_105 = vector.shape_cast %reduce_max3A_104 : vector<1024xf32> to vector<1x1024xf32>
    %iota3A_106 = tpu.iota {dimensions = array<i32: 0>} : vector<256x1024xi32>
    %ge3A_107 = vector.broadcast %broadcast_in_dim3A_105 : vector<1x1024xf32> to vector<256x1024xf32>
    %ge3A_108 = arith.cmpf oge, %dot_general3A_102, %ge3A_107 : vector<256x1024xf32>
    %jit3A_109 = arith.constant 256 : i32
    %broadcast_in_dim3A_110 = vector.broadcast %jit3A_109 : i32 to vector<256x1024xi32>
    %select_n3A_111 = arith.select %ge3A_108, %iota3A_106, %broadcast_in_dim3A_110 : vector<256x1024xi1>, vector<256x1024xi32>
    %reduce_min3A_112 = arith.constant dense<2147483647> : vector<1024xi32>
    %reduce_min3A_113 = vector.multi_reduction <minsi>, %select_n3A_111, %reduce_min3A_112 [0] : vector<256x1024xi32> to vector<1024xi32>
    %broadcast_in_dim3A_114 = vector.shape_cast %reduce_min3A_113 : vector<1024xi32> to vector<1x1024xi32>
    %get3A_115 = arith.constant 96 : index
    %get3A_116 = arith.constant 0 : index
    %get3A_117 = vector.load %arg3[%get3A_115, %get3A_116] : memref<1536x256xbf16, #tpu.memory_space<vmem>>, vector<16x256xbf16>
    %slice3A_118 = vector.extract_strided_slice %convert_element_type3A {offsets = [48, 0], sizes = [8, 1024], strides = [1, 1]} : vector<768x1024xbf16> to vector<8x1024xbf16>
    %concatenate3A_119 = tpu.concatenate %slice3A_118, %broadcast_in_dim3A_8 in 0 : vector<8x1024xbf16>, vector<8x1024xbf16> -> vector<16x1024xbf16>
    %dot_general3A_120 = arith.constant dense<0.000000e+00> : vector<256x1024xf32>
    %dot_general3A_121 = tpu.matmul %get3A_117, %concatenate3A_119, %dot_general3A_120 {dimension_numbers = #tpu.dot_dimension_numbers<[0], [0], [1], [1], [0, 1, 1, 1], [], []>, transpose_lhs_hint = false} : vector<16x256xbf16>, vector<16x1024xbf16>, vector<256x1024xf32> -> vector<256x1024xf32>
    %reduce_max3A_122 = arith.constant dense<0xFF800000> : vector<1024xf32>
    %reduce_max3A_123 = vector.multi_reduction <maximumf>, %dot_general3A_121, %reduce_max3A_122 [0] : vector<256x1024xf32> to vector<1024xf32>
    %broadcast_in_dim3A_124 = vector.shape_cast %reduce_max3A_123 : vector<1024xf32> to vector<1x1024xf32>
    %iota3A_125 = tpu.iota {dimensions = array<i32: 0>} : vector<256x1024xi32>
    %ge3A_126 = vector.broadcast %broadcast_in_dim3A_124 : vector<1x1024xf32> to vector<256x1024xf32>
    %ge3A_127 = arith.cmpf oge, %dot_general3A_121, %ge3A_126 : vector<256x1024xf32>
    %jit3A_128 = arith.constant 256 : i32
    %broadcast_in_dim3A_129 = vector.broadcast %jit3A_128 : i32 to vector<256x1024xi32>
    %select_n3A_130 = arith.select %ge3A_127, %iota3A_125, %broadcast_in_dim3A_129 : vector<256x1024xi1>, vector<256x1024xi32>
    %reduce_min3A_131 = arith.constant dense<2147483647> : vector<1024xi32>
    %reduce_min3A_132 = vector.multi_reduction <minsi>, %select_n3A_130, %reduce_min3A_131 [0] : vector<256x1024xi32> to vector<1024xi32>
    %broadcast_in_dim3A_133 = vector.shape_cast %reduce_min3A_132 : vector<1024xi32> to vector<1x1024xi32>
    %get3A_134 = arith.constant 112 : index
    %get3A_135 = arith.constant 0 : index
    %get3A_136 = vector.load %arg3[%get3A_134, %get3A_135] : memref<1536x256xbf16, #tpu.memory_space<vmem>>, vector<16x256xbf16>
    %slice3A_137 = vector.extract_strided_slice %convert_element_type3A {offsets = [56, 0], sizes = [8, 1024], strides = [1, 1]} : vector<768x1024xbf16> to vector<8x1024xbf16>
    %concatenate3A_138 = tpu.concatenate %slice3A_137, %broadcast_in_dim3A_8 in 0 : vector<8x1024xbf16>, vector<8x1024xbf16> -> vector<16x1024xbf16>
    %dot_general3A_139 = arith.constant dense<0.000000e+00> : vector<256x1024xf32>
    %dot_general3A_140 = tpu.matmul %get3A_136, %concatenate3A_138, %dot_general3A_139 {dimension_numbers = #tpu.dot_dimension_numbers<[0], [0], [1], [1], [0, 1, 1, 1], [], []>, transpose_lhs_hint = false} : vector<16x256xbf16>, vector<16x1024xbf16>, vector<256x1024xf32> -> vector<256x1024xf32>
    %reduce_max3A_141 = arith.constant dense<0xFF800000> : vector<1024xf32>
    %reduce_max3A_142 = vector.multi_reduction <maximumf>, %dot_general3A_140, %reduce_max3A_141 [0] : vector<256x1024xf32> to vector<1024xf32>
    %broadcast_in_dim3A_143 = vector.shape_cast %reduce_max3A_142 : vector<1024xf32> to vector<1x1024xf32>
    %iota3A_144 = tpu.iota {dimensions = array<i32: 0>} : vector<256x1024xi32>
    %ge3A_145 = vector.broadcast %broadcast_in_dim3A_143 : vector<1x1024xf32> to vector<256x1024xf32>
    %ge3A_146 = arith.cmpf oge, %dot_general3A_140, %ge3A_145 : vector<256x1024xf32>
    %jit3A_147 = arith.constant 256 : i32
    %broadcast_in_dim3A_148 = vector.broadcast %jit3A_147 : i32 to vector<256x1024xi32>
    %select_n3A_149 = arith.select %ge3A_146, %iota3A_144, %broadcast_in_dim3A_148 : vector<256x1024xi1>, vector<256x1024xi32>
    %reduce_min3A_150 = arith.constant dense<2147483647> : vector<1024xi32>
    %reduce_min3A_151 = vector.multi_reduction <minsi>, %select_n3A_149, %reduce_min3A_150 [0] : vector<256x1024xi32> to vector<1024xi32>
    %broadcast_in_dim3A_152 = vector.shape_cast %reduce_min3A_151 : vector<1024xi32> to vector<1x1024xi32>
    %get3A_153 = arith.constant 128 : index
    %get3A_154 = arith.constant 0 : index
    %get3A_155 = vector.load %arg3[%get3A_153, %get3A_154] : memref<1536x256xbf16, #tpu.memory_space<vmem>>, vector<16x256xbf16>
    %slice3A_156 = vector.extract_strided_slice %convert_element_type3A {offsets = [64, 0], sizes = [8, 1024], strides = [1, 1]} : vector<768x1024xbf16> to vector<8x1024xbf16>
    %concatenate3A_157 = tpu.concatenate %slice3A_156, %broadcast_in_dim3A_8 in 0 : vector<8x1024xbf16>, vector<8x1024xbf16> -> vector<16x1024xbf16>
    %dot_general3A_158 = arith.constant dense<0.000000e+00> : vector<256x1024xf32>
    %dot_general3A_159 = tpu.matmul %get3A_155, %concatenate3A_157, %dot_general3A_158 {dimension_numbers = #tpu.dot_dimension_numbers<[0], [0], [1], [1], [0, 1, 1, 1], [], []>, transpose_lhs_hint = false} : vector<16x256xbf16>, vector<16x1024xbf16>, vector<256x1024xf32> -> vector<256x1024xf32>
    %reduce_max3A_160 = arith.constant dense<0xFF800000> : vector<1024xf32>
    %reduce_max3A_161 = vector.multi_reduction <maximumf>, %dot_general3A_159, %reduce_max3A_160 [0] : vector<256x1024xf32> to vector<1024xf32>
    %broadcast_in_dim3A_162 = vector.shape_cast %reduce_max3A_161 : vector<1024xf32> to vector<1x1024xf32>
    %iota3A_163 = tpu.iota {dimensions = array<i32: 0>} : vector<256x1024xi32>
    %ge3A_164 = vector.broadcast %broadcast_in_dim3A_162 : vector<1x1024xf32> to vector<256x1024xf32>
    %ge3A_165 = arith.cmpf oge, %dot_general3A_159, %ge3A_164 : vector<256x1024xf32>
    %jit3A_166 = arith.constant 256 : i32
    %broadcast_in_dim3A_167 = vector.broadcast %jit3A_166 : i32 to vector<256x1024xi32>
    %select_n3A_168 = arith.select %ge3A_165, %iota3A_163, %broadcast_in_dim3A_167 : vector<256x1024xi1>, vector<256x1024xi32>
    %reduce_min3A_169 = arith.constant dense<2147483647> : vector<1024xi32>
    %reduce_min3A_170 = vector.multi_reduction <minsi>, %select_n3A_168, %reduce_min3A_169 [0] : vector<256x1024xi32> to vector<1024xi32>
    %broadcast_in_dim3A_171 = vector.shape_cast %reduce_min3A_170 : vector<1024xi32> to vector<1x1024xi32>
    %get3A_172 = arith.constant 144 : index
    %get3A_173 = arith.constant 0 : index
    %get3A_174 = vector.load %arg3[%get3A_172, %get3A_173] : memref<1536x256xbf16, #tpu.memory_space<vmem>>, vector<16x256xbf16>
    %slice3A_175 = vector.extract_strided_slice %convert_element_type3A {offsets = [72, 0], sizes = [8, 1024], strides = [1, 1]} : vector<768x1024xbf16> to vector<8x1024xbf16>
    %concatenate3A_176 = tpu.concatenate %slice3A_175, %broadcast_in_dim3A_8 in 0 : vector<8x1024xbf16>, vector<8x1024xbf16> -> vector<16x1024xbf16>
    %dot_general3A_177 = arith.constant dense<0.000000e+00> : vector<256x1024xf32>
    %dot_general3A_178 = tpu.matmul %get3A_174, %concatenate3A_176, %dot_general3A_177 {dimension_numbers = #tpu.dot_dimension_numbers<[0], [0], [1], [1], [0, 1, 1, 1], [], []>, transpose_lhs_hint = false} : vector<16x256xbf16>, vector<16x1024xbf16>, vector<256x1024xf32> -> vector<256x1024xf32>
    %reduce_max3A_179 = arith.constant dense<0xFF800000> : vector<1024xf32>
    %reduce_max3A_180 = vector.multi_reduction <maximumf>, %dot_general3A_178, %reduce_max3A_179 [0] : vector<256x1024xf32> to vector<1024xf32>
    %broadcast_in_dim3A_181 = vector.shape_cast %reduce_max3A_180 : vector<1024xf32> to vector<1x1024xf32>
    %iota3A_182 = tpu.iota {dimensions = array<i32: 0>} : vector<256x1024xi32>
    %ge3A_183 = vector.broadcast %broadcast_in_dim3A_181 : vector<1x1024xf32> to vector<256x1024xf32>
    %ge3A_184 = arith.cmpf oge, %dot_general3A_178, %ge3A_183 : vector<256x1024xf32>
    %jit3A_185 = arith.constant 256 : i32
    %broadcast_in_dim3A_186 = vector.broadcast %jit3A_185 : i32 to vector<256x1024xi32>
    %select_n3A_187 = arith.select %ge3A_184, %iota3A_182, %broadcast_in_dim3A_186 : vector<256x1024xi1>, vector<256x1024xi32>
    %reduce_min3A_188 = arith.constant dense<2147483647> : vector<1024xi32>
    %reduce_min3A_189 = vector.multi_reduction <minsi>, %select_n3A_187, %reduce_min3A_188 [0] : vector<256x1024xi32> to vector<1024xi32>
    %broadcast_in_dim3A_190 = vector.shape_cast %reduce_min3A_189 : vector<1024xi32> to vector<1x1024xi32>
    %get3A_191 = arith.constant 160 : index
    %get3A_192 = arith.constant 0 : index
    %get3A_193 = vector.load %arg3[%get3A_191, %get3A_192] : memref<1536x256xbf16, #tpu.memory_space<vmem>>, vector<16x256xbf16>
    %slice3A_194 = vector.extract_strided_slice %convert_element_type3A {offsets = [80, 0], sizes = [8, 1024], strides = [1, 1]} : vector<768x1024xbf16> to vector<8x1024xbf16>
    %concatenate3A_195 = tpu.concatenate %slice3A_194, %broadcast_in_dim3A_8 in 0 : vector<8x1024xbf16>, vector<8x1024xbf16> -> vector<16x1024xbf16>
    %dot_general3A_196 = arith.constant dense<0.000000e+00> : vector<256x1024xf32>
    %dot_general3A_197 = tpu.matmul %get3A_193, %concatenate3A_195, %dot_general3A_196 {dimension_numbers = #tpu.dot_dimension_numbers<[0], [0], [1], [1], [0, 1, 1, 1], [], []>, transpose_lhs_hint = false} : vector<16x256xbf16>, vector<16x1024xbf16>, vector<256x1024xf32> -> vector<256x1024xf32>
    %reduce_max3A_198 = arith.constant dense<0xFF800000> : vector<1024xf32>
    %reduce_max3A_199 = vector.multi_reduction <maximumf>, %dot_general3A_197, %reduce_max3A_198 [0] : vector<256x1024xf32> to vector<1024xf32>
    %broadcast_in_dim3A_200 = vector.shape_cast %reduce_max3A_199 : vector<1024xf32> to vector<1x1024xf32>
    %iota3A_201 = tpu.iota {dimensions = array<i32: 0>} : vector<256x1024xi32>
    %ge3A_202 = vector.broadcast %broadcast_in_dim3A_200 : vector<1x1024xf32> to vector<256x1024xf32>
    %ge3A_203 = arith.cmpf oge, %dot_general3A_197, %ge3A_202 : vector<256x1024xf32>
    %jit3A_204 = arith.constant 256 : i32
    %broadcast_in_dim3A_205 = vector.broadcast %jit3A_204 : i32 to vector<256x1024xi32>
    %select_n3A_206 = arith.select %ge3A_203, %iota3A_201, %broadcast_in_dim3A_205 : vector<256x1024xi1>, vector<256x1024xi32>
    %reduce_min3A_207 = arith.constant dense<2147483647> : vector<1024xi32>
    %reduce_min3A_208 = vector.multi_reduction <minsi>, %select_n3A_206, %reduce_min3A_207 [0] : vector<256x1024xi32> to vector<1024xi32>
    %broadcast_in_dim3A_209 = vector.shape_cast %reduce_min3A_208 : vector<1024xi32> to vector<1x1024xi32>
    %get3A_210 = arith.constant 176 : index
    %get3A_211 = arith.constant 0 : index
    %get3A_212 = vector.load %arg3[%get3A_210, %get3A_211] : memref<1536x256xbf16, #tpu.memory_space<vmem>>, vector<16x256xbf16>
    %slice3A_213 = vector.extract_strided_slice %convert_element_type3A {offsets = [88, 0], sizes = [8, 1024], strides = [1, 1]} : vector<768x1024xbf16> to vector<8x1024xbf16>
    %concatenate3A_214 = tpu.concatenate %slice3A_213, %broadcast_in_dim3A_8 in 0 : vector<8x1024xbf16>, vector<8x1024xbf16> -> vector<16x1024xbf16>
    %dot_general3A_215 = arith.constant dense<0.000000e+00> : vector<256x1024xf32>
    %dot_general3A_216 = tpu.matmul %get3A_212, %concatenate3A_214, %dot_general3A_215 {dimension_numbers = #tpu.dot_dimension_numbers<[0], [0], [1], [1], [0, 1, 1, 1], [], []>, transpose_lhs_hint = false} : vector<16x256xbf16>, vector<16x1024xbf16>, vector<256x1024xf32> -> vector<256x1024xf32>
    %reduce_max3A_217 = arith.constant dense<0xFF800000> : vector<1024xf32>
    %reduce_max3A_218 = vector.multi_reduction <maximumf>, %dot_general3A_216, %reduce_max3A_217 [0] : vector<256x1024xf32> to vector<1024xf32>
    %broadcast_in_dim3A_219 = vector.shape_cast %reduce_max3A_218 : vector<1024xf32> to vector<1x1024xf32>
    %iota3A_220 = tpu.iota {dimensions = array<i32: 0>} : vector<256x1024xi32>
    %ge3A_221 = vector.broadcast %broadcast_in_dim3A_219 : vector<1x1024xf32> to vector<256x1024xf32>
    %ge3A_222 = arith.cmpf oge, %dot_general3A_216, %ge3A_221 : vector<256x1024xf32>
    %jit3A_223 = arith.constant 256 : i32
    %broadcast_in_dim3A_224 = vector.broadcast %jit3A_223 : i32 to vector<256x1024xi32>
    %select_n3A_225 = arith.select %ge3A_222, %iota3A_220, %broadcast_in_dim3A_224 : vector<256x1024xi1>, vector<256x1024xi32>
    %reduce_min3A_226 = arith.constant dense<2147483647> : vector<1024xi32>
    %reduce_min3A_227 = vector.multi_reduction <minsi>, %select_n3A_225, %reduce_min3A_226 [0] : vector<256x1024xi32> to vector<1024xi32>
    %broadcast_in_dim3A_228 = vector.shape_cast %reduce_min3A_227 : vector<1024xi32> to vector<1x1024xi32>
    %get3A_229 = arith.constant 192 : index
    %get3A_230 = arith.constant 0 : index
    %get3A_231 = vector.load %arg3[%get3A_229, %get3A_230] : memref<1536x256xbf16, #tpu.memory_space<vmem>>, vector<16x256xbf16>
    %slice3A_232 = vector.extract_strided_slice %convert_element_type3A {offsets = [96, 0], sizes = [8, 1024], strides = [1, 1]} : vector<768x1024xbf16> to vector<8x1024xbf16>
    %concatenate3A_233 = tpu.concatenate %slice3A_232, %broadcast_in_dim3A_8 in 0 : vector<8x1024xbf16>, vector<8x1024xbf16> -> vector<16x1024xbf16>
    %dot_general3A_234 = arith.constant dense<0.000000e+00> : vector<256x1024xf32>
    %dot_general3A_235 = tpu.matmul %get3A_231, %concatenate3A_233, %dot_general3A_234 {dimension_numbers = #tpu.dot_dimension_numbers<[0], [0], [1], [1], [0, 1, 1, 1], [], []>, transpose_lhs_hint = false} : vector<16x256xbf16>, vector<16x1024xbf16>, vector<256x1024xf32> -> vector<256x1024xf32>
    %reduce_max3A_236 = arith.constant dense<0xFF800000> : vector<1024xf32>
    %reduce_max3A_237 = vector.multi_reduction <maximumf>, %dot_general3A_235, %reduce_max3A_236 [0] : vector<256x1024xf32> to vector<1024xf32>
    %broadcast_in_dim3A_238 = vector.shape_cast %reduce_max3A_237 : vector<1024xf32> to vector<1x1024xf32>
    %iota3A_239 = tpu.iota {dimensions = array<i32: 0>} : vector<256x1024xi32>
    %ge3A_240 = vector.broadcast %broadcast_in_dim3A_238 : vector<1x1024xf32> to vector<256x1024xf32>
    %ge3A_241 = arith.cmpf oge, %dot_general3A_235, %ge3A_240 : vector<256x1024xf32>
    %jit3A_242 = arith.constant 256 : i32
    %broadcast_in_dim3A_243 = vector.broadcast %jit3A_242 : i32 to vector<256x1024xi32>
    %select_n3A_244 = arith.select %ge3A_241, %iota3A_239, %broadcast_in_dim3A_243 : vector<256x1024xi1>, vector<256x1024xi32>
    %reduce_min3A_245 = arith.constant dense<2147483647> : vector<1024xi32>
    %reduce_min3A_246 = vector.multi_reduction <minsi>, %select_n3A_244, %reduce_min3A_245 [0] : vector<256x1024xi32> to vector<1024xi32>
    %broadcast_in_dim3A_247 = vector.shape_cast %reduce_min3A_246 : vector<1024xi32> to vector<1x1024xi32>
    %get3A_248 = arith.constant 208 : index
    %get3A_249 = arith.constant 0 : index
    %get3A_250 = vector.load %arg3[%get3A_248, %get3A_249] : memref<1536x256xbf16, #tpu.memory_space<vmem>>, vector<16x256xbf16>
    %slice3A_251 = vector.extract_strided_slice %convert_element_type3A {offsets = [104, 0], sizes = [8, 1024], strides = [1, 1]} : vector<768x1024xbf16> to vector<8x1024xbf16>
    %concatenate3A_252 = tpu.concatenate %slice3A_251, %broadcast_in_dim3A_8 in 0 : vector<8x1024xbf16>, vector<8x1024xbf16> -> vector<16x1024xbf16>
    %dot_general3A_253 = arith.constant dense<0.000000e+00> : vector<256x1024xf32>
    %dot_general3A_254 = tpu.matmul %get3A_250, %concatenate3A_252, %dot_general3A_253 {dimension_numbers = #tpu.dot_dimension_numbers<[0], [0], [1], [1], [0, 1, 1, 1], [], []>, transpose_lhs_hint = false} : vector<16x256xbf16>, vector<16x1024xbf16>, vector<256x1024xf32> -> vector<256x1024xf32>
    %reduce_max3A_255 = arith.constant dense<0xFF800000> : vector<1024xf32>
    %reduce_max3A_256 = vector.multi_reduction <maximumf>, %dot_general3A_254, %reduce_max3A_255 [0] : vector<256x1024xf32> to vector<1024xf32>
    %broadcast_in_dim3A_257 = vector.shape_cast %reduce_max3A_256 : vector<1024xf32> to vector<1x1024xf32>
    %iota3A_258 = tpu.iota {dimensions = array<i32: 0>} : vector<256x1024xi32>
    %ge3A_259 = vector.broadcast %broadcast_in_dim3A_257 : vector<1x1024xf32> to vector<256x1024xf32>
    %ge3A_260 = arith.cmpf oge, %dot_general3A_254, %ge3A_259 : vector<256x1024xf32>
    %jit3A_261 = arith.constant 256 : i32
    %broadcast_in_dim3A_262 = vector.broadcast %jit3A_261 : i32 to vector<256x1024xi32>
    %select_n3A_263 = arith.select %ge3A_260, %iota3A_258, %broadcast_in_dim3A_262 : vector<256x1024xi1>, vector<256x1024xi32>
    %reduce_min3A_264 = arith.constant dense<2147483647> : vector<1024xi32>
    %reduce_min3A_265 = vector.multi_reduction <minsi>, %select_n3A_263, %reduce_min3A_264 [0] : vector<256x1024xi32> to vector<1024xi32>
    %broadcast_in_dim3A_266 = vector.shape_cast %reduce_min3A_265 : vector<1024xi32> to vector<1x1024xi32>
    %get3A_267 = arith.constant 224 : index
    %get3A_268 = arith.constant 0 : index
    %get3A_269 = vector.load %arg3[%get3A_267, %get3A_268] : memref<1536x256xbf16, #tpu.memory_space<vmem>>, vector<16x256xbf16>
    %slice3A_270 = vector.extract_strided_slice %convert_element_type3A {offsets = [112, 0], sizes = [8, 1024], strides = [1, 1]} : vector<768x1024xbf16> to vector<8x1024xbf16>
    %concatenate3A_271 = tpu.concatenate %slice3A_270, %broadcast_in_dim3A_8 in 0 : vector<8x1024xbf16>, vector<8x1024xbf16> -> vector<16x1024xbf16>
    %dot_general3A_272 = arith.constant dense<0.000000e+00> : vector<256x1024xf32>
    %dot_general3A_273 = tpu.matmul %get3A_269, %concatenate3A_271, %dot_general3A_272 {dimension_numbers = #tpu.dot_dimension_numbers<[0], [0], [1], [1], [0, 1, 1, 1], [], []>, transpose_lhs_hint = false} : vector<16x256xbf16>, vector<16x1024xbf16>, vector<256x1024xf32> -> vector<256x1024xf32>
    %reduce_max3A_274 = arith.constant dense<0xFF800000> : vector<1024xf32>
    %reduce_max3A_275 = vector.multi_reduction <maximumf>, %dot_general3A_273, %reduce_max3A_274 [0] : vector<256x1024xf32> to vector<1024xf32>
    %broadcast_in_dim3A_276 = vector.shape_cast %reduce_max3A_275 : vector<1024xf32> to vector<1x1024xf32>
    %iota3A_277 = tpu.iota {dimensions = array<i32: 0>} : vector<256x1024xi32>
    %ge3A_278 = vector.broadcast %broadcast_in_dim3A_276 : vector<1x1024xf32> to vector<256x1024xf32>
    %ge3A_279 = arith.cmpf oge, %dot_general3A_273, %ge3A_278 : vector<256x1024xf32>
    %jit3A_280 = arith.constant 256 : i32
    %broadcast_in_dim3A_281 = vector.broadcast %jit3A_280 : i32 to vector<256x1024xi32>
    %select_n3A_282 = arith.select %ge3A_279, %iota3A_277, %broadcast_in_dim3A_281 : vector<256x1024xi1>, vector<256x1024xi32>
    %reduce_min3A_283 = arith.constant dense<2147483647> : vector<1024xi32>
    %reduce_min3A_284 = vector.multi_reduction <minsi>, %select_n3A_282, %reduce_min3A_283 [0] : vector<256x1024xi32> to vector<1024xi32>
    %broadcast_in_dim3A_285 = vector.shape_cast %reduce_min3A_284 : vector<1024xi32> to vector<1x1024xi32>
    %get3A_286 = arith.constant 240 : index
    %get3A_287 = arith.constant 0 : index
    %get3A_288 = vector.load %arg3[%get3A_286, %get3A_287] : memref<1536x256xbf16, #tpu.memory_space<vmem>>, vector<16x256xbf16>
    %slice3A_289 = vector.extract_strided_slice %convert_element_type3A {offsets = [120, 0], sizes = [8, 1024], strides = [1, 1]} : vector<768x1024xbf16> to vector<8x1024xbf16>
    %concatenate3A_290 = tpu.concatenate %slice3A_289, %broadcast_in_dim3A_8 in 0 : vector<8x1024xbf16>, vector<8x1024xbf16> -> vector<16x1024xbf16>
    %dot_general3A_291 = arith.constant dense<0.000000e+00> : vector<256x1024xf32>
    %dot_general3A_292 = tpu.matmul %get3A_288, %concatenate3A_290, %dot_general3A_291 {dimension_numbers = #tpu.dot_dimension_numbers<[0], [0], [1], [1], [0, 1, 1, 1], [], []>, transpose_lhs_hint = false} : vector<16x256xbf16>, vector<16x1024xbf16>, vector<256x1024xf32> -> vector<256x1024xf32>
    %reduce_max3A_293 = arith.constant dense<0xFF800000> : vector<1024xf32>
    %reduce_max3A_294 = vector.multi_reduction <maximumf>, %dot_general3A_292, %reduce_max3A_293 [0] : vector<256x1024xf32> to vector<1024xf32>
    %broadcast_in_dim3A_295 = vector.shape_cast %reduce_max3A_294 : vector<1024xf32> to vector<1x1024xf32>
    %iota3A_296 = tpu.iota {dimensions = array<i32: 0>} : vector<256x1024xi32>
    %ge3A_297 = vector.broadcast %broadcast_in_dim3A_295 : vector<1x1024xf32> to vector<256x1024xf32>
    %ge3A_298 = arith.cmpf oge, %dot_general3A_292, %ge3A_297 : vector<256x1024xf32>
    %jit3A_299 = arith.constant 256 : i32
    %broadcast_in_dim3A_300 = vector.broadcast %jit3A_299 : i32 to vector<256x1024xi32>
    %select_n3A_301 = arith.select %ge3A_298, %iota3A_296, %broadcast_in_dim3A_300 : vector<256x1024xi1>, vector<256x1024xi32>
    %reduce_min3A_302 = arith.constant dense<2147483647> : vector<1024xi32>
    %reduce_min3A_303 = vector.multi_reduction <minsi>, %select_n3A_301, %reduce_min3A_302 [0] : vector<256x1024xi32> to vector<1024xi32>
    %broadcast_in_dim3A_304 = vector.shape_cast %reduce_min3A_303 : vector<1024xi32> to vector<1x1024xi32>
    %get3A_305 = arith.constant 256 : index
    %get3A_306 = arith.constant 0 : index
    %get3A_307 = vector.load %arg3[%get3A_305, %get3A_306] : memref<1536x256xbf16, #tpu.memory_space<vmem>>, vector<16x256xbf16>
    %slice3A_308 = vector.extract_strided_slice %convert_element_type3A {offsets = [128, 0], sizes = [8, 1024], strides = [1, 1]} : vector<768x1024xbf16> to vector<8x1024xbf16>
    %concatenate3A_309 = tpu.concatenate %slice3A_308, %broadcast_in_dim3A_8 in 0 : vector<8x1024xbf16>, vector<8x1024xbf16> -> vector<16x1024xbf16>
    %dot_general3A_310 = arith.constant dense<0.000000e+00> : vector<256x1024xf32>
    %dot_general3A_311 = tpu.matmul %get3A_307, %concatenate3A_309, %dot_general3A_310 {dimension_numbers = #tpu.dot_dimension_numbers<[0], [0], [1], [1], [0, 1, 1, 1], [], []>, transpose_lhs_hint = false} : vector<16x256xbf16>, vector<16x1024xbf16>, vector<256x1024xf32> -> vector<256x1024xf32>
    %reduce_max3A_312 = arith.constant dense<0xFF800000> : vector<1024xf32>
    %reduce_max3A_313 = vector.multi_reduction <maximumf>, %dot_general3A_311, %reduce_max3A_312 [0] : vector<256x1024xf32> to vector<1024xf32>
    %broadcast_in_dim3A_314 = vector.shape_cast %reduce_max3A_313 : vector<1024xf32> to vector<1x1024xf32>
    %iota3A_315 = tpu.iota {dimensions = array<i32: 0>} : vector<256x1024xi32>
    %ge3A_316 = vector.broadcast %broadcast_in_dim3A_314 : vector<1x1024xf32> to vector<256x1024xf32>
    %ge3A_317 = arith.cmpf oge, %dot_general3A_311, %ge3A_316 : vector<256x1024xf32>
    %jit3A_318 = arith.constant 256 : i32
    %broadcast_in_dim3A_319 = vector.broadcast %jit3A_318 : i32 to vector<256x1024xi32>
    %select_n3A_320 = arith.select %ge3A_317, %iota3A_315, %broadcast_in_dim3A_319 : vector<256x1024xi1>, vector<256x1024xi32>
    %reduce_min3A_321 = arith.constant dense<2147483647> : vector<1024xi32>
    %reduce_min3A_322 = vector.multi_reduction <minsi>, %select_n3A_320, %reduce_min3A_321 [0] : vector<256x1024xi32> to vector<1024xi32>
    %broadcast_in_dim3A_323 = vector.shape_cast %reduce_min3A_322 : vector<1024xi32> to vector<1x1024xi32>
    %get3A_324 = arith.constant 272 : index
    %get3A_325 = arith.constant 0 : index
    %get3A_326 = vector.load %arg3[%get3A_324, %get3A_325] : memref<1536x256xbf16, #tpu.memory_space<vmem>>, vector<16x256xbf16>
    %slice3A_327 = vector.extract_strided_slice %convert_element_type3A {offsets = [136, 0], sizes = [8, 1024], strides = [1, 1]} : vector<768x1024xbf16> to vector<8x1024xbf16>
    %concatenate3A_328 = tpu.concatenate %slice3A_327, %broadcast_in_dim3A_8 in 0 : vector<8x1024xbf16>, vector<8x1024xbf16> -> vector<16x1024xbf16>
    %dot_general3A_329 = arith.constant dense<0.000000e+00> : vector<256x1024xf32>
    %dot_general3A_330 = tpu.matmul %get3A_326, %concatenate3A_328, %dot_general3A_329 {dimension_numbers = #tpu.dot_dimension_numbers<[0], [0], [1], [1], [0, 1, 1, 1], [], []>, transpose_lhs_hint = false} : vector<16x256xbf16>, vector<16x1024xbf16>, vector<256x1024xf32> -> vector<256x1024xf32>
    %reduce_max3A_331 = arith.constant dense<0xFF800000> : vector<1024xf32>
    %reduce_max3A_332 = vector.multi_reduction <maximumf>, %dot_general3A_330, %reduce_max3A_331 [0] : vector<256x1024xf32> to vector<1024xf32>
    %broadcast_in_dim3A_333 = vector.shape_cast %reduce_max3A_332 : vector<1024xf32> to vector<1x1024xf32>
    %iota3A_334 = tpu.iota {dimensions = array<i32: 0>} : vector<256x1024xi32>
    %ge3A_335 = vector.broadcast %broadcast_in_dim3A_333 : vector<1x1024xf32> to vector<256x1024xf32>
    %ge3A_336 = arith.cmpf oge, %dot_general3A_330, %ge3A_335 : vector<256x1024xf32>
    %jit3A_337 = arith.constant 256 : i32
    %broadcast_in_dim3A_338 = vector.broadcast %jit3A_337 : i32 to vector<256x1024xi32>
    %select_n3A_339 = arith.select %ge3A_336, %iota3A_334, %broadcast_in_dim3A_338 : vector<256x1024xi1>, vector<256x1024xi32>
    %reduce_min3A_340 = arith.constant dense<2147483647> : vector<1024xi32>
    %reduce_min3A_341 = vector.multi_reduction <minsi>, %select_n3A_339, %reduce_min3A_340 [0] : vector<256x1024xi32> to vector<1024xi32>
    %broadcast_in_dim3A_342 = vector.shape_cast %reduce_min3A_341 : vector<1024xi32> to vector<1x1024xi32>
    %get3A_343 = arith.constant 288 : index
    %get3A_344 = arith.constant 0 : index
    %get3A_345 = vector.load %arg3[%get3A_343, %get3A_344] : memref<1536x256xbf16, #tpu.memory_space<vmem>>, vector<16x256xbf16>
    %slice3A_346 = vector.extract_strided_slice %convert_element_type3A {offsets = [144, 0], sizes = [8, 1024], strides = [1, 1]} : vector<768x1024xbf16> to vector<8x1024xbf16>
    %concatenate3A_347 = tpu.concatenate %slice3A_346, %broadcast_in_dim3A_8 in 0 : vector<8x1024xbf16>, vector<8x1024xbf16> -> vector<16x1024xbf16>
    %dot_general3A_348 = arith.constant dense<0.000000e+00> : vector<256x1024xf32>
    %dot_general3A_349 = tpu.matmul %get3A_345, %concatenate3A_347, %dot_general3A_348 {dimension_numbers = #tpu.dot_dimension_numbers<[0], [0], [1], [1], [0, 1, 1, 1], [], []>, transpose_lhs_hint = false} : vector<16x256xbf16>, vector<16x1024xbf16>, vector<256x1024xf32> -> vector<256x1024xf32>
    %reduce_max3A_350 = arith.constant dense<0xFF800000> : vector<1024xf32>
    %reduce_max3A_351 = vector.multi_reduction <maximumf>, %dot_general3A_349, %reduce_max3A_350 [0] : vector<256x1024xf32> to vector<1024xf32>
    %broadcast_in_dim3A_352 = vector.shape_cast %reduce_max3A_351 : vector<1024xf32> to vector<1x1024xf32>
    %iota3A_353 = tpu.iota {dimensions = array<i32: 0>} : vector<256x1024xi32>
    %ge3A_354 = vector.broadcast %broadcast_in_dim3A_352 : vector<1x1024xf32> to vector<256x1024xf32>
    %ge3A_355 = arith.cmpf oge, %dot_general3A_349, %ge3A_354 : vector<256x1024xf32>
    %jit3A_356 = arith.constant 256 : i32
    %broadcast_in_dim3A_357 = vector.broadcast %jit3A_356 : i32 to vector<256x1024xi32>
    %select_n3A_358 = arith.select %ge3A_355, %iota3A_353, %broadcast_in_dim3A_357 : vector<256x1024xi1>, vector<256x1024xi32>
    %reduce_min3A_359 = arith.constant dense<2147483647> : vector<1024xi32>
    %reduce_min3A_360 = vector.multi_reduction <minsi>, %select_n3A_358, %reduce_min3A_359 [0] : vector<256x1024xi32> to vector<1024xi32>
    %broadcast_in_dim3A_361 = vector.shape_cast %reduce_min3A_360 : vector<1024xi32> to vector<1x1024xi32>
    %get3A_362 = arith.constant 304 : index
    %get3A_363 = arith.constant 0 : index
    %get3A_364 = vector.load %arg3[%get3A_362, %get3A_363] : memref<1536x256xbf16, #tpu.memory_space<vmem>>, vector<16x256xbf16>
    %slice3A_365 = vector.extract_strided_slice %convert_element_type3A {offsets = [152, 0], sizes = [8, 1024], strides = [1, 1]} : vector<768x1024xbf16> to vector<8x1024xbf16>
    %concatenate3A_366 = tpu.concatenate %slice3A_365, %broadcast_in_dim3A_8 in 0 : vector<8x1024xbf16>, vector<8x1024xbf16> -> vector<16x1024xbf16>
    %dot_general3A_367 = arith.constant dense<0.000000e+00> : vector<256x1024xf32>
    %dot_general3A_368 = tpu.matmul %get3A_364, %concatenate3A_366, %dot_general3A_367 {dimension_numbers = #tpu.dot_dimension_numbers<[0], [0], [1], [1], [0, 1, 1, 1], [], []>, transpose_lhs_hint = false} : vector<16x256xbf16>, vector<16x1024xbf16>, vector<256x1024xf32> -> vector<256x1024xf32>
    %reduce_max3A_369 = arith.constant dense<0xFF800000> : vector<1024xf32>
    %reduce_max3A_370 = vector.multi_reduction <maximumf>, %dot_general3A_368, %reduce_max3A_369 [0] : vector<256x1024xf32> to vector<1024xf32>
    %broadcast_in_dim3A_371 = vector.shape_cast %reduce_max3A_370 : vector<1024xf32> to vector<1x1024xf32>
    %iota3A_372 = tpu.iota {dimensions = array<i32: 0>} : vector<256x1024xi32>
    %ge3A_373 = vector.broadcast %broadcast_in_dim3A_371 : vector<1x1024xf32> to vector<256x1024xf32>
    %ge3A_374 = arith.cmpf oge, %dot_general3A_368, %ge3A_373 : vector<256x1024xf32>
    %jit3A_375 = arith.constant 256 : i32
    %broadcast_in_dim3A_376 = vector.broadcast %jit3A_375 : i32 to vector<256x1024xi32>
    %select_n3A_377 = arith.select %ge3A_374, %iota3A_372, %broadcast_in_dim3A_376 : vector<256x1024xi1>, vector<256x1024xi32>
    %reduce_min3A_378 = arith.constant dense<2147483647> : vector<1024xi32>
    %reduce_min3A_379 = vector.multi_reduction <minsi>, %select_n3A_377, %reduce_min3A_378 [0] : vector<256x1024xi32> to vector<1024xi32>
    %broadcast_in_dim3A_380 = vector.shape_cast %reduce_min3A_379 : vector<1024xi32> to vector<1x1024xi32>
    %get3A_381 = arith.constant 320 : index
    %get3A_382 = arith.constant 0 : index
    %get3A_383 = vector.load %arg3[%get3A_381, %get3A_382] : memref<1536x256xbf16, #tpu.memory_space<vmem>>, vector<16x256xbf16>
    %slice3A_384 = vector.extract_strided_slice %convert_element_type3A {offsets = [160, 0], sizes = [8, 1024], strides = [1, 1]} : vector<768x1024xbf16> to vector<8x1024xbf16>
    %concatenate3A_385 = tpu.concatenate %slice3A_384, %broadcast_in_dim3A_8 in 0 : vector<8x1024xbf16>, vector<8x1024xbf16> -> vector<16x1024xbf16>
    %dot_general3A_386 = arith.constant dense<0.000000e+00> : vector<256x1024xf32>
    %dot_general3A_387 = tpu.matmul %get3A_383, %concatenate3A_385, %dot_general3A_386 {dimension_numbers = #tpu.dot_dimension_numbers<[0], [0], [1], [1], [0, 1, 1, 1], [], []>, transpose_lhs_hint = false} : vector<16x256xbf16>, vector<16x1024xbf16>, vector<256x1024xf32> -> vector<256x1024xf32>
    %reduce_max3A_388 = arith.constant dense<0xFF800000> : vector<1024xf32>
    %reduce_max3A_389 = vector.multi_reduction <maximumf>, %dot_general3A_387, %reduce_max3A_388 [0] : vector<256x1024xf32> to vector<1024xf32>
    %broadcast_in_dim3A_390 = vector.shape_cast %reduce_max3A_389 : vector<1024xf32> to vector<1x1024xf32>
    %iota3A_391 = tpu.iota {dimensions = array<i32: 0>} : vector<256x1024xi32>
    %ge3A_392 = vector.broadcast %broadcast_in_dim3A_390 : vector<1x1024xf32> to vector<256x1024xf32>
    %ge3A_393 = arith.cmpf oge, %dot_general3A_387, %ge3A_392 : vector<256x1024xf32>
    %jit3A_394 = arith.constant 256 : i32
    %broadcast_in_dim3A_395 = vector.broadcast %jit3A_394 : i32 to vector<256x1024xi32>
    %select_n3A_396 = arith.select %ge3A_393, %iota3A_391, %broadcast_in_dim3A_395 : vector<256x1024xi1>, vector<256x1024xi32>
    %reduce_min3A_397 = arith.constant dense<2147483647> : vector<1024xi32>
    %reduce_min3A_398 = vector.multi_reduction <minsi>, %select_n3A_396, %reduce_min3A_397 [0] : vector<256x1024xi32> to vector<1024xi32>
    %broadcast_in_dim3A_399 = vector.shape_cast %reduce_min3A_398 : vector<1024xi32> to vector<1x1024xi32>
    %get3A_400 = arith.constant 336 : index
    %get3A_401 = arith.constant 0 : index
    %get3A_402 = vector.load %arg3[%get3A_400, %get3A_401] : memref<1536x256xbf16, #tpu.memory_space<vmem>>, vector<16x256xbf16>
    %slice3A_403 = vector.extract_strided_slice %convert_element_type3A {offsets = [168, 0], sizes = [8, 1024], strides = [1, 1]} : vector<768x1024xbf16> to vector<8x1024xbf16>
    %concatenate3A_404 = tpu.concatenate %slice3A_403, %broadcast_in_dim3A_8 in 0 : vector<8x1024xbf16>, vector<8x1024xbf16> -> vector<16x1024xbf16>
    %dot_general3A_405 = arith.constant dense<0.000000e+00> : vector<256x1024xf32>
    %dot_general3A_406 = tpu.matmul %get3A_402, %concatenate3A_404, %dot_general3A_405 {dimension_numbers = #tpu.dot_dimension_numbers<[0], [0], [1], [1], [0, 1, 1, 1], [], []>, transpose_lhs_hint = false} : vector<16x256xbf16>, vector<16x1024xbf16>, vector<256x1024xf32> -> vector<256x1024xf32>
    %reduce_max3A_407 = arith.constant dense<0xFF800000> : vector<1024xf32>
    %reduce_max3A_408 = vector.multi_reduction <maximumf>, %dot_general3A_406, %reduce_max3A_407 [0] : vector<256x1024xf32> to vector<1024xf32>
    %broadcast_in_dim3A_409 = vector.shape_cast %reduce_max3A_408 : vector<1024xf32> to vector<1x1024xf32>
    %iota3A_410 = tpu.iota {dimensions = array<i32: 0>} : vector<256x1024xi32>
    %ge3A_411 = vector.broadcast %broadcast_in_dim3A_409 : vector<1x1024xf32> to vector<256x1024xf32>
    %ge3A_412 = arith.cmpf oge, %dot_general3A_406, %ge3A_411 : vector<256x1024xf32>
    %jit3A_413 = arith.constant 256 : i32
    %broadcast_in_dim3A_414 = vector.broadcast %jit3A_413 : i32 to vector<256x1024xi32>
    %select_n3A_415 = arith.select %ge3A_412, %iota3A_410, %broadcast_in_dim3A_414 : vector<256x1024xi1>, vector<256x1024xi32>
    %reduce_min3A_416 = arith.constant dense<2147483647> : vector<1024xi32>
    %reduce_min3A_417 = vector.multi_reduction <minsi>, %select_n3A_415, %reduce_min3A_416 [0] : vector<256x1024xi32> to vector<1024xi32>
    %broadcast_in_dim3A_418 = vector.shape_cast %reduce_min3A_417 : vector<1024xi32> to vector<1x1024xi32>
    %get3A_419 = arith.constant 352 : index
    %get3A_420 = arith.constant 0 : index
    %get3A_421 = vector.load %arg3[%get3A_419, %get3A_420] : memref<1536x256xbf16, #tpu.memory_space<vmem>>, vector<16x256xbf16>
    %slice3A_422 = vector.extract_strided_slice %convert_element_type3A {offsets = [176, 0], sizes = [8, 1024], strides = [1, 1]} : vector<768x1024xbf16> to vector<8x1024xbf16>
    %concatenate3A_423 = tpu.concatenate %slice3A_422, %broadcast_in_dim3A_8 in 0 : vector<8x1024xbf16>, vector<8x1024xbf16> -> vector<16x1024xbf16>
    %dot_general3A_424 = arith.constant dense<0.000000e+00> : vector<256x1024xf32>
    %dot_general3A_425 = tpu.matmul %get3A_421, %concatenate3A_423, %dot_general3A_424 {dimension_numbers = #tpu.dot_dimension_numbers<[0], [0], [1], [1], [0, 1, 1, 1], [], []>, transpose_lhs_hint = false} : vector<16x256xbf16>, vector<16x1024xbf16>, vector<256x1024xf32> -> vector<256x1024xf32>
    %reduce_max3A_426 = arith.constant dense<0xFF800000> : vector<1024xf32>
    %reduce_max3A_427 = vector.multi_reduction <maximumf>, %dot_general3A_425, %reduce_max3A_426 [0] : vector<256x1024xf32> to vector<1024xf32>
    %broadcast_in_dim3A_428 = vector.shape_cast %reduce_max3A_427 : vector<1024xf32> to vector<1x1024xf32>
    %iota3A_429 = tpu.iota {dimensions = array<i32: 0>} : vector<256x1024xi32>
    %ge3A_430 = vector.broadcast %broadcast_in_dim3A_428 : vector<1x1024xf32> to vector<256x1024xf32>
    %ge3A_431 = arith.cmpf oge, %dot_general3A_425, %ge3A_430 : vector<256x1024xf32>
    %jit3A_432 = arith.constant 256 : i32
    %broadcast_in_dim3A_433 = vector.broadcast %jit3A_432 : i32 to vector<256x1024xi32>
    %select_n3A_434 = arith.select %ge3A_431, %iota3A_429, %broadcast_in_dim3A_433 : vector<256x1024xi1>, vector<256x1024xi32>
    %reduce_min3A_435 = arith.constant dense<2147483647> : vector<1024xi32>
    %reduce_min3A_436 = vector.multi_reduction <minsi>, %select_n3A_434, %reduce_min3A_435 [0] : vector<256x1024xi32> to vector<1024xi32>
    %broadcast_in_dim3A_437 = vector.shape_cast %reduce_min3A_436 : vector<1024xi32> to vector<1x1024xi32>
    %get3A_438 = arith.constant 368 : index
    %get3A_439 = arith.constant 0 : index
    %get3A_440 = vector.load %arg3[%get3A_438, %get3A_439] : memref<1536x256xbf16, #tpu.memory_space<vmem>>, vector<16x256xbf16>
    %slice3A_441 = vector.extract_strided_slice %convert_element_type3A {offsets = [184, 0], sizes = [8, 1024], strides = [1, 1]} : vector<768x1024xbf16> to vector<8x1024xbf16>
    %concatenate3A_442 = tpu.concatenate %slice3A_441, %broadcast_in_dim3A_8 in 0 : vector<8x1024xbf16>, vector<8x1024xbf16> -> vector<16x1024xbf16>
    %dot_general3A_443 = arith.constant dense<0.000000e+00> : vector<256x1024xf32>
    %dot_general3A_444 = tpu.matmul %get3A_440, %concatenate3A_442, %dot_general3A_443 {dimension_numbers = #tpu.dot_dimension_numbers<[0], [0], [1], [1], [0, 1, 1, 1], [], []>, transpose_lhs_hint = false} : vector<16x256xbf16>, vector<16x1024xbf16>, vector<256x1024xf32> -> vector<256x1024xf32>
    %reduce_max3A_445 = arith.constant dense<0xFF800000> : vector<1024xf32>
    %reduce_max3A_446 = vector.multi_reduction <maximumf>, %dot_general3A_444, %reduce_max3A_445 [0] : vector<256x1024xf32> to vector<1024xf32>
    %broadcast_in_dim3A_447 = vector.shape_cast %reduce_max3A_446 : vector<1024xf32> to vector<1x1024xf32>
    %iota3A_448 = tpu.iota {dimensions = array<i32: 0>} : vector<256x1024xi32>
    %ge3A_449 = vector.broadcast %broadcast_in_dim3A_447 : vector<1x1024xf32> to vector<256x1024xf32>
    %ge3A_450 = arith.cmpf oge, %dot_general3A_444, %ge3A_449 : vector<256x1024xf32>
    %jit3A_451 = arith.constant 256 : i32
    %broadcast_in_dim3A_452 = vector.broadcast %jit3A_451 : i32 to vector<256x1024xi32>
    %select_n3A_453 = arith.select %ge3A_450, %iota3A_448, %broadcast_in_dim3A_452 : vector<256x1024xi1>, vector<256x1024xi32>
    %reduce_min3A_454 = arith.constant dense<2147483647> : vector<1024xi32>
    %reduce_min3A_455 = vector.multi_reduction <minsi>, %select_n3A_453, %reduce_min3A_454 [0] : vector<256x1024xi32> to vector<1024xi32>
    %broadcast_in_dim3A_456 = vector.shape_cast %reduce_min3A_455 : vector<1024xi32> to vector<1x1024xi32>
    %get3A_457 = arith.constant 384 : index
    %get3A_458 = arith.constant 0 : index
    %get3A_459 = vector.load %arg3[%get3A_457, %get3A_458] : memref<1536x256xbf16, #tpu.memory_space<vmem>>, vector<16x256xbf16>
    %slice3A_460 = vector.extract_strided_slice %convert_element_type3A {offsets = [192, 0], sizes = [8, 1024], strides = [1, 1]} : vector<768x1024xbf16> to vector<8x1024xbf16>
    %concatenate3A_461 = tpu.concatenate %slice3A_460, %broadcast_in_dim3A_8 in 0 : vector<8x1024xbf16>, vector<8x1024xbf16> -> vector<16x1024xbf16>
    %dot_general3A_462 = arith.constant dense<0.000000e+00> : vector<256x1024xf32>
    %dot_general3A_463 = tpu.matmul %get3A_459, %concatenate3A_461, %dot_general3A_462 {dimension_numbers = #tpu.dot_dimension_numbers<[0], [0], [1], [1], [0, 1, 1, 1], [], []>, transpose_lhs_hint = false} : vector<16x256xbf16>, vector<16x1024xbf16>, vector<256x1024xf32> -> vector<256x1024xf32>
    %reduce_max3A_464 = arith.constant dense<0xFF800000> : vector<1024xf32>
    %reduce_max3A_465 = vector.multi_reduction <maximumf>, %dot_general3A_463, %reduce_max3A_464 [0] : vector<256x1024xf32> to vector<1024xf32>
    %broadcast_in_dim3A_466 = vector.shape_cast %reduce_max3A_465 : vector<1024xf32> to vector<1x1024xf32>
    %iota3A_467 = tpu.iota {dimensions = array<i32: 0>} : vector<256x1024xi32>
    %ge3A_468 = vector.broadcast %broadcast_in_dim3A_466 : vector<1x1024xf32> to vector<256x1024xf32>
    %ge3A_469 = arith.cmpf oge, %dot_general3A_463, %ge3A_468 : vector<256x1024xf32>
    %jit3A_470 = arith.constant 256 : i32
    %broadcast_in_dim3A_471 = vector.broadcast %jit3A_470 : i32 to vector<256x1024xi32>
    %select_n3A_472 = arith.select %ge3A_469, %iota3A_467, %broadcast_in_dim3A_471 : vector<256x1024xi1>, vector<256x1024xi32>
    %reduce_min3A_473 = arith.constant dense<2147483647> : vector<1024xi32>
    %reduce_min3A_474 = vector.multi_reduction <minsi>, %select_n3A_472, %reduce_min3A_473 [0] : vector<256x1024xi32> to vector<1024xi32>
    %broadcast_in_dim3A_475 = vector.shape_cast %reduce_min3A_474 : vector<1024xi32> to vector<1x1024xi32>
    %get3A_476 = arith.constant 400 : index
    %get3A_477 = arith.constant 0 : index
    %get3A_478 = vector.load %arg3[%get3A_476, %get3A_477] : memref<1536x256xbf16, #tpu.memory_space<vmem>>, vector<16x256xbf16>
    %slice3A_479 = vector.extract_strided_slice %convert_element_type3A {offsets = [200, 0], sizes = [8, 1024], strides = [1, 1]} : vector<768x1024xbf16> to vector<8x1024xbf16>
    %concatenate3A_480 = tpu.concatenate %slice3A_479, %broadcast_in_dim3A_8 in 0 : vector<8x1024xbf16>, vector<8x1024xbf16> -> vector<16x1024xbf16>
    %dot_general3A_481 = arith.constant dense<0.000000e+00> : vector<256x1024xf32>
    %dot_general3A_482 = tpu.matmul %get3A_478, %concatenate3A_480, %dot_general3A_481 {dimension_numbers = #tpu.dot_dimension_numbers<[0], [0], [1], [1], [0, 1, 1, 1], [], []>, transpose_lhs_hint = false} : vector<16x256xbf16>, vector<16x1024xbf16>, vector<256x1024xf32> -> vector<256x1024xf32>
    %reduce_max3A_483 = arith.constant dense<0xFF800000> : vector<1024xf32>
    %reduce_max3A_484 = vector.multi_reduction <maximumf>, %dot_general3A_482, %reduce_max3A_483 [0] : vector<256x1024xf32> to vector<1024xf32>
    %broadcast_in_dim3A_485 = vector.shape_cast %reduce_max3A_484 : vector<1024xf32> to vector<1x1024xf32>
    %iota3A_486 = tpu.iota {dimensions = array<i32: 0>} : vector<256x1024xi32>
    %ge3A_487 = vector.broadcast %broadcast_in_dim3A_485 : vector<1x1024xf32> to vector<256x1024xf32>
    %ge3A_488 = arith.cmpf oge, %dot_general3A_482, %ge3A_487 : vector<256x1024xf32>
    %jit3A_489 = arith.constant 256 : i32
    %broadcast_in_dim3A_490 = vector.broadcast %jit3A_489 : i32 to vector<256x1024xi32>
    %select_n3A_491 = arith.select %ge3A_488, %iota3A_486, %broadcast_in_dim3A_490 : vector<256x1024xi1>, vector<256x1024xi32>
    %reduce_min3A_492 = arith.constant dense<2147483647> : vector<1024xi32>
    %reduce_min3A_493 = vector.multi_reduction <minsi>, %select_n3A_491, %reduce_min3A_492 [0] : vector<256x1024xi32> to vector<1024xi32>
    %broadcast_in_dim3A_494 = vector.shape_cast %reduce_min3A_493 : vector<1024xi32> to vector<1x1024xi32>
    %get3A_495 = arith.constant 416 : index
    %get3A_496 = arith.constant 0 : index
    %get3A_497 = vector.load %arg3[%get3A_495, %get3A_496] : memref<1536x256xbf16, #tpu.memory_space<vmem>>, vector<16x256xbf16>
    %slice3A_498 = vector.extract_strided_slice %convert_element_type3A {offsets = [208, 0], sizes = [8, 1024], strides = [1, 1]} : vector<768x1024xbf16> to vector<8x1024xbf16>
    %concatenate3A_499 = tpu.concatenate %slice3A_498, %broadcast_in_dim3A_8 in 0 : vector<8x1024xbf16>, vector<8x1024xbf16> -> vector<16x1024xbf16>
    %dot_general3A_500 = arith.constant dense<0.000000e+00> : vector<256x1024xf32>
    %dot_general3A_501 = tpu.matmul %get3A_497, %concatenate3A_499, %dot_general3A_500 {dimension_numbers = #tpu.dot_dimension_numbers<[0], [0], [1], [1], [0, 1, 1, 1], [], []>, transpose_lhs_hint = false} : vector<16x256xbf16>, vector<16x1024xbf16>, vector<256x1024xf32> -> vector<256x1024xf32>
    %reduce_max3A_502 = arith.constant dense<0xFF800000> : vector<1024xf32>
    %reduce_max3A_503 = vector.multi_reduction <maximumf>, %dot_general3A_501, %reduce_max3A_502 [0] : vector<256x1024xf32> to vector<1024xf32>
    %broadcast_in_dim3A_504 = vector.shape_cast %reduce_max3A_503 : vector<1024xf32> to vector<1x1024xf32>
    %iota3A_505 = tpu.iota {dimensions = array<i32: 0>} : vector<256x1024xi32>
    %ge3A_506 = vector.broadcast %broadcast_in_dim3A_504 : vector<1x1024xf32> to vector<256x1024xf32>
    %ge3A_507 = arith.cmpf oge, %dot_general3A_501, %ge3A_506 : vector<256x1024xf32>
    %jit3A_508 = arith.constant 256 : i32
    %broadcast_in_dim3A_509 = vector.broadcast %jit3A_508 : i32 to vector<256x1024xi32>
    %select_n3A_510 = arith.select %ge3A_507, %iota3A_505, %broadcast_in_dim3A_509 : vector<256x1024xi1>, vector<256x1024xi32>
    %reduce_min3A_511 = arith.constant dense<2147483647> : vector<1024xi32>
    %reduce_min3A_512 = vector.multi_reduction <minsi>, %select_n3A_510, %reduce_min3A_511 [0] : vector<256x1024xi32> to vector<1024xi32>
    %broadcast_in_dim3A_513 = vector.shape_cast %reduce_min3A_512 : vector<1024xi32> to vector<1x1024xi32>
    %get3A_514 = arith.constant 432 : index
    %get3A_515 = arith.constant 0 : index
    %get3A_516 = vector.load %arg3[%get3A_514, %get3A_515] : memref<1536x256xbf16, #tpu.memory_space<vmem>>, vector<16x256xbf16>
    %slice3A_517 = vector.extract_strided_slice %convert_element_type3A {offsets = [216, 0], sizes = [8, 1024], strides = [1, 1]} : vector<768x1024xbf16> to vector<8x1024xbf16>
    %concatenate3A_518 = tpu.concatenate %slice3A_517, %broadcast_in_dim3A_8 in 0 : vector<8x1024xbf16>, vector<8x1024xbf16> -> vector<16x1024xbf16>
    %dot_general3A_519 = arith.constant dense<0.000000e+00> : vector<256x1024xf32>
    %dot_general3A_520 = tpu.matmul %get3A_516, %concatenate3A_518, %dot_general3A_519 {dimension_numbers = #tpu.dot_dimension_numbers<[0], [0], [1], [1], [0, 1, 1, 1], [], []>, transpose_lhs_hint = false} : vector<16x256xbf16>, vector<16x1024xbf16>, vector<256x1024xf32> -> vector<256x1024xf32>
    %reduce_max3A_521 = arith.constant dense<0xFF800000> : vector<1024xf32>
    %reduce_max3A_522 = vector.multi_reduction <maximumf>, %dot_general3A_520, %reduce_max3A_521 [0] : vector<256x1024xf32> to vector<1024xf32>
    %broadcast_in_dim3A_523 = vector.shape_cast %reduce_max3A_522 : vector<1024xf32> to vector<1x1024xf32>
    %iota3A_524 = tpu.iota {dimensions = array<i32: 0>} : vector<256x1024xi32>
    %ge3A_525 = vector.broadcast %broadcast_in_dim3A_523 : vector<1x1024xf32> to vector<256x1024xf32>
    %ge3A_526 = arith.cmpf oge, %dot_general3A_520, %ge3A_525 : vector<256x1024xf32>
    %jit3A_527 = arith.constant 256 : i32
    %broadcast_in_dim3A_528 = vector.broadcast %jit3A_527 : i32 to vector<256x1024xi32>
    %select_n3A_529 = arith.select %ge3A_526, %iota3A_524, %broadcast_in_dim3A_528 : vector<256x1024xi1>, vector<256x1024xi32>
    %reduce_min3A_530 = arith.constant dense<2147483647> : vector<1024xi32>
    %reduce_min3A_531 = vector.multi_reduction <minsi>, %select_n3A_529, %reduce_min3A_530 [0] : vector<256x1024xi32> to vector<1024xi32>
    %broadcast_in_dim3A_532 = vector.shape_cast %reduce_min3A_531 : vector<1024xi32> to vector<1x1024xi32>
    %get3A_533 = arith.constant 448 : index
    %get3A_534 = arith.constant 0 : index
    %get3A_535 = vector.load %arg3[%get3A_533, %get3A_534] : memref<1536x256xbf16, #tpu.memory_space<vmem>>, vector<16x256xbf16>
    %slice3A_536 = vector.extract_strided_slice %convert_element_type3A {offsets = [224, 0], sizes = [8, 1024], strides = [1, 1]} : vector<768x1024xbf16> to vector<8x1024xbf16>
    %concatenate3A_537 = tpu.concatenate %slice3A_536, %broadcast_in_dim3A_8 in 0 : vector<8x1024xbf16>, vector<8x1024xbf16> -> vector<16x1024xbf16>
    %dot_general3A_538 = arith.constant dense<0.000000e+00> : vector<256x1024xf32>
    %dot_general3A_539 = tpu.matmul %get3A_535, %concatenate3A_537, %dot_general3A_538 {dimension_numbers = #tpu.dot_dimension_numbers<[0], [0], [1], [1], [0, 1, 1, 1], [], []>, transpose_lhs_hint = false} : vector<16x256xbf16>, vector<16x1024xbf16>, vector<256x1024xf32> -> vector<256x1024xf32>
    %reduce_max3A_540 = arith.constant dense<0xFF800000> : vector<1024xf32>
    %reduce_max3A_541 = vector.multi_reduction <maximumf>, %dot_general3A_539, %reduce_max3A_540 [0] : vector<256x1024xf32> to vector<1024xf32>
    %broadcast_in_dim3A_542 = vector.shape_cast %reduce_max3A_541 : vector<1024xf32> to vector<1x1024xf32>
    %iota3A_543 = tpu.iota {dimensions = array<i32: 0>} : vector<256x1024xi32>
    %ge3A_544 = vector.broadcast %broadcast_in_dim3A_542 : vector<1x1024xf32> to vector<256x1024xf32>
    %ge3A_545 = arith.cmpf oge, %dot_general3A_539, %ge3A_544 : vector<256x1024xf32>
    %jit3A_546 = arith.constant 256 : i32
    %broadcast_in_dim3A_547 = vector.broadcast %jit3A_546 : i32 to vector<256x1024xi32>
    %select_n3A_548 = arith.select %ge3A_545, %iota3A_543, %broadcast_in_dim3A_547 : vector<256x1024xi1>, vector<256x1024xi32>
    %reduce_min3A_549 = arith.constant dense<2147483647> : vector<1024xi32>
    %reduce_min3A_550 = vector.multi_reduction <minsi>, %select_n3A_548, %reduce_min3A_549 [0] : vector<256x1024xi32> to vector<1024xi32>
    %broadcast_in_dim3A_551 = vector.shape_cast %reduce_min3A_550 : vector<1024xi32> to vector<1x1024xi32>
    %get3A_552 = arith.constant 464 : index
    %get3A_553 = arith.constant 0 : index
    %get3A_554 = vector.load %arg3[%get3A_552, %get3A_553] : memref<1536x256xbf16, #tpu.memory_space<vmem>>, vector<16x256xbf16>
    %slice3A_555 = vector.extract_strided_slice %convert_element_type3A {offsets = [232, 0], sizes = [8, 1024], strides = [1, 1]} : vector<768x1024xbf16> to vector<8x1024xbf16>
    %concatenate3A_556 = tpu.concatenate %slice3A_555, %broadcast_in_dim3A_8 in 0 : vector<8x1024xbf16>, vector<8x1024xbf16> -> vector<16x1024xbf16>
    %dot_general3A_557 = arith.constant dense<0.000000e+00> : vector<256x1024xf32>
    %dot_general3A_558 = tpu.matmul %get3A_554, %concatenate3A_556, %dot_general3A_557 {dimension_numbers = #tpu.dot_dimension_numbers<[0], [0], [1], [1], [0, 1, 1, 1], [], []>, transpose_lhs_hint = false} : vector<16x256xbf16>, vector<16x1024xbf16>, vector<256x1024xf32> -> vector<256x1024xf32>
    %reduce_max3A_559 = arith.constant dense<0xFF800000> : vector<1024xf32>
    %reduce_max3A_560 = vector.multi_reduction <maximumf>, %dot_general3A_558, %reduce_max3A_559 [0] : vector<256x1024xf32> to vector<1024xf32>
    %broadcast_in_dim3A_561 = vector.shape_cast %reduce_max3A_560 : vector<1024xf32> to vector<1x1024xf32>
    %iota3A_562 = tpu.iota {dimensions = array<i32: 0>} : vector<256x1024xi32>
    %ge3A_563 = vector.broadcast %broadcast_in_dim3A_561 : vector<1x1024xf32> to vector<256x1024xf32>
    %ge3A_564 = arith.cmpf oge, %dot_general3A_558, %ge3A_563 : vector<256x1024xf32>
    %jit3A_565 = arith.constant 256 : i32
    %broadcast_in_dim3A_566 = vector.broadcast %jit3A_565 : i32 to vector<256x1024xi32>
    %select_n3A_567 = arith.select %ge3A_564, %iota3A_562, %broadcast_in_dim3A_566 : vector<256x1024xi1>, vector<256x1024xi32>
    %reduce_min3A_568 = arith.constant dense<2147483647> : vector<1024xi32>
    %reduce_min3A_569 = vector.multi_reduction <minsi>, %select_n3A_567, %reduce_min3A_568 [0] : vector<256x1024xi32> to vector<1024xi32>
    %broadcast_in_dim3A_570 = vector.shape_cast %reduce_min3A_569 : vector<1024xi32> to vector<1x1024xi32>
    %get3A_571 = arith.constant 480 : index
    %get3A_572 = arith.constant 0 : index
    %get3A_573 = vector.load %arg3[%get3A_571, %get3A_572] : memref<1536x256xbf16, #tpu.memory_space<vmem>>, vector<16x256xbf16>
    %slice3A_574 = vector.extract_strided_slice %convert_element_type3A {offsets = [240, 0], sizes = [8, 1024], strides = [1, 1]} : vector<768x1024xbf16> to vector<8x1024xbf16>
    %concatenate3A_575 = tpu.concatenate %slice3A_574, %broadcast_in_dim3A_8 in 0 : vector<8x1024xbf16>, vector<8x1024xbf16> -> vector<16x1024xbf16>
    %dot_general3A_576 = arith.constant dense<0.000000e+00> : vector<256x1024xf32>
    %dot_general3A_577 = tpu.matmul %get3A_573, %concatenate3A_575, %dot_general3A_576 {dimension_numbers = #tpu.dot_dimension_numbers<[0], [0], [1], [1], [0, 1, 1, 1], [], []>, transpose_lhs_hint = false} : vector<16x256xbf16>, vector<16x1024xbf16>, vector<256x1024xf32> -> vector<256x1024xf32>
    %reduce_max3A_578 = arith.constant dense<0xFF800000> : vector<1024xf32>
    %reduce_max3A_579 = vector.multi_reduction <maximumf>, %dot_general3A_577, %reduce_max3A_578 [0] : vector<256x1024xf32> to vector<1024xf32>
    %broadcast_in_dim3A_580 = vector.shape_cast %reduce_max3A_579 : vector<1024xf32> to vector<1x1024xf32>
    %iota3A_581 = tpu.iota {dimensions = array<i32: 0>} : vector<256x1024xi32>
    %ge3A_582 = vector.broadcast %broadcast_in_dim3A_580 : vector<1x1024xf32> to vector<256x1024xf32>
    %ge3A_583 = arith.cmpf oge, %dot_general3A_577, %ge3A_582 : vector<256x1024xf32>
    %jit3A_584 = arith.constant 256 : i32
    %broadcast_in_dim3A_585 = vector.broadcast %jit3A_584 : i32 to vector<256x1024xi32>
    %select_n3A_586 = arith.select %ge3A_583, %iota3A_581, %broadcast_in_dim3A_585 : vector<256x1024xi1>, vector<256x1024xi32>
    %reduce_min3A_587 = arith.constant dense<2147483647> : vector<1024xi32>
    %reduce_min3A_588 = vector.multi_reduction <minsi>, %select_n3A_586, %reduce_min3A_587 [0] : vector<256x1024xi32> to vector<1024xi32>
    %broadcast_in_dim3A_589 = vector.shape_cast %reduce_min3A_588 : vector<1024xi32> to vector<1x1024xi32>
    %get3A_590 = arith.constant 496 : index
    %get3A_591 = arith.constant 0 : index
    %get3A_592 = vector.load %arg3[%get3A_590, %get3A_591] : memref<1536x256xbf16, #tpu.memory_space<vmem>>, vector<16x256xbf16>
    %slice3A_593 = vector.extract_strided_slice %convert_element_type3A {offsets = [248, 0], sizes = [8, 1024], strides = [1, 1]} : vector<768x1024xbf16> to vector<8x1024xbf16>
    %concatenate3A_594 = tpu.concatenate %slice3A_593, %broadcast_in_dim3A_8 in 0 : vector<8x1024xbf16>, vector<8x1024xbf16> -> vector<16x1024xbf16>
    %dot_general3A_595 = arith.constant dense<0.000000e+00> : vector<256x1024xf32>
    %dot_general3A_596 = tpu.matmul %get3A_592, %concatenate3A_594, %dot_general3A_595 {dimension_numbers = #tpu.dot_dimension_numbers<[0], [0], [1], [1], [0, 1, 1, 1], [], []>, transpose_lhs_hint = false} : vector<16x256xbf16>, vector<16x1024xbf16>, vector<256x1024xf32> -> vector<256x1024xf32>
    %reduce_max3A_597 = arith.constant dense<0xFF800000> : vector<1024xf32>
    %reduce_max3A_598 = vector.multi_reduction <maximumf>, %dot_general3A_596, %reduce_max3A_597 [0] : vector<256x1024xf32> to vector<1024xf32>
    %broadcast_in_dim3A_599 = vector.shape_cast %reduce_max3A_598 : vector<1024xf32> to vector<1x1024xf32>
    %iota3A_600 = tpu.iota {dimensions = array<i32: 0>} : vector<256x1024xi32>
    %ge3A_601 = vector.broadcast %broadcast_in_dim3A_599 : vector<1x1024xf32> to vector<256x1024xf32>
    %ge3A_602 = arith.cmpf oge, %dot_general3A_596, %ge3A_601 : vector<256x1024xf32>
    %jit3A_603 = arith.constant 256 : i32
    %broadcast_in_dim3A_604 = vector.broadcast %jit3A_603 : i32 to vector<256x1024xi32>
    %select_n3A_605 = arith.select %ge3A_602, %iota3A_600, %broadcast_in_dim3A_604 : vector<256x1024xi1>, vector<256x1024xi32>
    %reduce_min3A_606 = arith.constant dense<2147483647> : vector<1024xi32>
    %reduce_min3A_607 = vector.multi_reduction <minsi>, %select_n3A_605, %reduce_min3A_606 [0] : vector<256x1024xi32> to vector<1024xi32>
    %broadcast_in_dim3A_608 = vector.shape_cast %reduce_min3A_607 : vector<1024xi32> to vector<1x1024xi32>
    %get3A_609 = arith.constant 512 : index
    %get3A_610 = arith.constant 0 : index
    %get3A_611 = vector.load %arg3[%get3A_609, %get3A_610] : memref<1536x256xbf16, #tpu.memory_space<vmem>>, vector<16x256xbf16>
    %slice3A_612 = vector.extract_strided_slice %convert_element_type3A {offsets = [256, 0], sizes = [8, 1024], strides = [1, 1]} : vector<768x1024xbf16> to vector<8x1024xbf16>
    %concatenate3A_613 = tpu.concatenate %slice3A_612, %broadcast_in_dim3A_8 in 0 : vector<8x1024xbf16>, vector<8x1024xbf16> -> vector<16x1024xbf16>
    %dot_general3A_614 = arith.constant dense<0.000000e+00> : vector<256x1024xf32>
    %dot_general3A_615 = tpu.matmul %get3A_611, %concatenate3A_613, %dot_general3A_614 {dimension_numbers = #tpu.dot_dimension_numbers<[0], [0], [1], [1], [0, 1, 1, 1], [], []>, transpose_lhs_hint = false} : vector<16x256xbf16>, vector<16x1024xbf16>, vector<256x1024xf32> -> vector<256x1024xf32>
    %reduce_max3A_616 = arith.constant dense<0xFF800000> : vector<1024xf32>
    %reduce_max3A_617 = vector.multi_reduction <maximumf>, %dot_general3A_615, %reduce_max3A_616 [0] : vector<256x1024xf32> to vector<1024xf32>
    %broadcast_in_dim3A_618 = vector.shape_cast %reduce_max3A_617 : vector<1024xf32> to vector<1x1024xf32>
    %iota3A_619 = tpu.iota {dimensions = array<i32: 0>} : vector<256x1024xi32>
    %ge3A_620 = vector.broadcast %broadcast_in_dim3A_618 : vector<1x1024xf32> to vector<256x1024xf32>
    %ge3A_621 = arith.cmpf oge, %dot_general3A_615, %ge3A_620 : vector<256x1024xf32>
    %jit3A_622 = arith.constant 256 : i32
    %broadcast_in_dim3A_623 = vector.broadcast %jit3A_622 : i32 to vector<256x1024xi32>
    %select_n3A_624 = arith.select %ge3A_621, %iota3A_619, %broadcast_in_dim3A_623 : vector<256x1024xi1>, vector<256x1024xi32>
    %reduce_min3A_625 = arith.constant dense<2147483647> : vector<1024xi32>
    %reduce_min3A_626 = vector.multi_reduction <minsi>, %select_n3A_624, %reduce_min3A_625 [0] : vector<256x1024xi32> to vector<1024xi32>
    %broadcast_in_dim3A_627 = vector.shape_cast %reduce_min3A_626 : vector<1024xi32> to vector<1x1024xi32>
    %get3A_628 = arith.constant 528 : index
    %get3A_629 = arith.constant 0 : index
    %get3A_630 = vector.load %arg3[%get3A_628, %get3A_629] : memref<1536x256xbf16, #tpu.memory_space<vmem>>, vector<16x256xbf16>
    %slice3A_631 = vector.extract_strided_slice %convert_element_type3A {offsets = [264, 0], sizes = [8, 1024], strides = [1, 1]} : vector<768x1024xbf16> to vector<8x1024xbf16>
    %concatenate3A_632 = tpu.concatenate %slice3A_631, %broadcast_in_dim3A_8 in 0 : vector<8x1024xbf16>, vector<8x1024xbf16> -> vector<16x1024xbf16>
    %dot_general3A_633 = arith.constant dense<0.000000e+00> : vector<256x1024xf32>
    %dot_general3A_634 = tpu.matmul %get3A_630, %concatenate3A_632, %dot_general3A_633 {dimension_numbers = #tpu.dot_dimension_numbers<[0], [0], [1], [1], [0, 1, 1, 1], [], []>, transpose_lhs_hint = false} : vector<16x256xbf16>, vector<16x1024xbf16>, vector<256x1024xf32> -> vector<256x1024xf32>
    %reduce_max3A_635 = arith.constant dense<0xFF800000> : vector<1024xf32>
    %reduce_max3A_636 = vector.multi_reduction <maximumf>, %dot_general3A_634, %reduce_max3A_635 [0] : vector<256x1024xf32> to vector<1024xf32>
    %broadcast_in_dim3A_637 = vector.shape_cast %reduce_max3A_636 : vector<1024xf32> to vector<1x1024xf32>
    %iota3A_638 = tpu.iota {dimensions = array<i32: 0>} : vector<256x1024xi32>
    %ge3A_639 = vector.broadcast %broadcast_in_dim3A_637 : vector<1x1024xf32> to vector<256x1024xf32>
    %ge3A_640 = arith.cmpf oge, %dot_general3A_634, %ge3A_639 : vector<256x1024xf32>
    %jit3A_641 = arith.constant 256 : i32
    %broadcast_in_dim3A_642 = vector.broadcast %jit3A_641 : i32 to vector<256x1024xi32>
    %select_n3A_643 = arith.select %ge3A_640, %iota3A_638, %broadcast_in_dim3A_642 : vector<256x1024xi1>, vector<256x1024xi32>
    %reduce_min3A_644 = arith.constant dense<2147483647> : vector<1024xi32>
    %reduce_min3A_645 = vector.multi_reduction <minsi>, %select_n3A_643, %reduce_min3A_644 [0] : vector<256x1024xi32> to vector<1024xi32>
    %broadcast_in_dim3A_646 = vector.shape_cast %reduce_min3A_645 : vector<1024xi32> to vector<1x1024xi32>
    %get3A_647 = arith.constant 544 : index
    %get3A_648 = arith.constant 0 : index
    %get3A_649 = vector.load %arg3[%get3A_647, %get3A_648] : memref<1536x256xbf16, #tpu.memory_space<vmem>>, vector<16x256xbf16>
    %slice3A_650 = vector.extract_strided_slice %convert_element_type3A {offsets = [272, 0], sizes = [8, 1024], strides = [1, 1]} : vector<768x1024xbf16> to vector<8x1024xbf16>
    %concatenate3A_651 = tpu.concatenate %slice3A_650, %broadcast_in_dim3A_8 in 0 : vector<8x1024xbf16>, vector<8x1024xbf16> -> vector<16x1024xbf16>
    %dot_general3A_652 = arith.constant dense<0.000000e+00> : vector<256x1024xf32>
    %dot_general3A_653 = tpu.matmul %get3A_649, %concatenate3A_651, %dot_general3A_652 {dimension_numbers = #tpu.dot_dimension_numbers<[0], [0], [1], [1], [0, 1, 1, 1], [], []>, transpose_lhs_hint = false} : vector<16x256xbf16>, vector<16x1024xbf16>, vector<256x1024xf32> -> vector<256x1024xf32>
    %reduce_max3A_654 = arith.constant dense<0xFF800000> : vector<1024xf32>
    %reduce_max3A_655 = vector.multi_reduction <maximumf>, %dot_general3A_653, %reduce_max3A_654 [0] : vector<256x1024xf32> to vector<1024xf32>
    %broadcast_in_dim3A_656 = vector.shape_cast %reduce_max3A_655 : vector<1024xf32> to vector<1x1024xf32>
    %iota3A_657 = tpu.iota {dimensions = array<i32: 0>} : vector<256x1024xi32>
    %ge3A_658 = vector.broadcast %broadcast_in_dim3A_656 : vector<1x1024xf32> to vector<256x1024xf32>
    %ge3A_659 = arith.cmpf oge, %dot_general3A_653, %ge3A_658 : vector<256x1024xf32>
    %jit3A_660 = arith.constant 256 : i32
    %broadcast_in_dim3A_661 = vector.broadcast %jit3A_660 : i32 to vector<256x1024xi32>
    %select_n3A_662 = arith.select %ge3A_659, %iota3A_657, %broadcast_in_dim3A_661 : vector<256x1024xi1>, vector<256x1024xi32>
    %reduce_min3A_663 = arith.constant dense<2147483647> : vector<1024xi32>
    %reduce_min3A_664 = vector.multi_reduction <minsi>, %select_n3A_662, %reduce_min3A_663 [0] : vector<256x1024xi32> to vector<1024xi32>
    %broadcast_in_dim3A_665 = vector.shape_cast %reduce_min3A_664 : vector<1024xi32> to vector<1x1024xi32>
    %get3A_666 = arith.constant 560 : index
    %get3A_667 = arith.constant 0 : index
    %get3A_668 = vector.load %arg3[%get3A_666, %get3A_667] : memref<1536x256xbf16, #tpu.memory_space<vmem>>, vector<16x256xbf16>
    %slice3A_669 = vector.extract_strided_slice %convert_element_type3A {offsets = [280, 0], sizes = [8, 1024], strides = [1, 1]} : vector<768x1024xbf16> to vector<8x1024xbf16>
    %concatenate3A_670 = tpu.concatenate %slice3A_669, %broadcast_in_dim3A_8 in 0 : vector<8x1024xbf16>, vector<8x1024xbf16> -> vector<16x1024xbf16>
    %dot_general3A_671 = arith.constant dense<0.000000e+00> : vector<256x1024xf32>
    %dot_general3A_672 = tpu.matmul %get3A_668, %concatenate3A_670, %dot_general3A_671 {dimension_numbers = #tpu.dot_dimension_numbers<[0], [0], [1], [1], [0, 1, 1, 1], [], []>, transpose_lhs_hint = false} : vector<16x256xbf16>, vector<16x1024xbf16>, vector<256x1024xf32> -> vector<256x1024xf32>
    %reduce_max3A_673 = arith.constant dense<0xFF800000> : vector<1024xf32>
    %reduce_max3A_674 = vector.multi_reduction <maximumf>, %dot_general3A_672, %reduce_max3A_673 [0] : vector<256x1024xf32> to vector<1024xf32>
    %broadcast_in_dim3A_675 = vector.shape_cast %reduce_max3A_674 : vector<1024xf32> to vector<1x1024xf32>
    %iota3A_676 = tpu.iota {dimensions = array<i32: 0>} : vector<256x1024xi32>
    %ge3A_677 = vector.broadcast %broadcast_in_dim3A_675 : vector<1x1024xf32> to vector<256x1024xf32>
    %ge3A_678 = arith.cmpf oge, %dot_general3A_672, %ge3A_677 : vector<256x1024xf32>
    %jit3A_679 = arith.constant 256 : i32
    %broadcast_in_dim3A_680 = vector.broadcast %jit3A_679 : i32 to vector<256x1024xi32>
    %select_n3A_681 = arith.select %ge3A_678, %iota3A_676, %broadcast_in_dim3A_680 : vector<256x1024xi1>, vector<256x1024xi32>
    %reduce_min3A_682 = arith.constant dense<2147483647> : vector<1024xi32>
    %reduce_min3A_683 = vector.multi_reduction <minsi>, %select_n3A_681, %reduce_min3A_682 [0] : vector<256x1024xi32> to vector<1024xi32>
    %broadcast_in_dim3A_684 = vector.shape_cast %reduce_min3A_683 : vector<1024xi32> to vector<1x1024xi32>
    %get3A_685 = arith.constant 576 : index
    %get3A_686 = arith.constant 0 : index
    %get3A_687 = vector.load %arg3[%get3A_685, %get3A_686] : memref<1536x256xbf16, #tpu.memory_space<vmem>>, vector<16x256xbf16>
    %slice3A_688 = vector.extract_strided_slice %convert_element_type3A {offsets = [288, 0], sizes = [8, 1024], strides = [1, 1]} : vector<768x1024xbf16> to vector<8x1024xbf16>
    %concatenate3A_689 = tpu.concatenate %slice3A_688, %broadcast_in_dim3A_8 in 0 : vector<8x1024xbf16>, vector<8x1024xbf16> -> vector<16x1024xbf16>
    %dot_general3A_690 = arith.constant dense<0.000000e+00> : vector<256x1024xf32>
    %dot_general3A_691 = tpu.matmul %get3A_687, %concatenate3A_689, %dot_general3A_690 {dimension_numbers = #tpu.dot_dimension_numbers<[0], [0], [1], [1], [0, 1, 1, 1], [], []>, transpose_lhs_hint = false} : vector<16x256xbf16>, vector<16x1024xbf16>, vector<256x1024xf32> -> vector<256x1024xf32>
    %reduce_max3A_692 = arith.constant dense<0xFF800000> : vector<1024xf32>
    %reduce_max3A_693 = vector.multi_reduction <maximumf>, %dot_general3A_691, %reduce_max3A_692 [0] : vector<256x1024xf32> to vector<1024xf32>
    %broadcast_in_dim3A_694 = vector.shape_cast %reduce_max3A_693 : vector<1024xf32> to vector<1x1024xf32>
    %iota3A_695 = tpu.iota {dimensions = array<i32: 0>} : vector<256x1024xi32>
    %ge3A_696 = vector.broadcast %broadcast_in_dim3A_694 : vector<1x1024xf32> to vector<256x1024xf32>
    %ge3A_697 = arith.cmpf oge, %dot_general3A_691, %ge3A_696 : vector<256x1024xf32>
    %jit3A_698 = arith.constant 256 : i32
    %broadcast_in_dim3A_699 = vector.broadcast %jit3A_698 : i32 to vector<256x1024xi32>
    %select_n3A_700 = arith.select %ge3A_697, %iota3A_695, %broadcast_in_dim3A_699 : vector<256x1024xi1>, vector<256x1024xi32>
    %reduce_min3A_701 = arith.constant dense<2147483647> : vector<1024xi32>
    %reduce_min3A_702 = vector.multi_reduction <minsi>, %select_n3A_700, %reduce_min3A_701 [0] : vector<256x1024xi32> to vector<1024xi32>
    %broadcast_in_dim3A_703 = vector.shape_cast %reduce_min3A_702 : vector<1024xi32> to vector<1x1024xi32>
    %get3A_704 = arith.constant 592 : index
    %get3A_705 = arith.constant 0 : index
    %get3A_706 = vector.load %arg3[%get3A_704, %get3A_705] : memref<1536x256xbf16, #tpu.memory_space<vmem>>, vector<16x256xbf16>
    %slice3A_707 = vector.extract_strided_slice %convert_element_type3A {offsets = [296, 0], sizes = [8, 1024], strides = [1, 1]} : vector<768x1024xbf16> to vector<8x1024xbf16>
    %concatenate3A_708 = tpu.concatenate %slice3A_707, %broadcast_in_dim3A_8 in 0 : vector<8x1024xbf16>, vector<8x1024xbf16> -> vector<16x1024xbf16>
    %dot_general3A_709 = arith.constant dense<0.000000e+00> : vector<256x1024xf32>
    %dot_general3A_710 = tpu.matmul %get3A_706, %concatenate3A_708, %dot_general3A_709 {dimension_numbers = #tpu.dot_dimension_numbers<[0], [0], [1], [1], [0, 1, 1, 1], [], []>, transpose_lhs_hint = false} : vector<16x256xbf16>, vector<16x1024xbf16>, vector<256x1024xf32> -> vector<256x1024xf32>
    %reduce_max3A_711 = arith.constant dense<0xFF800000> : vector<1024xf32>
    %reduce_max3A_712 = vector.multi_reduction <maximumf>, %dot_general3A_710, %reduce_max3A_711 [0] : vector<256x1024xf32> to vector<1024xf32>
    %broadcast_in_dim3A_713 = vector.shape_cast %reduce_max3A_712 : vector<1024xf32> to vector<1x1024xf32>
    %iota3A_714 = tpu.iota {dimensions = array<i32: 0>} : vector<256x1024xi32>
    %ge3A_715 = vector.broadcast %broadcast_in_dim3A_713 : vector<1x1024xf32> to vector<256x1024xf32>
    %ge3A_716 = arith.cmpf oge, %dot_general3A_710, %ge3A_715 : vector<256x1024xf32>
    %jit3A_717 = arith.constant 256 : i32
    %broadcast_in_dim3A_718 = vector.broadcast %jit3A_717 : i32 to vector<256x1024xi32>
    %select_n3A_719 = arith.select %ge3A_716, %iota3A_714, %broadcast_in_dim3A_718 : vector<256x1024xi1>, vector<256x1024xi32>
    %reduce_min3A_720 = arith.constant dense<2147483647> : vector<1024xi32>
    %reduce_min3A_721 = vector.multi_reduction <minsi>, %select_n3A_719, %reduce_min3A_720 [0] : vector<256x1024xi32> to vector<1024xi32>
    %broadcast_in_dim3A_722 = vector.shape_cast %reduce_min3A_721 : vector<1024xi32> to vector<1x1024xi32>
    %get3A_723 = arith.constant 608 : index
    %get3A_724 = arith.constant 0 : index
    %get3A_725 = vector.load %arg3[%get3A_723, %get3A_724] : memref<1536x256xbf16, #tpu.memory_space<vmem>>, vector<16x256xbf16>
    %slice3A_726 = vector.extract_strided_slice %convert_element_type3A {offsets = [304, 0], sizes = [8, 1024], strides = [1, 1]} : vector<768x1024xbf16> to vector<8x1024xbf16>
    %concatenate3A_727 = tpu.concatenate %slice3A_726, %broadcast_in_dim3A_8 in 0 : vector<8x1024xbf16>, vector<8x1024xbf16> -> vector<16x1024xbf16>
    %dot_general3A_728 = arith.constant dense<0.000000e+00> : vector<256x1024xf32>
    %dot_general3A_729 = tpu.matmul %get3A_725, %concatenate3A_727, %dot_general3A_728 {dimension_numbers = #tpu.dot_dimension_numbers<[0], [0], [1], [1], [0, 1, 1, 1], [], []>, transpose_lhs_hint = false} : vector<16x256xbf16>, vector<16x1024xbf16>, vector<256x1024xf32> -> vector<256x1024xf32>
    %reduce_max3A_730 = arith.constant dense<0xFF800000> : vector<1024xf32>
    %reduce_max3A_731 = vector.multi_reduction <maximumf>, %dot_general3A_729, %reduce_max3A_730 [0] : vector<256x1024xf32> to vector<1024xf32>
    %broadcast_in_dim3A_732 = vector.shape_cast %reduce_max3A_731 : vector<1024xf32> to vector<1x1024xf32>
    %iota3A_733 = tpu.iota {dimensions = array<i32: 0>} : vector<256x1024xi32>
    %ge3A_734 = vector.broadcast %broadcast_in_dim3A_732 : vector<1x1024xf32> to vector<256x1024xf32>
    %ge3A_735 = arith.cmpf oge, %dot_general3A_729, %ge3A_734 : vector<256x1024xf32>
    %jit3A_736 = arith.constant 256 : i32
    %broadcast_in_dim3A_737 = vector.broadcast %jit3A_736 : i32 to vector<256x1024xi32>
    %select_n3A_738 = arith.select %ge3A_735, %iota3A_733, %broadcast_in_dim3A_737 : vector<256x1024xi1>, vector<256x1024xi32>
    %reduce_min3A_739 = arith.constant dense<2147483647> : vector<1024xi32>
    %reduce_min3A_740 = vector.multi_reduction <minsi>, %select_n3A_738, %reduce_min3A_739 [0] : vector<256x1024xi32> to vector<1024xi32>
    %broadcast_in_dim3A_741 = vector.shape_cast %reduce_min3A_740 : vector<1024xi32> to vector<1x1024xi32>
    %get3A_742 = arith.constant 624 : index
    %get3A_743 = arith.constant 0 : index
    %get3A_744 = vector.load %arg3[%get3A_742, %get3A_743] : memref<1536x256xbf16, #tpu.memory_space<vmem>>, vector<16x256xbf16>
    %slice3A_745 = vector.extract_strided_slice %convert_element_type3A {offsets = [312, 0], sizes = [8, 1024], strides = [1, 1]} : vector<768x1024xbf16> to vector<8x1024xbf16>
    %concatenate3A_746 = tpu.concatenate %slice3A_745, %broadcast_in_dim3A_8 in 0 : vector<8x1024xbf16>, vector<8x1024xbf16> -> vector<16x1024xbf16>
    %dot_general3A_747 = arith.constant dense<0.000000e+00> : vector<256x1024xf32>
    %dot_general3A_748 = tpu.matmul %get3A_744, %concatenate3A_746, %dot_general3A_747 {dimension_numbers = #tpu.dot_dimension_numbers<[0], [0], [1], [1], [0, 1, 1, 1], [], []>, transpose_lhs_hint = false} : vector<16x256xbf16>, vector<16x1024xbf16>, vector<256x1024xf32> -> vector<256x1024xf32>
    %reduce_max3A_749 = arith.constant dense<0xFF800000> : vector<1024xf32>
    %reduce_max3A_750 = vector.multi_reduction <maximumf>, %dot_general3A_748, %reduce_max3A_749 [0] : vector<256x1024xf32> to vector<1024xf32>
    %broadcast_in_dim3A_751 = vector.shape_cast %reduce_max3A_750 : vector<1024xf32> to vector<1x1024xf32>
    %iota3A_752 = tpu.iota {dimensions = array<i32: 0>} : vector<256x1024xi32>
    %ge3A_753 = vector.broadcast %broadcast_in_dim3A_751 : vector<1x1024xf32> to vector<256x1024xf32>
    %ge3A_754 = arith.cmpf oge, %dot_general3A_748, %ge3A_753 : vector<256x1024xf32>
    %jit3A_755 = arith.constant 256 : i32
    %broadcast_in_dim3A_756 = vector.broadcast %jit3A_755 : i32 to vector<256x1024xi32>
    %select_n3A_757 = arith.select %ge3A_754, %iota3A_752, %broadcast_in_dim3A_756 : vector<256x1024xi1>, vector<256x1024xi32>
    %reduce_min3A_758 = arith.constant dense<2147483647> : vector<1024xi32>
    %reduce_min3A_759 = vector.multi_reduction <minsi>, %select_n3A_757, %reduce_min3A_758 [0] : vector<256x1024xi32> to vector<1024xi32>
    %broadcast_in_dim3A_760 = vector.shape_cast %reduce_min3A_759 : vector<1024xi32> to vector<1x1024xi32>
    %get3A_761 = arith.constant 640 : index
    %get3A_762 = arith.constant 0 : index
    %get3A_763 = vector.load %arg3[%get3A_761, %get3A_762] : memref<1536x256xbf16, #tpu.memory_space<vmem>>, vector<16x256xbf16>
    %slice3A_764 = vector.extract_strided_slice %convert_element_type3A {offsets = [320, 0], sizes = [8, 1024], strides = [1, 1]} : vector<768x1024xbf16> to vector<8x1024xbf16>
    %concatenate3A_765 = tpu.concatenate %slice3A_764, %broadcast_in_dim3A_8 in 0 : vector<8x1024xbf16>, vector<8x1024xbf16> -> vector<16x1024xbf16>
    %dot_general3A_766 = arith.constant dense<0.000000e+00> : vector<256x1024xf32>
    %dot_general3A_767 = tpu.matmul %get3A_763, %concatenate3A_765, %dot_general3A_766 {dimension_numbers = #tpu.dot_dimension_numbers<[0], [0], [1], [1], [0, 1, 1, 1], [], []>, transpose_lhs_hint = false} : vector<16x256xbf16>, vector<16x1024xbf16>, vector<256x1024xf32> -> vector<256x1024xf32>
    %reduce_max3A_768 = arith.constant dense<0xFF800000> : vector<1024xf32>
    %reduce_max3A_769 = vector.multi_reduction <maximumf>, %dot_general3A_767, %reduce_max3A_768 [0] : vector<256x1024xf32> to vector<1024xf32>
    %broadcast_in_dim3A_770 = vector.shape_cast %reduce_max3A_769 : vector<1024xf32> to vector<1x1024xf32>
    %iota3A_771 = tpu.iota {dimensions = array<i32: 0>} : vector<256x1024xi32>
    %ge3A_772 = vector.broadcast %broadcast_in_dim3A_770 : vector<1x1024xf32> to vector<256x1024xf32>
    %ge3A_773 = arith.cmpf oge, %dot_general3A_767, %ge3A_772 : vector<256x1024xf32>
    %jit3A_774 = arith.constant 256 : i32
    %broadcast_in_dim3A_775 = vector.broadcast %jit3A_774 : i32 to vector<256x1024xi32>
    %select_n3A_776 = arith.select %ge3A_773, %iota3A_771, %broadcast_in_dim3A_775 : vector<256x1024xi1>, vector<256x1024xi32>
    %reduce_min3A_777 = arith.constant dense<2147483647> : vector<1024xi32>
    %reduce_min3A_778 = vector.multi_reduction <minsi>, %select_n3A_776, %reduce_min3A_777 [0] : vector<256x1024xi32> to vector<1024xi32>
    %broadcast_in_dim3A_779 = vector.shape_cast %reduce_min3A_778 : vector<1024xi32> to vector<1x1024xi32>
    %get3A_780 = arith.constant 656 : index
    %get3A_781 = arith.constant 0 : index
    %get3A_782 = vector.load %arg3[%get3A_780, %get3A_781] : memref<1536x256xbf16, #tpu.memory_space<vmem>>, vector<16x256xbf16>
    %slice3A_783 = vector.extract_strided_slice %convert_element_type3A {offsets = [328, 0], sizes = [8, 1024], strides = [1, 1]} : vector<768x1024xbf16> to vector<8x1024xbf16>
    %concatenate3A_784 = tpu.concatenate %slice3A_783, %broadcast_in_dim3A_8 in 0 : vector<8x1024xbf16>, vector<8x1024xbf16> -> vector<16x1024xbf16>
    %dot_general3A_785 = arith.constant dense<0.000000e+00> : vector<256x1024xf32>
    %dot_general3A_786 = tpu.matmul %get3A_782, %concatenate3A_784, %dot_general3A_785 {dimension_numbers = #tpu.dot_dimension_numbers<[0], [0], [1], [1], [0, 1, 1, 1], [], []>, transpose_lhs_hint = false} : vector<16x256xbf16>, vector<16x1024xbf16>, vector<256x1024xf32> -> vector<256x1024xf32>
    %reduce_max3A_787 = arith.constant dense<0xFF800000> : vector<1024xf32>
    %reduce_max3A_788 = vector.multi_reduction <maximumf>, %dot_general3A_786, %reduce_max3A_787 [0] : vector<256x1024xf32> to vector<1024xf32>
    %broadcast_in_dim3A_789 = vector.shape_cast %reduce_max3A_788 : vector<1024xf32> to vector<1x1024xf32>
    %iota3A_790 = tpu.iota {dimensions = array<i32: 0>} : vector<256x1024xi32>
    %ge3A_791 = vector.broadcast %broadcast_in_dim3A_789 : vector<1x1024xf32> to vector<256x1024xf32>
    %ge3A_792 = arith.cmpf oge, %dot_general3A_786, %ge3A_791 : vector<256x1024xf32>
    %jit3A_793 = arith.constant 256 : i32
    %broadcast_in_dim3A_794 = vector.broadcast %jit3A_793 : i32 to vector<256x1024xi32>
    %select_n3A_795 = arith.select %ge3A_792, %iota3A_790, %broadcast_in_dim3A_794 : vector<256x1024xi1>, vector<256x1024xi32>
    %reduce_min3A_796 = arith.constant dense<2147483647> : vector<1024xi32>
    %reduce_min3A_797 = vector.multi_reduction <minsi>, %select_n3A_795, %reduce_min3A_796 [0] : vector<256x1024xi32> to vector<1024xi32>
    %broadcast_in_dim3A_798 = vector.shape_cast %reduce_min3A_797 : vector<1024xi32> to vector<1x1024xi32>
    %get3A_799 = arith.constant 672 : index
    %get3A_800 = arith.constant 0 : index
    %get3A_801 = vector.load %arg3[%get3A_799, %get3A_800] : memref<1536x256xbf16, #tpu.memory_space<vmem>>, vector<16x256xbf16>
    %slice3A_802 = vector.extract_strided_slice %convert_element_type3A {offsets = [336, 0], sizes = [8, 1024], strides = [1, 1]} : vector<768x1024xbf16> to vector<8x1024xbf16>
    %concatenate3A_803 = tpu.concatenate %slice3A_802, %broadcast_in_dim3A_8 in 0 : vector<8x1024xbf16>, vector<8x1024xbf16> -> vector<16x1024xbf16>
    %dot_general3A_804 = arith.constant dense<0.000000e+00> : vector<256x1024xf32>
    %dot_general3A_805 = tpu.matmul %get3A_801, %concatenate3A_803, %dot_general3A_804 {dimension_numbers = #tpu.dot_dimension_numbers<[0], [0], [1], [1], [0, 1, 1, 1], [], []>, transpose_lhs_hint = false} : vector<16x256xbf16>, vector<16x1024xbf16>, vector<256x1024xf32> -> vector<256x1024xf32>
    %reduce_max3A_806 = arith.constant dense<0xFF800000> : vector<1024xf32>
    %reduce_max3A_807 = vector.multi_reduction <maximumf>, %dot_general3A_805, %reduce_max3A_806 [0] : vector<256x1024xf32> to vector<1024xf32>
    %broadcast_in_dim3A_808 = vector.shape_cast %reduce_max3A_807 : vector<1024xf32> to vector<1x1024xf32>
    %iota3A_809 = tpu.iota {dimensions = array<i32: 0>} : vector<256x1024xi32>
    %ge3A_810 = vector.broadcast %broadcast_in_dim3A_808 : vector<1x1024xf32> to vector<256x1024xf32>
    %ge3A_811 = arith.cmpf oge, %dot_general3A_805, %ge3A_810 : vector<256x1024xf32>
    %jit3A_812 = arith.constant 256 : i32
    %broadcast_in_dim3A_813 = vector.broadcast %jit3A_812 : i32 to vector<256x1024xi32>
    %select_n3A_814 = arith.select %ge3A_811, %iota3A_809, %broadcast_in_dim3A_813 : vector<256x1024xi1>, vector<256x1024xi32>
    %reduce_min3A_815 = arith.constant dense<2147483647> : vector<1024xi32>
    %reduce_min3A_816 = vector.multi_reduction <minsi>, %select_n3A_814, %reduce_min3A_815 [0] : vector<256x1024xi32> to vector<1024xi32>
    %broadcast_in_dim3A_817 = vector.shape_cast %reduce_min3A_816 : vector<1024xi32> to vector<1x1024xi32>
    %get3A_818 = arith.constant 688 : index
    %get3A_819 = arith.constant 0 : index
    %get3A_820 = vector.load %arg3[%get3A_818, %get3A_819] : memref<1536x256xbf16, #tpu.memory_space<vmem>>, vector<16x256xbf16>
    %slice3A_821 = vector.extract_strided_slice %convert_element_type3A {offsets = [344, 0], sizes = [8, 1024], strides = [1, 1]} : vector<768x1024xbf16> to vector<8x1024xbf16>
    %concatenate3A_822 = tpu.concatenate %slice3A_821, %broadcast_in_dim3A_8 in 0 : vector<8x1024xbf16>, vector<8x1024xbf16> -> vector<16x1024xbf16>
    %dot_general3A_823 = arith.constant dense<0.000000e+00> : vector<256x1024xf32>
    %dot_general3A_824 = tpu.matmul %get3A_820, %concatenate3A_822, %dot_general3A_823 {dimension_numbers = #tpu.dot_dimension_numbers<[0], [0], [1], [1], [0, 1, 1, 1], [], []>, transpose_lhs_hint = false} : vector<16x256xbf16>, vector<16x1024xbf16>, vector<256x1024xf32> -> vector<256x1024xf32>
    %reduce_max3A_825 = arith.constant dense<0xFF800000> : vector<1024xf32>
    %reduce_max3A_826 = vector.multi_reduction <maximumf>, %dot_general3A_824, %reduce_max3A_825 [0] : vector<256x1024xf32> to vector<1024xf32>
    %broadcast_in_dim3A_827 = vector.shape_cast %reduce_max3A_826 : vector<1024xf32> to vector<1x1024xf32>
    %iota3A_828 = tpu.iota {dimensions = array<i32: 0>} : vector<256x1024xi32>
    %ge3A_829 = vector.broadcast %broadcast_in_dim3A_827 : vector<1x1024xf32> to vector<256x1024xf32>
    %ge3A_830 = arith.cmpf oge, %dot_general3A_824, %ge3A_829 : vector<256x1024xf32>
    %jit3A_831 = arith.constant 256 : i32
    %broadcast_in_dim3A_832 = vector.broadcast %jit3A_831 : i32 to vector<256x1024xi32>
    %select_n3A_833 = arith.select %ge3A_830, %iota3A_828, %broadcast_in_dim3A_832 : vector<256x1024xi1>, vector<256x1024xi32>
    %reduce_min3A_834 = arith.constant dense<2147483647> : vector<1024xi32>
    %reduce_min3A_835 = vector.multi_reduction <minsi>, %select_n3A_833, %reduce_min3A_834 [0] : vector<256x1024xi32> to vector<1024xi32>
    %broadcast_in_dim3A_836 = vector.shape_cast %reduce_min3A_835 : vector<1024xi32> to vector<1x1024xi32>
    %get3A_837 = arith.constant 704 : index
    %get3A_838 = arith.constant 0 : index
    %get3A_839 = vector.load %arg3[%get3A_837, %get3A_838] : memref<1536x256xbf16, #tpu.memory_space<vmem>>, vector<16x256xbf16>
    %slice3A_840 = vector.extract_strided_slice %convert_element_type3A {offsets = [352, 0], sizes = [8, 1024], strides = [1, 1]} : vector<768x1024xbf16> to vector<8x1024xbf16>
    %concatenate3A_841 = tpu.concatenate %slice3A_840, %broadcast_in_dim3A_8 in 0 : vector<8x1024xbf16>, vector<8x1024xbf16> -> vector<16x1024xbf16>
    %dot_general3A_842 = arith.constant dense<0.000000e+00> : vector<256x1024xf32>
    %dot_general3A_843 = tpu.matmul %get3A_839, %concatenate3A_841, %dot_general3A_842 {dimension_numbers = #tpu.dot_dimension_numbers<[0], [0], [1], [1], [0, 1, 1, 1], [], []>, transpose_lhs_hint = false} : vector<16x256xbf16>, vector<16x1024xbf16>, vector<256x1024xf32> -> vector<256x1024xf32>
    %reduce_max3A_844 = arith.constant dense<0xFF800000> : vector<1024xf32>
    %reduce_max3A_845 = vector.multi_reduction <maximumf>, %dot_general3A_843, %reduce_max3A_844 [0] : vector<256x1024xf32> to vector<1024xf32>
    %broadcast_in_dim3A_846 = vector.shape_cast %reduce_max3A_845 : vector<1024xf32> to vector<1x1024xf32>
    %iota3A_847 = tpu.iota {dimensions = array<i32: 0>} : vector<256x1024xi32>
    %ge3A_848 = vector.broadcast %broadcast_in_dim3A_846 : vector<1x1024xf32> to vector<256x1024xf32>
    %ge3A_849 = arith.cmpf oge, %dot_general3A_843, %ge3A_848 : vector<256x1024xf32>
    %jit3A_850 = arith.constant 256 : i32
    %broadcast_in_dim3A_851 = vector.broadcast %jit3A_850 : i32 to vector<256x1024xi32>
    %select_n3A_852 = arith.select %ge3A_849, %iota3A_847, %broadcast_in_dim3A_851 : vector<256x1024xi1>, vector<256x1024xi32>
    %reduce_min3A_853 = arith.constant dense<2147483647> : vector<1024xi32>
    %reduce_min3A_854 = vector.multi_reduction <minsi>, %select_n3A_852, %reduce_min3A_853 [0] : vector<256x1024xi32> to vector<1024xi32>
    %broadcast_in_dim3A_855 = vector.shape_cast %reduce_min3A_854 : vector<1024xi32> to vector<1x1024xi32>
    %get3A_856 = arith.constant 720 : index
    %get3A_857 = arith.constant 0 : index
    %get3A_858 = vector.load %arg3[%get3A_856, %get3A_857] : memref<1536x256xbf16, #tpu.memory_space<vmem>>, vector<16x256xbf16>
    %slice3A_859 = vector.extract_strided_slice %convert_element_type3A {offsets = [360, 0], sizes = [8, 1024], strides = [1, 1]} : vector<768x1024xbf16> to vector<8x1024xbf16>
    %concatenate3A_860 = tpu.concatenate %slice3A_859, %broadcast_in_dim3A_8 in 0 : vector<8x1024xbf16>, vector<8x1024xbf16> -> vector<16x1024xbf16>
    %dot_general3A_861 = arith.constant dense<0.000000e+00> : vector<256x1024xf32>
    %dot_general3A_862 = tpu.matmul %get3A_858, %concatenate3A_860, %dot_general3A_861 {dimension_numbers = #tpu.dot_dimension_numbers<[0], [0], [1], [1], [0, 1, 1, 1], [], []>, transpose_lhs_hint = false} : vector<16x256xbf16>, vector<16x1024xbf16>, vector<256x1024xf32> -> vector<256x1024xf32>
    %reduce_max3A_863 = arith.constant dense<0xFF800000> : vector<1024xf32>
    %reduce_max3A_864 = vector.multi_reduction <maximumf>, %dot_general3A_862, %reduce_max3A_863 [0] : vector<256x1024xf32> to vector<1024xf32>
    %broadcast_in_dim3A_865 = vector.shape_cast %reduce_max3A_864 : vector<1024xf32> to vector<1x1024xf32>
    %iota3A_866 = tpu.iota {dimensions = array<i32: 0>} : vector<256x1024xi32>
    %ge3A_867 = vector.broadcast %broadcast_in_dim3A_865 : vector<1x1024xf32> to vector<256x1024xf32>
    %ge3A_868 = arith.cmpf oge, %dot_general3A_862, %ge3A_867 : vector<256x1024xf32>
    %jit3A_869 = arith.constant 256 : i32
    %broadcast_in_dim3A_870 = vector.broadcast %jit3A_869 : i32 to vector<256x1024xi32>
    %select_n3A_871 = arith.select %ge3A_868, %iota3A_866, %broadcast_in_dim3A_870 : vector<256x1024xi1>, vector<256x1024xi32>
    %reduce_min3A_872 = arith.constant dense<2147483647> : vector<1024xi32>
    %reduce_min3A_873 = vector.multi_reduction <minsi>, %select_n3A_871, %reduce_min3A_872 [0] : vector<256x1024xi32> to vector<1024xi32>
    %broadcast_in_dim3A_874 = vector.shape_cast %reduce_min3A_873 : vector<1024xi32> to vector<1x1024xi32>
    %get3A_875 = arith.constant 736 : index
    %get3A_876 = arith.constant 0 : index
    %get3A_877 = vector.load %arg3[%get3A_875, %get3A_876] : memref<1536x256xbf16, #tpu.memory_space<vmem>>, vector<16x256xbf16>
    %slice3A_878 = vector.extract_strided_slice %convert_element_type3A {offsets = [368, 0], sizes = [8, 1024], strides = [1, 1]} : vector<768x1024xbf16> to vector<8x1024xbf16>
    %concatenate3A_879 = tpu.concatenate %slice3A_878, %broadcast_in_dim3A_8 in 0 : vector<8x1024xbf16>, vector<8x1024xbf16> -> vector<16x1024xbf16>
    %dot_general3A_880 = arith.constant dense<0.000000e+00> : vector<256x1024xf32>
    %dot_general3A_881 = tpu.matmul %get3A_877, %concatenate3A_879, %dot_general3A_880 {dimension_numbers = #tpu.dot_dimension_numbers<[0], [0], [1], [1], [0, 1, 1, 1], [], []>, transpose_lhs_hint = false} : vector<16x256xbf16>, vector<16x1024xbf16>, vector<256x1024xf32> -> vector<256x1024xf32>
    %reduce_max3A_882 = arith.constant dense<0xFF800000> : vector<1024xf32>
    %reduce_max3A_883 = vector.multi_reduction <maximumf>, %dot_general3A_881, %reduce_max3A_882 [0] : vector<256x1024xf32> to vector<1024xf32>
    %broadcast_in_dim3A_884 = vector.shape_cast %reduce_max3A_883 : vector<1024xf32> to vector<1x1024xf32>
    %iota3A_885 = tpu.iota {dimensions = array<i32: 0>} : vector<256x1024xi32>
    %ge3A_886 = vector.broadcast %broadcast_in_dim3A_884 : vector<1x1024xf32> to vector<256x1024xf32>
    %ge3A_887 = arith.cmpf oge, %dot_general3A_881, %ge3A_886 : vector<256x1024xf32>
    %jit3A_888 = arith.constant 256 : i32
    %broadcast_in_dim3A_889 = vector.broadcast %jit3A_888 : i32 to vector<256x1024xi32>
    %select_n3A_890 = arith.select %ge3A_887, %iota3A_885, %broadcast_in_dim3A_889 : vector<256x1024xi1>, vector<256x1024xi32>
    %reduce_min3A_891 = arith.constant dense<2147483647> : vector<1024xi32>
    %reduce_min3A_892 = vector.multi_reduction <minsi>, %select_n3A_890, %reduce_min3A_891 [0] : vector<256x1024xi32> to vector<1024xi32>
    %broadcast_in_dim3A_893 = vector.shape_cast %reduce_min3A_892 : vector<1024xi32> to vector<1x1024xi32>
    %get3A_894 = arith.constant 752 : index
    %get3A_895 = arith.constant 0 : index
    %get3A_896 = vector.load %arg3[%get3A_894, %get3A_895] : memref<1536x256xbf16, #tpu.memory_space<vmem>>, vector<16x256xbf16>
    %slice3A_897 = vector.extract_strided_slice %convert_element_type3A {offsets = [376, 0], sizes = [8, 1024], strides = [1, 1]} : vector<768x1024xbf16> to vector<8x1024xbf16>
    %concatenate3A_898 = tpu.concatenate %slice3A_897, %broadcast_in_dim3A_8 in 0 : vector<8x1024xbf16>, vector<8x1024xbf16> -> vector<16x1024xbf16>
    %dot_general3A_899 = arith.constant dense<0.000000e+00> : vector<256x1024xf32>
    %dot_general3A_900 = tpu.matmul %get3A_896, %concatenate3A_898, %dot_general3A_899 {dimension_numbers = #tpu.dot_dimension_numbers<[0], [0], [1], [1], [0, 1, 1, 1], [], []>, transpose_lhs_hint = false} : vector<16x256xbf16>, vector<16x1024xbf16>, vector<256x1024xf32> -> vector<256x1024xf32>
    %reduce_max3A_901 = arith.constant dense<0xFF800000> : vector<1024xf32>
    %reduce_max3A_902 = vector.multi_reduction <maximumf>, %dot_general3A_900, %reduce_max3A_901 [0] : vector<256x1024xf32> to vector<1024xf32>
    %broadcast_in_dim3A_903 = vector.shape_cast %reduce_max3A_902 : vector<1024xf32> to vector<1x1024xf32>
    %iota3A_904 = tpu.iota {dimensions = array<i32: 0>} : vector<256x1024xi32>
    %ge3A_905 = vector.broadcast %broadcast_in_dim3A_903 : vector<1x1024xf32> to vector<256x1024xf32>
    %ge3A_906 = arith.cmpf oge, %dot_general3A_900, %ge3A_905 : vector<256x1024xf32>
    %jit3A_907 = arith.constant 256 : i32
    %broadcast_in_dim3A_908 = vector.broadcast %jit3A_907 : i32 to vector<256x1024xi32>
    %select_n3A_909 = arith.select %ge3A_906, %iota3A_904, %broadcast_in_dim3A_908 : vector<256x1024xi1>, vector<256x1024xi32>
    %reduce_min3A_910 = arith.constant dense<2147483647> : vector<1024xi32>
    %reduce_min3A_911 = vector.multi_reduction <minsi>, %select_n3A_909, %reduce_min3A_910 [0] : vector<256x1024xi32> to vector<1024xi32>
    %broadcast_in_dim3A_912 = vector.shape_cast %reduce_min3A_911 : vector<1024xi32> to vector<1x1024xi32>
    %get3A_913 = arith.constant 768 : index
    %get3A_914 = arith.constant 0 : index
    %get3A_915 = vector.load %arg3[%get3A_913, %get3A_914] : memref<1536x256xbf16, #tpu.memory_space<vmem>>, vector<16x256xbf16>
    %slice3A_916 = vector.extract_strided_slice %convert_element_type3A {offsets = [384, 0], sizes = [8, 1024], strides = [1, 1]} : vector<768x1024xbf16> to vector<8x1024xbf16>
    %concatenate3A_917 = tpu.concatenate %slice3A_916, %broadcast_in_dim3A_8 in 0 : vector<8x1024xbf16>, vector<8x1024xbf16> -> vector<16x1024xbf16>
    %dot_general3A_918 = arith.constant dense<0.000000e+00> : vector<256x1024xf32>
    %dot_general3A_919 = tpu.matmul %get3A_915, %concatenate3A_917, %dot_general3A_918 {dimension_numbers = #tpu.dot_dimension_numbers<[0], [0], [1], [1], [0, 1, 1, 1], [], []>, transpose_lhs_hint = false} : vector<16x256xbf16>, vector<16x1024xbf16>, vector<256x1024xf32> -> vector<256x1024xf32>
    %reduce_max3A_920 = arith.constant dense<0xFF800000> : vector<1024xf32>
    %reduce_max3A_921 = vector.multi_reduction <maximumf>, %dot_general3A_919, %reduce_max3A_920 [0] : vector<256x1024xf32> to vector<1024xf32>
    %broadcast_in_dim3A_922 = vector.shape_cast %reduce_max3A_921 : vector<1024xf32> to vector<1x1024xf32>
    %iota3A_923 = tpu.iota {dimensions = array<i32: 0>} : vector<256x1024xi32>
    %ge3A_924 = vector.broadcast %broadcast_in_dim3A_922 : vector<1x1024xf32> to vector<256x1024xf32>
    %ge3A_925 = arith.cmpf oge, %dot_general3A_919, %ge3A_924 : vector<256x1024xf32>
    %jit3A_926 = arith.constant 256 : i32
    %broadcast_in_dim3A_927 = vector.broadcast %jit3A_926 : i32 to vector<256x1024xi32>
    %select_n3A_928 = arith.select %ge3A_925, %iota3A_923, %broadcast_in_dim3A_927 : vector<256x1024xi1>, vector<256x1024xi32>
    %reduce_min3A_929 = arith.constant dense<2147483647> : vector<1024xi32>
    %reduce_min3A_930 = vector.multi_reduction <minsi>, %select_n3A_928, %reduce_min3A_929 [0] : vector<256x1024xi32> to vector<1024xi32>
    %broadcast_in_dim3A_931 = vector.shape_cast %reduce_min3A_930 : vector<1024xi32> to vector<1x1024xi32>
    %get3A_932 = arith.constant 784 : index
    %get3A_933 = arith.constant 0 : index
    %get3A_934 = vector.load %arg3[%get3A_932, %get3A_933] : memref<1536x256xbf16, #tpu.memory_space<vmem>>, vector<16x256xbf16>
    %slice3A_935 = vector.extract_strided_slice %convert_element_type3A {offsets = [392, 0], sizes = [8, 1024], strides = [1, 1]} : vector<768x1024xbf16> to vector<8x1024xbf16>
    %concatenate3A_936 = tpu.concatenate %slice3A_935, %broadcast_in_dim3A_8 in 0 : vector<8x1024xbf16>, vector<8x1024xbf16> -> vector<16x1024xbf16>
    %dot_general3A_937 = arith.constant dense<0.000000e+00> : vector<256x1024xf32>
    %dot_general3A_938 = tpu.matmul %get3A_934, %concatenate3A_936, %dot_general3A_937 {dimension_numbers = #tpu.dot_dimension_numbers<[0], [0], [1], [1], [0, 1, 1, 1], [], []>, transpose_lhs_hint = false} : vector<16x256xbf16>, vector<16x1024xbf16>, vector<256x1024xf32> -> vector<256x1024xf32>
    %reduce_max3A_939 = arith.constant dense<0xFF800000> : vector<1024xf32>
    %reduce_max3A_940 = vector.multi_reduction <maximumf>, %dot_general3A_938, %reduce_max3A_939 [0] : vector<256x1024xf32> to vector<1024xf32>
    %broadcast_in_dim3A_941 = vector.shape_cast %reduce_max3A_940 : vector<1024xf32> to vector<1x1024xf32>
    %iota3A_942 = tpu.iota {dimensions = array<i32: 0>} : vector<256x1024xi32>
    %ge3A_943 = vector.broadcast %broadcast_in_dim3A_941 : vector<1x1024xf32> to vector<256x1024xf32>
    %ge3A_944 = arith.cmpf oge, %dot_general3A_938, %ge3A_943 : vector<256x1024xf32>
    %jit3A_945 = arith.constant 256 : i32
    %broadcast_in_dim3A_946 = vector.broadcast %jit3A_945 : i32 to vector<256x1024xi32>
    %select_n3A_947 = arith.select %ge3A_944, %iota3A_942, %broadcast_in_dim3A_946 : vector<256x1024xi1>, vector<256x1024xi32>
    %reduce_min3A_948 = arith.constant dense<2147483647> : vector<1024xi32>
    %reduce_min3A_949 = vector.multi_reduction <minsi>, %select_n3A_947, %reduce_min3A_948 [0] : vector<256x1024xi32> to vector<1024xi32>
    %broadcast_in_dim3A_950 = vector.shape_cast %reduce_min3A_949 : vector<1024xi32> to vector<1x1024xi32>
    %get3A_951 = arith.constant 800 : index
    %get3A_952 = arith.constant 0 : index
    %get3A_953 = vector.load %arg3[%get3A_951, %get3A_952] : memref<1536x256xbf16, #tpu.memory_space<vmem>>, vector<16x256xbf16>
    %slice3A_954 = vector.extract_strided_slice %convert_element_type3A {offsets = [400, 0], sizes = [8, 1024], strides = [1, 1]} : vector<768x1024xbf16> to vector<8x1024xbf16>
    %concatenate3A_955 = tpu.concatenate %slice3A_954, %broadcast_in_dim3A_8 in 0 : vector<8x1024xbf16>, vector<8x1024xbf16> -> vector<16x1024xbf16>
    %dot_general3A_956 = arith.constant dense<0.000000e+00> : vector<256x1024xf32>
    %dot_general3A_957 = tpu.matmul %get3A_953, %concatenate3A_955, %dot_general3A_956 {dimension_numbers = #tpu.dot_dimension_numbers<[0], [0], [1], [1], [0, 1, 1, 1], [], []>, transpose_lhs_hint = false} : vector<16x256xbf16>, vector<16x1024xbf16>, vector<256x1024xf32> -> vector<256x1024xf32>
    %reduce_max3A_958 = arith.constant dense<0xFF800000> : vector<1024xf32>
    %reduce_max3A_959 = vector.multi_reduction <maximumf>, %dot_general3A_957, %reduce_max3A_958 [0] : vector<256x1024xf32> to vector<1024xf32>
    %broadcast_in_dim3A_960 = vector.shape_cast %reduce_max3A_959 : vector<1024xf32> to vector<1x1024xf32>
    %iota3A_961 = tpu.iota {dimensions = array<i32: 0>} : vector<256x1024xi32>
    %ge3A_962 = vector.broadcast %broadcast_in_dim3A_960 : vector<1x1024xf32> to vector<256x1024xf32>
    %ge3A_963 = arith.cmpf oge, %dot_general3A_957, %ge3A_962 : vector<256x1024xf32>
    %jit3A_964 = arith.constant 256 : i32
    %broadcast_in_dim3A_965 = vector.broadcast %jit3A_964 : i32 to vector<256x1024xi32>
    %select_n3A_966 = arith.select %ge3A_963, %iota3A_961, %broadcast_in_dim3A_965 : vector<256x1024xi1>, vector<256x1024xi32>
    %reduce_min3A_967 = arith.constant dense<2147483647> : vector<1024xi32>
    %reduce_min3A_968 = vector.multi_reduction <minsi>, %select_n3A_966, %reduce_min3A_967 [0] : vector<256x1024xi32> to vector<1024xi32>
    %broadcast_in_dim3A_969 = vector.shape_cast %reduce_min3A_968 : vector<1024xi32> to vector<1x1024xi32>
    %get3A_970 = arith.constant 816 : index
    %get3A_971 = arith.constant 0 : index
    %get3A_972 = vector.load %arg3[%get3A_970, %get3A_971] : memref<1536x256xbf16, #tpu.memory_space<vmem>>, vector<16x256xbf16>
    %slice3A_973 = vector.extract_strided_slice %convert_element_type3A {offsets = [408, 0], sizes = [8, 1024], strides = [1, 1]} : vector<768x1024xbf16> to vector<8x1024xbf16>
    %concatenate3A_974 = tpu.concatenate %slice3A_973, %broadcast_in_dim3A_8 in 0 : vector<8x1024xbf16>, vector<8x1024xbf16> -> vector<16x1024xbf16>
    %dot_general3A_975 = arith.constant dense<0.000000e+00> : vector<256x1024xf32>
    %dot_general3A_976 = tpu.matmul %get3A_972, %concatenate3A_974, %dot_general3A_975 {dimension_numbers = #tpu.dot_dimension_numbers<[0], [0], [1], [1], [0, 1, 1, 1], [], []>, transpose_lhs_hint = false} : vector<16x256xbf16>, vector<16x1024xbf16>, vector<256x1024xf32> -> vector<256x1024xf32>
    %reduce_max3A_977 = arith.constant dense<0xFF800000> : vector<1024xf32>
    %reduce_max3A_978 = vector.multi_reduction <maximumf>, %dot_general3A_976, %reduce_max3A_977 [0] : vector<256x1024xf32> to vector<1024xf32>
    %broadcast_in_dim3A_979 = vector.shape_cast %reduce_max3A_978 : vector<1024xf32> to vector<1x1024xf32>
    %iota3A_980 = tpu.iota {dimensions = array<i32: 0>} : vector<256x1024xi32>
    %ge3A_981 = vector.broadcast %broadcast_in_dim3A_979 : vector<1x1024xf32> to vector<256x1024xf32>
    %ge3A_982 = arith.cmpf oge, %dot_general3A_976, %ge3A_981 : vector<256x1024xf32>
    %jit3A_983 = arith.constant 256 : i32
    %broadcast_in_dim3A_984 = vector.broadcast %jit3A_983 : i32 to vector<256x1024xi32>
    %select_n3A_985 = arith.select %ge3A_982, %iota3A_980, %broadcast_in_dim3A_984 : vector<256x1024xi1>, vector<256x1024xi32>
    %reduce_min3A_986 = arith.constant dense<2147483647> : vector<1024xi32>
    %reduce_min3A_987 = vector.multi_reduction <minsi>, %select_n3A_985, %reduce_min3A_986 [0] : vector<256x1024xi32> to vector<1024xi32>
    %broadcast_in_dim3A_988 = vector.shape_cast %reduce_min3A_987 : vector<1024xi32> to vector<1x1024xi32>
    %get3A_989 = arith.constant 832 : index
    %get3A_990 = arith.constant 0 : index
    %get3A_991 = vector.load %arg3[%get3A_989, %get3A_990] : memref<1536x256xbf16, #tpu.memory_space<vmem>>, vector<16x256xbf16>
    %slice3A_992 = vector.extract_strided_slice %convert_element_type3A {offsets = [416, 0], sizes = [8, 1024], strides = [1, 1]} : vector<768x1024xbf16> to vector<8x1024xbf16>
    %concatenate3A_993 = tpu.concatenate %slice3A_992, %broadcast_in_dim3A_8 in 0 : vector<8x1024xbf16>, vector<8x1024xbf16> -> vector<16x1024xbf16>
    %dot_general3A_994 = arith.constant dense<0.000000e+00> : vector<256x1024xf32>
    %dot_general3A_995 = tpu.matmul %get3A_991, %concatenate3A_993, %dot_general3A_994 {dimension_numbers = #tpu.dot_dimension_numbers<[0], [0], [1], [1], [0, 1, 1, 1], [], []>, transpose_lhs_hint = false} : vector<16x256xbf16>, vector<16x1024xbf16>, vector<256x1024xf32> -> vector<256x1024xf32>
    %reduce_max3A_996 = arith.constant dense<0xFF800000> : vector<1024xf32>
    %reduce_max3A_997 = vector.multi_reduction <maximumf>, %dot_general3A_995, %reduce_max3A_996 [0] : vector<256x1024xf32> to vector<1024xf32>
    %broadcast_in_dim3A_998 = vector.shape_cast %reduce_max3A_997 : vector<1024xf32> to vector<1x1024xf32>
    %iota3A_999 = tpu.iota {dimensions = array<i32: 0>} : vector<256x1024xi32>
    %ge3A_1000 = vector.broadcast %broadcast_in_dim3A_998 : vector<1x1024xf32> to vector<256x1024xf32>
    %ge3A_1001 = arith.cmpf oge, %dot_general3A_995, %ge3A_1000 : vector<256x1024xf32>
    %jit3A_1002 = arith.constant 256 : i32
    %broadcast_in_dim3A_1003 = vector.broadcast %jit3A_1002 : i32 to vector<256x1024xi32>
    %select_n3A_1004 = arith.select %ge3A_1001, %iota3A_999, %broadcast_in_dim3A_1003 : vector<256x1024xi1>, vector<256x1024xi32>
    %reduce_min3A_1005 = arith.constant dense<2147483647> : vector<1024xi32>
    %reduce_min3A_1006 = vector.multi_reduction <minsi>, %select_n3A_1004, %reduce_min3A_1005 [0] : vector<256x1024xi32> to vector<1024xi32>
    %broadcast_in_dim3A_1007 = vector.shape_cast %reduce_min3A_1006 : vector<1024xi32> to vector<1x1024xi32>
    %get3A_1008 = arith.constant 848 : index
    %get3A_1009 = arith.constant 0 : index
    %get3A_1010 = vector.load %arg3[%get3A_1008, %get3A_1009] : memref<1536x256xbf16, #tpu.memory_space<vmem>>, vector<16x256xbf16>
    %slice3A_1011 = vector.extract_strided_slice %convert_element_type3A {offsets = [424, 0], sizes = [8, 1024], strides = [1, 1]} : vector<768x1024xbf16> to vector<8x1024xbf16>
    %concatenate3A_1012 = tpu.concatenate %slice3A_1011, %broadcast_in_dim3A_8 in 0 : vector<8x1024xbf16>, vector<8x1024xbf16> -> vector<16x1024xbf16>
    %dot_general3A_1013 = arith.constant dense<0.000000e+00> : vector<256x1024xf32>
    %dot_general3A_1014 = tpu.matmul %get3A_1010, %concatenate3A_1012, %dot_general3A_1013 {dimension_numbers = #tpu.dot_dimension_numbers<[0], [0], [1], [1], [0, 1, 1, 1], [], []>, transpose_lhs_hint = false} : vector<16x256xbf16>, vector<16x1024xbf16>, vector<256x1024xf32> -> vector<256x1024xf32>
    %reduce_max3A_1015 = arith.constant dense<0xFF800000> : vector<1024xf32>
    %reduce_max3A_1016 = vector.multi_reduction <maximumf>, %dot_general3A_1014, %reduce_max3A_1015 [0] : vector<256x1024xf32> to vector<1024xf32>
    %broadcast_in_dim3A_1017 = vector.shape_cast %reduce_max3A_1016 : vector<1024xf32> to vector<1x1024xf32>
    %iota3A_1018 = tpu.iota {dimensions = array<i32: 0>} : vector<256x1024xi32>
    %ge3A_1019 = vector.broadcast %broadcast_in_dim3A_1017 : vector<1x1024xf32> to vector<256x1024xf32>
    %ge3A_1020 = arith.cmpf oge, %dot_general3A_1014, %ge3A_1019 : vector<256x1024xf32>
    %jit3A_1021 = arith.constant 256 : i32
    %broadcast_in_dim3A_1022 = vector.broadcast %jit3A_1021 : i32 to vector<256x1024xi32>
    %select_n3A_1023 = arith.select %ge3A_1020, %iota3A_1018, %broadcast_in_dim3A_1022 : vector<256x1024xi1>, vector<256x1024xi32>
    %reduce_min3A_1024 = arith.constant dense<2147483647> : vector<1024xi32>
    %reduce_min3A_1025 = vector.multi_reduction <minsi>, %select_n3A_1023, %reduce_min3A_1024 [0] : vector<256x1024xi32> to vector<1024xi32>
    %broadcast_in_dim3A_1026 = vector.shape_cast %reduce_min3A_1025 : vector<1024xi32> to vector<1x1024xi32>
    %get3A_1027 = arith.constant 864 : index
    %get3A_1028 = arith.constant 0 : index
    %get3A_1029 = vector.load %arg3[%get3A_1027, %get3A_1028] : memref<1536x256xbf16, #tpu.memory_space<vmem>>, vector<16x256xbf16>
    %slice3A_1030 = vector.extract_strided_slice %convert_element_type3A {offsets = [432, 0], sizes = [8, 1024], strides = [1, 1]} : vector<768x1024xbf16> to vector<8x1024xbf16>
    %concatenate3A_1031 = tpu.concatenate %slice3A_1030, %broadcast_in_dim3A_8 in 0 : vector<8x1024xbf16>, vector<8x1024xbf16> -> vector<16x1024xbf16>
    %dot_general3A_1032 = arith.constant dense<0.000000e+00> : vector<256x1024xf32>
    %dot_general3A_1033 = tpu.matmul %get3A_1029, %concatenate3A_1031, %dot_general3A_1032 {dimension_numbers = #tpu.dot_dimension_numbers<[0], [0], [1], [1], [0, 1, 1, 1], [], []>, transpose_lhs_hint = false} : vector<16x256xbf16>, vector<16x1024xbf16>, vector<256x1024xf32> -> vector<256x1024xf32>
    %reduce_max3A_1034 = arith.constant dense<0xFF800000> : vector<1024xf32>
    %reduce_max3A_1035 = vector.multi_reduction <maximumf>, %dot_general3A_1033, %reduce_max3A_1034 [0] : vector<256x1024xf32> to vector<1024xf32>
    %broadcast_in_dim3A_1036 = vector.shape_cast %reduce_max3A_1035 : vector<1024xf32> to vector<1x1024xf32>
    %iota3A_1037 = tpu.iota {dimensions = array<i32: 0>} : vector<256x1024xi32>
    %ge3A_1038 = vector.broadcast %broadcast_in_dim3A_1036 : vector<1x1024xf32> to vector<256x1024xf32>
    %ge3A_1039 = arith.cmpf oge, %dot_general3A_1033, %ge3A_1038 : vector<256x1024xf32>
    %jit3A_1040 = arith.constant 256 : i32
    %broadcast_in_dim3A_1041 = vector.broadcast %jit3A_1040 : i32 to vector<256x1024xi32>
    %select_n3A_1042 = arith.select %ge3A_1039, %iota3A_1037, %broadcast_in_dim3A_1041 : vector<256x1024xi1>, vector<256x1024xi32>
    %reduce_min3A_1043 = arith.constant dense<2147483647> : vector<1024xi32>
    %reduce_min3A_1044 = vector.multi_reduction <minsi>, %select_n3A_1042, %reduce_min3A_1043 [0] : vector<256x1024xi32> to vector<1024xi32>
    %broadcast_in_dim3A_1045 = vector.shape_cast %reduce_min3A_1044 : vector<1024xi32> to vector<1x1024xi32>
    %get3A_1046 = arith.constant 880 : index
    %get3A_1047 = arith.constant 0 : index
    %get3A_1048 = vector.load %arg3[%get3A_1046, %get3A_1047] : memref<1536x256xbf16, #tpu.memory_space<vmem>>, vector<16x256xbf16>
    %slice3A_1049 = vector.extract_strided_slice %convert_element_type3A {offsets = [440, 0], sizes = [8, 1024], strides = [1, 1]} : vector<768x1024xbf16> to vector<8x1024xbf16>
    %concatenate3A_1050 = tpu.concatenate %slice3A_1049, %broadcast_in_dim3A_8 in 0 : vector<8x1024xbf16>, vector<8x1024xbf16> -> vector<16x1024xbf16>
    %dot_general3A_1051 = arith.constant dense<0.000000e+00> : vector<256x1024xf32>
    %dot_general3A_1052 = tpu.matmul %get3A_1048, %concatenate3A_1050, %dot_general3A_1051 {dimension_numbers = #tpu.dot_dimension_numbers<[0], [0], [1], [1], [0, 1, 1, 1], [], []>, transpose_lhs_hint = false} : vector<16x256xbf16>, vector<16x1024xbf16>, vector<256x1024xf32> -> vector<256x1024xf32>
    %reduce_max3A_1053 = arith.constant dense<0xFF800000> : vector<1024xf32>
    %reduce_max3A_1054 = vector.multi_reduction <maximumf>, %dot_general3A_1052, %reduce_max3A_1053 [0] : vector<256x1024xf32> to vector<1024xf32>
    %broadcast_in_dim3A_1055 = vector.shape_cast %reduce_max3A_1054 : vector<1024xf32> to vector<1x1024xf32>
    %iota3A_1056 = tpu.iota {dimensions = array<i32: 0>} : vector<256x1024xi32>
    %ge3A_1057 = vector.broadcast %broadcast_in_dim3A_1055 : vector<1x1024xf32> to vector<256x1024xf32>
    %ge3A_1058 = arith.cmpf oge, %dot_general3A_1052, %ge3A_1057 : vector<256x1024xf32>
    %jit3A_1059 = arith.constant 256 : i32
    %broadcast_in_dim3A_1060 = vector.broadcast %jit3A_1059 : i32 to vector<256x1024xi32>
    %select_n3A_1061 = arith.select %ge3A_1058, %iota3A_1056, %broadcast_in_dim3A_1060 : vector<256x1024xi1>, vector<256x1024xi32>
    %reduce_min3A_1062 = arith.constant dense<2147483647> : vector<1024xi32>
    %reduce_min3A_1063 = vector.multi_reduction <minsi>, %select_n3A_1061, %reduce_min3A_1062 [0] : vector<256x1024xi32> to vector<1024xi32>
    %broadcast_in_dim3A_1064 = vector.shape_cast %reduce_min3A_1063 : vector<1024xi32> to vector<1x1024xi32>
    %get3A_1065 = arith.constant 896 : index
    %get3A_1066 = arith.constant 0 : index
    %get3A_1067 = vector.load %arg3[%get3A_1065, %get3A_1066] : memref<1536x256xbf16, #tpu.memory_space<vmem>>, vector<16x256xbf16>
    %slice3A_1068 = vector.extract_strided_slice %convert_element_type3A {offsets = [448, 0], sizes = [8, 1024], strides = [1, 1]} : vector<768x1024xbf16> to vector<8x1024xbf16>
    %concatenate3A_1069 = tpu.concatenate %slice3A_1068, %broadcast_in_dim3A_8 in 0 : vector<8x1024xbf16>, vector<8x1024xbf16> -> vector<16x1024xbf16>
    %dot_general3A_1070 = arith.constant dense<0.000000e+00> : vector<256x1024xf32>
    %dot_general3A_1071 = tpu.matmul %get3A_1067, %concatenate3A_1069, %dot_general3A_1070 {dimension_numbers = #tpu.dot_dimension_numbers<[0], [0], [1], [1], [0, 1, 1, 1], [], []>, transpose_lhs_hint = false} : vector<16x256xbf16>, vector<16x1024xbf16>, vector<256x1024xf32> -> vector<256x1024xf32>
    %reduce_max3A_1072 = arith.constant dense<0xFF800000> : vector<1024xf32>
    %reduce_max3A_1073 = vector.multi_reduction <maximumf>, %dot_general3A_1071, %reduce_max3A_1072 [0] : vector<256x1024xf32> to vector<1024xf32>
    %broadcast_in_dim3A_1074 = vector.shape_cast %reduce_max3A_1073 : vector<1024xf32> to vector<1x1024xf32>
    %iota3A_1075 = tpu.iota {dimensions = array<i32: 0>} : vector<256x1024xi32>
    %ge3A_1076 = vector.broadcast %broadcast_in_dim3A_1074 : vector<1x1024xf32> to vector<256x1024xf32>
    %ge3A_1077 = arith.cmpf oge, %dot_general3A_1071, %ge3A_1076 : vector<256x1024xf32>
    %jit3A_1078 = arith.constant 256 : i32
    %broadcast_in_dim3A_1079 = vector.broadcast %jit3A_1078 : i32 to vector<256x1024xi32>
    %select_n3A_1080 = arith.select %ge3A_1077, %iota3A_1075, %broadcast_in_dim3A_1079 : vector<256x1024xi1>, vector<256x1024xi32>
    %reduce_min3A_1081 = arith.constant dense<2147483647> : vector<1024xi32>
    %reduce_min3A_1082 = vector.multi_reduction <minsi>, %select_n3A_1080, %reduce_min3A_1081 [0] : vector<256x1024xi32> to vector<1024xi32>
    %broadcast_in_dim3A_1083 = vector.shape_cast %reduce_min3A_1082 : vector<1024xi32> to vector<1x1024xi32>
    %get3A_1084 = arith.constant 912 : index
    %get3A_1085 = arith.constant 0 : index
    %get3A_1086 = vector.load %arg3[%get3A_1084, %get3A_1085] : memref<1536x256xbf16, #tpu.memory_space<vmem>>, vector<16x256xbf16>
    %slice3A_1087 = vector.extract_strided_slice %convert_element_type3A {offsets = [456, 0], sizes = [8, 1024], strides = [1, 1]} : vector<768x1024xbf16> to vector<8x1024xbf16>
    %concatenate3A_1088 = tpu.concatenate %slice3A_1087, %broadcast_in_dim3A_8 in 0 : vector<8x1024xbf16>, vector<8x1024xbf16> -> vector<16x1024xbf16>
    %dot_general3A_1089 = arith.constant dense<0.000000e+00> : vector<256x1024xf32>
    %dot_general3A_1090 = tpu.matmul %get3A_1086, %concatenate3A_1088, %dot_general3A_1089 {dimension_numbers = #tpu.dot_dimension_numbers<[0], [0], [1], [1], [0, 1, 1, 1], [], []>, transpose_lhs_hint = false} : vector<16x256xbf16>, vector<16x1024xbf16>, vector<256x1024xf32> -> vector<256x1024xf32>
    %reduce_max3A_1091 = arith.constant dense<0xFF800000> : vector<1024xf32>
    %reduce_max3A_1092 = vector.multi_reduction <maximumf>, %dot_general3A_1090, %reduce_max3A_1091 [0] : vector<256x1024xf32> to vector<1024xf32>
    %broadcast_in_dim3A_1093 = vector.shape_cast %reduce_max3A_1092 : vector<1024xf32> to vector<1x1024xf32>
    %iota3A_1094 = tpu.iota {dimensions = array<i32: 0>} : vector<256x1024xi32>
    %ge3A_1095 = vector.broadcast %broadcast_in_dim3A_1093 : vector<1x1024xf32> to vector<256x1024xf32>
    %ge3A_1096 = arith.cmpf oge, %dot_general3A_1090, %ge3A_1095 : vector<256x1024xf32>
    %jit3A_1097 = arith.constant 256 : i32
    %broadcast_in_dim3A_1098 = vector.broadcast %jit3A_1097 : i32 to vector<256x1024xi32>
    %select_n3A_1099 = arith.select %ge3A_1096, %iota3A_1094, %broadcast_in_dim3A_1098 : vector<256x1024xi1>, vector<256x1024xi32>
    %reduce_min3A_1100 = arith.constant dense<2147483647> : vector<1024xi32>
    %reduce_min3A_1101 = vector.multi_reduction <minsi>, %select_n3A_1099, %reduce_min3A_1100 [0] : vector<256x1024xi32> to vector<1024xi32>
    %broadcast_in_dim3A_1102 = vector.shape_cast %reduce_min3A_1101 : vector<1024xi32> to vector<1x1024xi32>
    %get3A_1103 = arith.constant 928 : index
    %get3A_1104 = arith.constant 0 : index
    %get3A_1105 = vector.load %arg3[%get3A_1103, %get3A_1104] : memref<1536x256xbf16, #tpu.memory_space<vmem>>, vector<16x256xbf16>
    %slice3A_1106 = vector.extract_strided_slice %convert_element_type3A {offsets = [464, 0], sizes = [8, 1024], strides = [1, 1]} : vector<768x1024xbf16> to vector<8x1024xbf16>
    %concatenate3A_1107 = tpu.concatenate %slice3A_1106, %broadcast_in_dim3A_8 in 0 : vector<8x1024xbf16>, vector<8x1024xbf16> -> vector<16x1024xbf16>
    %dot_general3A_1108 = arith.constant dense<0.000000e+00> : vector<256x1024xf32>
    %dot_general3A_1109 = tpu.matmul %get3A_1105, %concatenate3A_1107, %dot_general3A_1108 {dimension_numbers = #tpu.dot_dimension_numbers<[0], [0], [1], [1], [0, 1, 1, 1], [], []>, transpose_lhs_hint = false} : vector<16x256xbf16>, vector<16x1024xbf16>, vector<256x1024xf32> -> vector<256x1024xf32>
    %reduce_max3A_1110 = arith.constant dense<0xFF800000> : vector<1024xf32>
    %reduce_max3A_1111 = vector.multi_reduction <maximumf>, %dot_general3A_1109, %reduce_max3A_1110 [0] : vector<256x1024xf32> to vector<1024xf32>
    %broadcast_in_dim3A_1112 = vector.shape_cast %reduce_max3A_1111 : vector<1024xf32> to vector<1x1024xf32>
    %iota3A_1113 = tpu.iota {dimensions = array<i32: 0>} : vector<256x1024xi32>
    %ge3A_1114 = vector.broadcast %broadcast_in_dim3A_1112 : vector<1x1024xf32> to vector<256x1024xf32>
    %ge3A_1115 = arith.cmpf oge, %dot_general3A_1109, %ge3A_1114 : vector<256x1024xf32>
    %jit3A_1116 = arith.constant 256 : i32
    %broadcast_in_dim3A_1117 = vector.broadcast %jit3A_1116 : i32 to vector<256x1024xi32>
    %select_n3A_1118 = arith.select %ge3A_1115, %iota3A_1113, %broadcast_in_dim3A_1117 : vector<256x1024xi1>, vector<256x1024xi32>
    %reduce_min3A_1119 = arith.constant dense<2147483647> : vector<1024xi32>
    %reduce_min3A_1120 = vector.multi_reduction <minsi>, %select_n3A_1118, %reduce_min3A_1119 [0] : vector<256x1024xi32> to vector<1024xi32>
    %broadcast_in_dim3A_1121 = vector.shape_cast %reduce_min3A_1120 : vector<1024xi32> to vector<1x1024xi32>
    %get3A_1122 = arith.constant 944 : index
    %get3A_1123 = arith.constant 0 : index
    %get3A_1124 = vector.load %arg3[%get3A_1122, %get3A_1123] : memref<1536x256xbf16, #tpu.memory_space<vmem>>, vector<16x256xbf16>
    %slice3A_1125 = vector.extract_strided_slice %convert_element_type3A {offsets = [472, 0], sizes = [8, 1024], strides = [1, 1]} : vector<768x1024xbf16> to vector<8x1024xbf16>
    %concatenate3A_1126 = tpu.concatenate %slice3A_1125, %broadcast_in_dim3A_8 in 0 : vector<8x1024xbf16>, vector<8x1024xbf16> -> vector<16x1024xbf16>
    %dot_general3A_1127 = arith.constant dense<0.000000e+00> : vector<256x1024xf32>
    %dot_general3A_1128 = tpu.matmul %get3A_1124, %concatenate3A_1126, %dot_general3A_1127 {dimension_numbers = #tpu.dot_dimension_numbers<[0], [0], [1], [1], [0, 1, 1, 1], [], []>, transpose_lhs_hint = false} : vector<16x256xbf16>, vector<16x1024xbf16>, vector<256x1024xf32> -> vector<256x1024xf32>
    %reduce_max3A_1129 = arith.constant dense<0xFF800000> : vector<1024xf32>
    %reduce_max3A_1130 = vector.multi_reduction <maximumf>, %dot_general3A_1128, %reduce_max3A_1129 [0] : vector<256x1024xf32> to vector<1024xf32>
    %broadcast_in_dim3A_1131 = vector.shape_cast %reduce_max3A_1130 : vector<1024xf32> to vector<1x1024xf32>
    %iota3A_1132 = tpu.iota {dimensions = array<i32: 0>} : vector<256x1024xi32>
    %ge3A_1133 = vector.broadcast %broadcast_in_dim3A_1131 : vector<1x1024xf32> to vector<256x1024xf32>
    %ge3A_1134 = arith.cmpf oge, %dot_general3A_1128, %ge3A_1133 : vector<256x1024xf32>
    %jit3A_1135 = arith.constant 256 : i32
    %broadcast_in_dim3A_1136 = vector.broadcast %jit3A_1135 : i32 to vector<256x1024xi32>
    %select_n3A_1137 = arith.select %ge3A_1134, %iota3A_1132, %broadcast_in_dim3A_1136 : vector<256x1024xi1>, vector<256x1024xi32>
    %reduce_min3A_1138 = arith.constant dense<2147483647> : vector<1024xi32>
    %reduce_min3A_1139 = vector.multi_reduction <minsi>, %select_n3A_1137, %reduce_min3A_1138 [0] : vector<256x1024xi32> to vector<1024xi32>
    %broadcast_in_dim3A_1140 = vector.shape_cast %reduce_min3A_1139 : vector<1024xi32> to vector<1x1024xi32>
    %get3A_1141 = arith.constant 960 : index
    %get3A_1142 = arith.constant 0 : index
    %get3A_1143 = vector.load %arg3[%get3A_1141, %get3A_1142] : memref<1536x256xbf16, #tpu.memory_space<vmem>>, vector<16x256xbf16>
    %slice3A_1144 = vector.extract_strided_slice %convert_element_type3A {offsets = [480, 0], sizes = [8, 1024], strides = [1, 1]} : vector<768x1024xbf16> to vector<8x1024xbf16>
    %concatenate3A_1145 = tpu.concatenate %slice3A_1144, %broadcast_in_dim3A_8 in 0 : vector<8x1024xbf16>, vector<8x1024xbf16> -> vector<16x1024xbf16>
    %dot_general3A_1146 = arith.constant dense<0.000000e+00> : vector<256x1024xf32>
    %dot_general3A_1147 = tpu.matmul %get3A_1143, %concatenate3A_1145, %dot_general3A_1146 {dimension_numbers = #tpu.dot_dimension_numbers<[0], [0], [1], [1], [0, 1, 1, 1], [], []>, transpose_lhs_hint = false} : vector<16x256xbf16>, vector<16x1024xbf16>, vector<256x1024xf32> -> vector<256x1024xf32>
    %reduce_max3A_1148 = arith.constant dense<0xFF800000> : vector<1024xf32>
    %reduce_max3A_1149 = vector.multi_reduction <maximumf>, %dot_general3A_1147, %reduce_max3A_1148 [0] : vector<256x1024xf32> to vector<1024xf32>
    %broadcast_in_dim3A_1150 = vector.shape_cast %reduce_max3A_1149 : vector<1024xf32> to vector<1x1024xf32>
    %iota3A_1151 = tpu.iota {dimensions = array<i32: 0>} : vector<256x1024xi32>
    %ge3A_1152 = vector.broadcast %broadcast_in_dim3A_1150 : vector<1x1024xf32> to vector<256x1024xf32>
    %ge3A_1153 = arith.cmpf oge, %dot_general3A_1147, %ge3A_1152 : vector<256x1024xf32>
    %jit3A_1154 = arith.constant 256 : i32
    %broadcast_in_dim3A_1155 = vector.broadcast %jit3A_1154 : i32 to vector<256x1024xi32>
    %select_n3A_1156 = arith.select %ge3A_1153, %iota3A_1151, %broadcast_in_dim3A_1155 : vector<256x1024xi1>, vector<256x1024xi32>
    %reduce_min3A_1157 = arith.constant dense<2147483647> : vector<1024xi32>
    %reduce_min3A_1158 = vector.multi_reduction <minsi>, %select_n3A_1156, %reduce_min3A_1157 [0] : vector<256x1024xi32> to vector<1024xi32>
    %broadcast_in_dim3A_1159 = vector.shape_cast %reduce_min3A_1158 : vector<1024xi32> to vector<1x1024xi32>
    %get3A_1160 = arith.constant 976 : index
    %get3A_1161 = arith.constant 0 : index
    %get3A_1162 = vector.load %arg3[%get3A_1160, %get3A_1161] : memref<1536x256xbf16, #tpu.memory_space<vmem>>, vector<16x256xbf16>
    %slice3A_1163 = vector.extract_strided_slice %convert_element_type3A {offsets = [488, 0], sizes = [8, 1024], strides = [1, 1]} : vector<768x1024xbf16> to vector<8x1024xbf16>
    %concatenate3A_1164 = tpu.concatenate %slice3A_1163, %broadcast_in_dim3A_8 in 0 : vector<8x1024xbf16>, vector<8x1024xbf16> -> vector<16x1024xbf16>
    %dot_general3A_1165 = arith.constant dense<0.000000e+00> : vector<256x1024xf32>
    %dot_general3A_1166 = tpu.matmul %get3A_1162, %concatenate3A_1164, %dot_general3A_1165 {dimension_numbers = #tpu.dot_dimension_numbers<[0], [0], [1], [1], [0, 1, 1, 1], [], []>, transpose_lhs_hint = false} : vector<16x256xbf16>, vector<16x1024xbf16>, vector<256x1024xf32> -> vector<256x1024xf32>
    %reduce_max3A_1167 = arith.constant dense<0xFF800000> : vector<1024xf32>
    %reduce_max3A_1168 = vector.multi_reduction <maximumf>, %dot_general3A_1166, %reduce_max3A_1167 [0] : vector<256x1024xf32> to vector<1024xf32>
    %broadcast_in_dim3A_1169 = vector.shape_cast %reduce_max3A_1168 : vector<1024xf32> to vector<1x1024xf32>
    %iota3A_1170 = tpu.iota {dimensions = array<i32: 0>} : vector<256x1024xi32>
    %ge3A_1171 = vector.broadcast %broadcast_in_dim3A_1169 : vector<1x1024xf32> to vector<256x1024xf32>
    %ge3A_1172 = arith.cmpf oge, %dot_general3A_1166, %ge3A_1171 : vector<256x1024xf32>
    %jit3A_1173 = arith.constant 256 : i32
    %broadcast_in_dim3A_1174 = vector.broadcast %jit3A_1173 : i32 to vector<256x1024xi32>
    %select_n3A_1175 = arith.select %ge3A_1172, %iota3A_1170, %broadcast_in_dim3A_1174 : vector<256x1024xi1>, vector<256x1024xi32>
    %reduce_min3A_1176 = arith.constant dense<2147483647> : vector<1024xi32>
    %reduce_min3A_1177 = vector.multi_reduction <minsi>, %select_n3A_1175, %reduce_min3A_1176 [0] : vector<256x1024xi32> to vector<1024xi32>
    %broadcast_in_dim3A_1178 = vector.shape_cast %reduce_min3A_1177 : vector<1024xi32> to vector<1x1024xi32>
    %get3A_1179 = arith.constant 992 : index
    %get3A_1180 = arith.constant 0 : index
    %get3A_1181 = vector.load %arg3[%get3A_1179, %get3A_1180] : memref<1536x256xbf16, #tpu.memory_space<vmem>>, vector<16x256xbf16>
    %slice3A_1182 = vector.extract_strided_slice %convert_element_type3A {offsets = [496, 0], sizes = [8, 1024], strides = [1, 1]} : vector<768x1024xbf16> to vector<8x1024xbf16>
    %concatenate3A_1183 = tpu.concatenate %slice3A_1182, %broadcast_in_dim3A_8 in 0 : vector<8x1024xbf16>, vector<8x1024xbf16> -> vector<16x1024xbf16>
    %dot_general3A_1184 = arith.constant dense<0.000000e+00> : vector<256x1024xf32>
    %dot_general3A_1185 = tpu.matmul %get3A_1181, %concatenate3A_1183, %dot_general3A_1184 {dimension_numbers = #tpu.dot_dimension_numbers<[0], [0], [1], [1], [0, 1, 1, 1], [], []>, transpose_lhs_hint = false} : vector<16x256xbf16>, vector<16x1024xbf16>, vector<256x1024xf32> -> vector<256x1024xf32>
    %reduce_max3A_1186 = arith.constant dense<0xFF800000> : vector<1024xf32>
    %reduce_max3A_1187 = vector.multi_reduction <maximumf>, %dot_general3A_1185, %reduce_max3A_1186 [0] : vector<256x1024xf32> to vector<1024xf32>
    %broadcast_in_dim3A_1188 = vector.shape_cast %reduce_max3A_1187 : vector<1024xf32> to vector<1x1024xf32>
    %iota3A_1189 = tpu.iota {dimensions = array<i32: 0>} : vector<256x1024xi32>
    %ge3A_1190 = vector.broadcast %broadcast_in_dim3A_1188 : vector<1x1024xf32> to vector<256x1024xf32>
    %ge3A_1191 = arith.cmpf oge, %dot_general3A_1185, %ge3A_1190 : vector<256x1024xf32>
    %jit3A_1192 = arith.constant 256 : i32
    %broadcast_in_dim3A_1193 = vector.broadcast %jit3A_1192 : i32 to vector<256x1024xi32>
    %select_n3A_1194 = arith.select %ge3A_1191, %iota3A_1189, %broadcast_in_dim3A_1193 : vector<256x1024xi1>, vector<256x1024xi32>
    %reduce_min3A_1195 = arith.constant dense<2147483647> : vector<1024xi32>
    %reduce_min3A_1196 = vector.multi_reduction <minsi>, %select_n3A_1194, %reduce_min3A_1195 [0] : vector<256x1024xi32> to vector<1024xi32>
    %broadcast_in_dim3A_1197 = vector.shape_cast %reduce_min3A_1196 : vector<1024xi32> to vector<1x1024xi32>
    %get3A_1198 = arith.constant 1008 : index
    %get3A_1199 = arith.constant 0 : index
    %get3A_1200 = vector.load %arg3[%get3A_1198, %get3A_1199] : memref<1536x256xbf16, #tpu.memory_space<vmem>>, vector<16x256xbf16>
    %slice3A_1201 = vector.extract_strided_slice %convert_element_type3A {offsets = [504, 0], sizes = [8, 1024], strides = [1, 1]} : vector<768x1024xbf16> to vector<8x1024xbf16>
    %concatenate3A_1202 = tpu.concatenate %slice3A_1201, %broadcast_in_dim3A_8 in 0 : vector<8x1024xbf16>, vector<8x1024xbf16> -> vector<16x1024xbf16>
    %dot_general3A_1203 = arith.constant dense<0.000000e+00> : vector<256x1024xf32>
    %dot_general3A_1204 = tpu.matmul %get3A_1200, %concatenate3A_1202, %dot_general3A_1203 {dimension_numbers = #tpu.dot_dimension_numbers<[0], [0], [1], [1], [0, 1, 1, 1], [], []>, transpose_lhs_hint = false} : vector<16x256xbf16>, vector<16x1024xbf16>, vector<256x1024xf32> -> vector<256x1024xf32>
    %reduce_max3A_1205 = arith.constant dense<0xFF800000> : vector<1024xf32>
    %reduce_max3A_1206 = vector.multi_reduction <maximumf>, %dot_general3A_1204, %reduce_max3A_1205 [0] : vector<256x1024xf32> to vector<1024xf32>
    %broadcast_in_dim3A_1207 = vector.shape_cast %reduce_max3A_1206 : vector<1024xf32> to vector<1x1024xf32>
    %iota3A_1208 = tpu.iota {dimensions = array<i32: 0>} : vector<256x1024xi32>
    %ge3A_1209 = vector.broadcast %broadcast_in_dim3A_1207 : vector<1x1024xf32> to vector<256x1024xf32>
    %ge3A_1210 = arith.cmpf oge, %dot_general3A_1204, %ge3A_1209 : vector<256x1024xf32>
    %jit3A_1211 = arith.constant 256 : i32
    %broadcast_in_dim3A_1212 = vector.broadcast %jit3A_1211 : i32 to vector<256x1024xi32>
    %select_n3A_1213 = arith.select %ge3A_1210, %iota3A_1208, %broadcast_in_dim3A_1212 : vector<256x1024xi1>, vector<256x1024xi32>
    %reduce_min3A_1214 = arith.constant dense<2147483647> : vector<1024xi32>
    %reduce_min3A_1215 = vector.multi_reduction <minsi>, %select_n3A_1213, %reduce_min3A_1214 [0] : vector<256x1024xi32> to vector<1024xi32>
    %broadcast_in_dim3A_1216 = vector.shape_cast %reduce_min3A_1215 : vector<1024xi32> to vector<1x1024xi32>
    %get3A_1217 = arith.constant 1024 : index
    %get3A_1218 = arith.constant 0 : index
    %get3A_1219 = vector.load %arg3[%get3A_1217, %get3A_1218] : memref<1536x256xbf16, #tpu.memory_space<vmem>>, vector<16x256xbf16>
    %slice3A_1220 = vector.extract_strided_slice %convert_element_type3A {offsets = [512, 0], sizes = [8, 1024], strides = [1, 1]} : vector<768x1024xbf16> to vector<8x1024xbf16>
    %concatenate3A_1221 = tpu.concatenate %slice3A_1220, %broadcast_in_dim3A_8 in 0 : vector<8x1024xbf16>, vector<8x1024xbf16> -> vector<16x1024xbf16>
    %dot_general3A_1222 = arith.constant dense<0.000000e+00> : vector<256x1024xf32>
    %dot_general3A_1223 = tpu.matmul %get3A_1219, %concatenate3A_1221, %dot_general3A_1222 {dimension_numbers = #tpu.dot_dimension_numbers<[0], [0], [1], [1], [0, 1, 1, 1], [], []>, transpose_lhs_hint = false} : vector<16x256xbf16>, vector<16x1024xbf16>, vector<256x1024xf32> -> vector<256x1024xf32>
    %reduce_max3A_1224 = arith.constant dense<0xFF800000> : vector<1024xf32>
    %reduce_max3A_1225 = vector.multi_reduction <maximumf>, %dot_general3A_1223, %reduce_max3A_1224 [0] : vector<256x1024xf32> to vector<1024xf32>
    %broadcast_in_dim3A_1226 = vector.shape_cast %reduce_max3A_1225 : vector<1024xf32> to vector<1x1024xf32>
    %iota3A_1227 = tpu.iota {dimensions = array<i32: 0>} : vector<256x1024xi32>
    %ge3A_1228 = vector.broadcast %broadcast_in_dim3A_1226 : vector<1x1024xf32> to vector<256x1024xf32>
    %ge3A_1229 = arith.cmpf oge, %dot_general3A_1223, %ge3A_1228 : vector<256x1024xf32>
    %jit3A_1230 = arith.constant 256 : i32
    %broadcast_in_dim3A_1231 = vector.broadcast %jit3A_1230 : i32 to vector<256x1024xi32>
    %select_n3A_1232 = arith.select %ge3A_1229, %iota3A_1227, %broadcast_in_dim3A_1231 : vector<256x1024xi1>, vector<256x1024xi32>
    %reduce_min3A_1233 = arith.constant dense<2147483647> : vector<1024xi32>
    %reduce_min3A_1234 = vector.multi_reduction <minsi>, %select_n3A_1232, %reduce_min3A_1233 [0] : vector<256x1024xi32> to vector<1024xi32>
    %broadcast_in_dim3A_1235 = vector.shape_cast %reduce_min3A_1234 : vector<1024xi32> to vector<1x1024xi32>
    %get3A_1236 = arith.constant 1040 : index
    %get3A_1237 = arith.constant 0 : index
    %get3A_1238 = vector.load %arg3[%get3A_1236, %get3A_1237] : memref<1536x256xbf16, #tpu.memory_space<vmem>>, vector<16x256xbf16>
    %slice3A_1239 = vector.extract_strided_slice %convert_element_type3A {offsets = [520, 0], sizes = [8, 1024], strides = [1, 1]} : vector<768x1024xbf16> to vector<8x1024xbf16>
    %concatenate3A_1240 = tpu.concatenate %slice3A_1239, %broadcast_in_dim3A_8 in 0 : vector<8x1024xbf16>, vector<8x1024xbf16> -> vector<16x1024xbf16>
    %dot_general3A_1241 = arith.constant dense<0.000000e+00> : vector<256x1024xf32>
    %dot_general3A_1242 = tpu.matmul %get3A_1238, %concatenate3A_1240, %dot_general3A_1241 {dimension_numbers = #tpu.dot_dimension_numbers<[0], [0], [1], [1], [0, 1, 1, 1], [], []>, transpose_lhs_hint = false} : vector<16x256xbf16>, vector<16x1024xbf16>, vector<256x1024xf32> -> vector<256x1024xf32>
    %reduce_max3A_1243 = arith.constant dense<0xFF800000> : vector<1024xf32>
    %reduce_max3A_1244 = vector.multi_reduction <maximumf>, %dot_general3A_1242, %reduce_max3A_1243 [0] : vector<256x1024xf32> to vector<1024xf32>
    %broadcast_in_dim3A_1245 = vector.shape_cast %reduce_max3A_1244 : vector<1024xf32> to vector<1x1024xf32>
    %iota3A_1246 = tpu.iota {dimensions = array<i32: 0>} : vector<256x1024xi32>
    %ge3A_1247 = vector.broadcast %broadcast_in_dim3A_1245 : vector<1x1024xf32> to vector<256x1024xf32>
    %ge3A_1248 = arith.cmpf oge, %dot_general3A_1242, %ge3A_1247 : vector<256x1024xf32>
    %jit3A_1249 = arith.constant 256 : i32
    %broadcast_in_dim3A_1250 = vector.broadcast %jit3A_1249 : i32 to vector<256x1024xi32>
    %select_n3A_1251 = arith.select %ge3A_1248, %iota3A_1246, %broadcast_in_dim3A_1250 : vector<256x1024xi1>, vector<256x1024xi32>
    %reduce_min3A_1252 = arith.constant dense<2147483647> : vector<1024xi32>
    %reduce_min3A_1253 = vector.multi_reduction <minsi>, %select_n3A_1251, %reduce_min3A_1252 [0] : vector<256x1024xi32> to vector<1024xi32>
    %broadcast_in_dim3A_1254 = vector.shape_cast %reduce_min3A_1253 : vector<1024xi32> to vector<1x1024xi32>
    %get3A_1255 = arith.constant 1056 : index
    %get3A_1256 = arith.constant 0 : index
    %get3A_1257 = vector.load %arg3[%get3A_1255, %get3A_1256] : memref<1536x256xbf16, #tpu.memory_space<vmem>>, vector<16x256xbf16>
    %slice3A_1258 = vector.extract_strided_slice %convert_element_type3A {offsets = [528, 0], sizes = [8, 1024], strides = [1, 1]} : vector<768x1024xbf16> to vector<8x1024xbf16>
    %concatenate3A_1259 = tpu.concatenate %slice3A_1258, %broadcast_in_dim3A_8 in 0 : vector<8x1024xbf16>, vector<8x1024xbf16> -> vector<16x1024xbf16>
    %dot_general3A_1260 = arith.constant dense<0.000000e+00> : vector<256x1024xf32>
    %dot_general3A_1261 = tpu.matmul %get3A_1257, %concatenate3A_1259, %dot_general3A_1260 {dimension_numbers = #tpu.dot_dimension_numbers<[0], [0], [1], [1], [0, 1, 1, 1], [], []>, transpose_lhs_hint = false} : vector<16x256xbf16>, vector<16x1024xbf16>, vector<256x1024xf32> -> vector<256x1024xf32>
    %reduce_max3A_1262 = arith.constant dense<0xFF800000> : vector<1024xf32>
    %reduce_max3A_1263 = vector.multi_reduction <maximumf>, %dot_general3A_1261, %reduce_max3A_1262 [0] : vector<256x1024xf32> to vector<1024xf32>
    %broadcast_in_dim3A_1264 = vector.shape_cast %reduce_max3A_1263 : vector<1024xf32> to vector<1x1024xf32>
    %iota3A_1265 = tpu.iota {dimensions = array<i32: 0>} : vector<256x1024xi32>
    %ge3A_1266 = vector.broadcast %broadcast_in_dim3A_1264 : vector<1x1024xf32> to vector<256x1024xf32>
    %ge3A_1267 = arith.cmpf oge, %dot_general3A_1261, %ge3A_1266 : vector<256x1024xf32>
    %jit3A_1268 = arith.constant 256 : i32
    %broadcast_in_dim3A_1269 = vector.broadcast %jit3A_1268 : i32 to vector<256x1024xi32>
    %select_n3A_1270 = arith.select %ge3A_1267, %iota3A_1265, %broadcast_in_dim3A_1269 : vector<256x1024xi1>, vector<256x1024xi32>
    %reduce_min3A_1271 = arith.constant dense<2147483647> : vector<1024xi32>
    %reduce_min3A_1272 = vector.multi_reduction <minsi>, %select_n3A_1270, %reduce_min3A_1271 [0] : vector<256x1024xi32> to vector<1024xi32>
    %broadcast_in_dim3A_1273 = vector.shape_cast %reduce_min3A_1272 : vector<1024xi32> to vector<1x1024xi32>
    %get3A_1274 = arith.constant 1072 : index
    %get3A_1275 = arith.constant 0 : index
    %get3A_1276 = vector.load %arg3[%get3A_1274, %get3A_1275] : memref<1536x256xbf16, #tpu.memory_space<vmem>>, vector<16x256xbf16>
    %slice3A_1277 = vector.extract_strided_slice %convert_element_type3A {offsets = [536, 0], sizes = [8, 1024], strides = [1, 1]} : vector<768x1024xbf16> to vector<8x1024xbf16>
    %concatenate3A_1278 = tpu.concatenate %slice3A_1277, %broadcast_in_dim3A_8 in 0 : vector<8x1024xbf16>, vector<8x1024xbf16> -> vector<16x1024xbf16>
    %dot_general3A_1279 = arith.constant dense<0.000000e+00> : vector<256x1024xf32>
    %dot_general3A_1280 = tpu.matmul %get3A_1276, %concatenate3A_1278, %dot_general3A_1279 {dimension_numbers = #tpu.dot_dimension_numbers<[0], [0], [1], [1], [0, 1, 1, 1], [], []>, transpose_lhs_hint = false} : vector<16x256xbf16>, vector<16x1024xbf16>, vector<256x1024xf32> -> vector<256x1024xf32>
    %reduce_max3A_1281 = arith.constant dense<0xFF800000> : vector<1024xf32>
    %reduce_max3A_1282 = vector.multi_reduction <maximumf>, %dot_general3A_1280, %reduce_max3A_1281 [0] : vector<256x1024xf32> to vector<1024xf32>
    %broadcast_in_dim3A_1283 = vector.shape_cast %reduce_max3A_1282 : vector<1024xf32> to vector<1x1024xf32>
    %iota3A_1284 = tpu.iota {dimensions = array<i32: 0>} : vector<256x1024xi32>
    %ge3A_1285 = vector.broadcast %broadcast_in_dim3A_1283 : vector<1x1024xf32> to vector<256x1024xf32>
    %ge3A_1286 = arith.cmpf oge, %dot_general3A_1280, %ge3A_1285 : vector<256x1024xf32>
    %jit3A_1287 = arith.constant 256 : i32
    %broadcast_in_dim3A_1288 = vector.broadcast %jit3A_1287 : i32 to vector<256x1024xi32>
    %select_n3A_1289 = arith.select %ge3A_1286, %iota3A_1284, %broadcast_in_dim3A_1288 : vector<256x1024xi1>, vector<256x1024xi32>
    %reduce_min3A_1290 = arith.constant dense<2147483647> : vector<1024xi32>
    %reduce_min3A_1291 = vector.multi_reduction <minsi>, %select_n3A_1289, %reduce_min3A_1290 [0] : vector<256x1024xi32> to vector<1024xi32>
    %broadcast_in_dim3A_1292 = vector.shape_cast %reduce_min3A_1291 : vector<1024xi32> to vector<1x1024xi32>
    %get3A_1293 = arith.constant 1088 : index
    %get3A_1294 = arith.constant 0 : index
    %get3A_1295 = vector.load %arg3[%get3A_1293, %get3A_1294] : memref<1536x256xbf16, #tpu.memory_space<vmem>>, vector<16x256xbf16>
    %slice3A_1296 = vector.extract_strided_slice %convert_element_type3A {offsets = [544, 0], sizes = [8, 1024], strides = [1, 1]} : vector<768x1024xbf16> to vector<8x1024xbf16>
    %concatenate3A_1297 = tpu.concatenate %slice3A_1296, %broadcast_in_dim3A_8 in 0 : vector<8x1024xbf16>, vector<8x1024xbf16> -> vector<16x1024xbf16>
    %dot_general3A_1298 = arith.constant dense<0.000000e+00> : vector<256x1024xf32>
    %dot_general3A_1299 = tpu.matmul %get3A_1295, %concatenate3A_1297, %dot_general3A_1298 {dimension_numbers = #tpu.dot_dimension_numbers<[0], [0], [1], [1], [0, 1, 1, 1], [], []>, transpose_lhs_hint = false} : vector<16x256xbf16>, vector<16x1024xbf16>, vector<256x1024xf32> -> vector<256x1024xf32>
    %reduce_max3A_1300 = arith.constant dense<0xFF800000> : vector<1024xf32>
    %reduce_max3A_1301 = vector.multi_reduction <maximumf>, %dot_general3A_1299, %reduce_max3A_1300 [0] : vector<256x1024xf32> to vector<1024xf32>
    %broadcast_in_dim3A_1302 = vector.shape_cast %reduce_max3A_1301 : vector<1024xf32> to vector<1x1024xf32>
    %iota3A_1303 = tpu.iota {dimensions = array<i32: 0>} : vector<256x1024xi32>
    %ge3A_1304 = vector.broadcast %broadcast_in_dim3A_1302 : vector<1x1024xf32> to vector<256x1024xf32>
    %ge3A_1305 = arith.cmpf oge, %dot_general3A_1299, %ge3A_1304 : vector<256x1024xf32>
    %jit3A_1306 = arith.constant 256 : i32
    %broadcast_in_dim3A_1307 = vector.broadcast %jit3A_1306 : i32 to vector<256x1024xi32>
    %select_n3A_1308 = arith.select %ge3A_1305, %iota3A_1303, %broadcast_in_dim3A_1307 : vector<256x1024xi1>, vector<256x1024xi32>
    %reduce_min3A_1309 = arith.constant dense<2147483647> : vector<1024xi32>
    %reduce_min3A_1310 = vector.multi_reduction <minsi>, %select_n3A_1308, %reduce_min3A_1309 [0] : vector<256x1024xi32> to vector<1024xi32>
    %broadcast_in_dim3A_1311 = vector.shape_cast %reduce_min3A_1310 : vector<1024xi32> to vector<1x1024xi32>
    %get3A_1312 = arith.constant 1104 : index
    %get3A_1313 = arith.constant 0 : index
    %get3A_1314 = vector.load %arg3[%get3A_1312, %get3A_1313] : memref<1536x256xbf16, #tpu.memory_space<vmem>>, vector<16x256xbf16>
    %slice3A_1315 = vector.extract_strided_slice %convert_element_type3A {offsets = [552, 0], sizes = [8, 1024], strides = [1, 1]} : vector<768x1024xbf16> to vector<8x1024xbf16>
    %concatenate3A_1316 = tpu.concatenate %slice3A_1315, %broadcast_in_dim3A_8 in 0 : vector<8x1024xbf16>, vector<8x1024xbf16> -> vector<16x1024xbf16>
    %dot_general3A_1317 = arith.constant dense<0.000000e+00> : vector<256x1024xf32>
    %dot_general3A_1318 = tpu.matmul %get3A_1314, %concatenate3A_1316, %dot_general3A_1317 {dimension_numbers = #tpu.dot_dimension_numbers<[0], [0], [1], [1], [0, 1, 1, 1], [], []>, transpose_lhs_hint = false} : vector<16x256xbf16>, vector<16x1024xbf16>, vector<256x1024xf32> -> vector<256x1024xf32>
    %reduce_max3A_1319 = arith.constant dense<0xFF800000> : vector<1024xf32>
    %reduce_max3A_1320 = vector.multi_reduction <maximumf>, %dot_general3A_1318, %reduce_max3A_1319 [0] : vector<256x1024xf32> to vector<1024xf32>
    %broadcast_in_dim3A_1321 = vector.shape_cast %reduce_max3A_1320 : vector<1024xf32> to vector<1x1024xf32>
    %iota3A_1322 = tpu.iota {dimensions = array<i32: 0>} : vector<256x1024xi32>
    %ge3A_1323 = vector.broadcast %broadcast_in_dim3A_1321 : vector<1x1024xf32> to vector<256x1024xf32>
    %ge3A_1324 = arith.cmpf oge, %dot_general3A_1318, %ge3A_1323 : vector<256x1024xf32>
    %jit3A_1325 = arith.constant 256 : i32
    %broadcast_in_dim3A_1326 = vector.broadcast %jit3A_1325 : i32 to vector<256x1024xi32>
    %select_n3A_1327 = arith.select %ge3A_1324, %iota3A_1322, %broadcast_in_dim3A_1326 : vector<256x1024xi1>, vector<256x1024xi32>
    %reduce_min3A_1328 = arith.constant dense<2147483647> : vector<1024xi32>
    %reduce_min3A_1329 = vector.multi_reduction <minsi>, %select_n3A_1327, %reduce_min3A_1328 [0] : vector<256x1024xi32> to vector<1024xi32>
    %broadcast_in_dim3A_1330 = vector.shape_cast %reduce_min3A_1329 : vector<1024xi32> to vector<1x1024xi32>
    %get3A_1331 = arith.constant 1120 : index
    %get3A_1332 = arith.constant 0 : index
    %get3A_1333 = vector.load %arg3[%get3A_1331, %get3A_1332] : memref<1536x256xbf16, #tpu.memory_space<vmem>>, vector<16x256xbf16>
    %slice3A_1334 = vector.extract_strided_slice %convert_element_type3A {offsets = [560, 0], sizes = [8, 1024], strides = [1, 1]} : vector<768x1024xbf16> to vector<8x1024xbf16>
    %concatenate3A_1335 = tpu.concatenate %slice3A_1334, %broadcast_in_dim3A_8 in 0 : vector<8x1024xbf16>, vector<8x1024xbf16> -> vector<16x1024xbf16>
    %dot_general3A_1336 = arith.constant dense<0.000000e+00> : vector<256x1024xf32>
    %dot_general3A_1337 = tpu.matmul %get3A_1333, %concatenate3A_1335, %dot_general3A_1336 {dimension_numbers = #tpu.dot_dimension_numbers<[0], [0], [1], [1], [0, 1, 1, 1], [], []>, transpose_lhs_hint = false} : vector<16x256xbf16>, vector<16x1024xbf16>, vector<256x1024xf32> -> vector<256x1024xf32>
    %reduce_max3A_1338 = arith.constant dense<0xFF800000> : vector<1024xf32>
    %reduce_max3A_1339 = vector.multi_reduction <maximumf>, %dot_general3A_1337, %reduce_max3A_1338 [0] : vector<256x1024xf32> to vector<1024xf32>
    %broadcast_in_dim3A_1340 = vector.shape_cast %reduce_max3A_1339 : vector<1024xf32> to vector<1x1024xf32>
    %iota3A_1341 = tpu.iota {dimensions = array<i32: 0>} : vector<256x1024xi32>
    %ge3A_1342 = vector.broadcast %broadcast_in_dim3A_1340 : vector<1x1024xf32> to vector<256x1024xf32>
    %ge3A_1343 = arith.cmpf oge, %dot_general3A_1337, %ge3A_1342 : vector<256x1024xf32>
    %jit3A_1344 = arith.constant 256 : i32
    %broadcast_in_dim3A_1345 = vector.broadcast %jit3A_1344 : i32 to vector<256x1024xi32>
    %select_n3A_1346 = arith.select %ge3A_1343, %iota3A_1341, %broadcast_in_dim3A_1345 : vector<256x1024xi1>, vector<256x1024xi32>
    %reduce_min3A_1347 = arith.constant dense<2147483647> : vector<1024xi32>
    %reduce_min3A_1348 = vector.multi_reduction <minsi>, %select_n3A_1346, %reduce_min3A_1347 [0] : vector<256x1024xi32> to vector<1024xi32>
    %broadcast_in_dim3A_1349 = vector.shape_cast %reduce_min3A_1348 : vector<1024xi32> to vector<1x1024xi32>
    %get3A_1350 = arith.constant 1136 : index
    %get3A_1351 = arith.constant 0 : index
    %get3A_1352 = vector.load %arg3[%get3A_1350, %get3A_1351] : memref<1536x256xbf16, #tpu.memory_space<vmem>>, vector<16x256xbf16>
    %slice3A_1353 = vector.extract_strided_slice %convert_element_type3A {offsets = [568, 0], sizes = [8, 1024], strides = [1, 1]} : vector<768x1024xbf16> to vector<8x1024xbf16>
    %concatenate3A_1354 = tpu.concatenate %slice3A_1353, %broadcast_in_dim3A_8 in 0 : vector<8x1024xbf16>, vector<8x1024xbf16> -> vector<16x1024xbf16>
    %dot_general3A_1355 = arith.constant dense<0.000000e+00> : vector<256x1024xf32>
    %dot_general3A_1356 = tpu.matmul %get3A_1352, %concatenate3A_1354, %dot_general3A_1355 {dimension_numbers = #tpu.dot_dimension_numbers<[0], [0], [1], [1], [0, 1, 1, 1], [], []>, transpose_lhs_hint = false} : vector<16x256xbf16>, vector<16x1024xbf16>, vector<256x1024xf32> -> vector<256x1024xf32>
    %reduce_max3A_1357 = arith.constant dense<0xFF800000> : vector<1024xf32>
    %reduce_max3A_1358 = vector.multi_reduction <maximumf>, %dot_general3A_1356, %reduce_max3A_1357 [0] : vector<256x1024xf32> to vector<1024xf32>
    %broadcast_in_dim3A_1359 = vector.shape_cast %reduce_max3A_1358 : vector<1024xf32> to vector<1x1024xf32>
    %iota3A_1360 = tpu.iota {dimensions = array<i32: 0>} : vector<256x1024xi32>
    %ge3A_1361 = vector.broadcast %broadcast_in_dim3A_1359 : vector<1x1024xf32> to vector<256x1024xf32>
    %ge3A_1362 = arith.cmpf oge, %dot_general3A_1356, %ge3A_1361 : vector<256x1024xf32>
    %jit3A_1363 = arith.constant 256 : i32
    %broadcast_in_dim3A_1364 = vector.broadcast %jit3A_1363 : i32 to vector<256x1024xi32>
    %select_n3A_1365 = arith.select %ge3A_1362, %iota3A_1360, %broadcast_in_dim3A_1364 : vector<256x1024xi1>, vector<256x1024xi32>
    %reduce_min3A_1366 = arith.constant dense<2147483647> : vector<1024xi32>
    %reduce_min3A_1367 = vector.multi_reduction <minsi>, %select_n3A_1365, %reduce_min3A_1366 [0] : vector<256x1024xi32> to vector<1024xi32>
    %broadcast_in_dim3A_1368 = vector.shape_cast %reduce_min3A_1367 : vector<1024xi32> to vector<1x1024xi32>
    %get3A_1369 = arith.constant 1152 : index
    %get3A_1370 = arith.constant 0 : index
    %get3A_1371 = vector.load %arg3[%get3A_1369, %get3A_1370] : memref<1536x256xbf16, #tpu.memory_space<vmem>>, vector<16x256xbf16>
    %slice3A_1372 = vector.extract_strided_slice %convert_element_type3A {offsets = [576, 0], sizes = [8, 1024], strides = [1, 1]} : vector<768x1024xbf16> to vector<8x1024xbf16>
    %concatenate3A_1373 = tpu.concatenate %slice3A_1372, %broadcast_in_dim3A_8 in 0 : vector<8x1024xbf16>, vector<8x1024xbf16> -> vector<16x1024xbf16>
    %dot_general3A_1374 = arith.constant dense<0.000000e+00> : vector<256x1024xf32>
    %dot_general3A_1375 = tpu.matmul %get3A_1371, %concatenate3A_1373, %dot_general3A_1374 {dimension_numbers = #tpu.dot_dimension_numbers<[0], [0], [1], [1], [0, 1, 1, 1], [], []>, transpose_lhs_hint = false} : vector<16x256xbf16>, vector<16x1024xbf16>, vector<256x1024xf32> -> vector<256x1024xf32>
    %reduce_max3A_1376 = arith.constant dense<0xFF800000> : vector<1024xf32>
    %reduce_max3A_1377 = vector.multi_reduction <maximumf>, %dot_general3A_1375, %reduce_max3A_1376 [0] : vector<256x1024xf32> to vector<1024xf32>
    %broadcast_in_dim3A_1378 = vector.shape_cast %reduce_max3A_1377 : vector<1024xf32> to vector<1x1024xf32>
    %iota3A_1379 = tpu.iota {dimensions = array<i32: 0>} : vector<256x1024xi32>
    %ge3A_1380 = vector.broadcast %broadcast_in_dim3A_1378 : vector<1x1024xf32> to vector<256x1024xf32>
    %ge3A_1381 = arith.cmpf oge, %dot_general3A_1375, %ge3A_1380 : vector<256x1024xf32>
    %jit3A_1382 = arith.constant 256 : i32
    %broadcast_in_dim3A_1383 = vector.broadcast %jit3A_1382 : i32 to vector<256x1024xi32>
    %select_n3A_1384 = arith.select %ge3A_1381, %iota3A_1379, %broadcast_in_dim3A_1383 : vector<256x1024xi1>, vector<256x1024xi32>
    %reduce_min3A_1385 = arith.constant dense<2147483647> : vector<1024xi32>
    %reduce_min3A_1386 = vector.multi_reduction <minsi>, %select_n3A_1384, %reduce_min3A_1385 [0] : vector<256x1024xi32> to vector<1024xi32>
    %broadcast_in_dim3A_1387 = vector.shape_cast %reduce_min3A_1386 : vector<1024xi32> to vector<1x1024xi32>
    %get3A_1388 = arith.constant 1168 : index
    %get3A_1389 = arith.constant 0 : index
    %get3A_1390 = vector.load %arg3[%get3A_1388, %get3A_1389] : memref<1536x256xbf16, #tpu.memory_space<vmem>>, vector<16x256xbf16>
    %slice3A_1391 = vector.extract_strided_slice %convert_element_type3A {offsets = [584, 0], sizes = [8, 1024], strides = [1, 1]} : vector<768x1024xbf16> to vector<8x1024xbf16>
    %concatenate3A_1392 = tpu.concatenate %slice3A_1391, %broadcast_in_dim3A_8 in 0 : vector<8x1024xbf16>, vector<8x1024xbf16> -> vector<16x1024xbf16>
    %dot_general3A_1393 = arith.constant dense<0.000000e+00> : vector<256x1024xf32>
    %dot_general3A_1394 = tpu.matmul %get3A_1390, %concatenate3A_1392, %dot_general3A_1393 {dimension_numbers = #tpu.dot_dimension_numbers<[0], [0], [1], [1], [0, 1, 1, 1], [], []>, transpose_lhs_hint = false} : vector<16x256xbf16>, vector<16x1024xbf16>, vector<256x1024xf32> -> vector<256x1024xf32>
    %reduce_max3A_1395 = arith.constant dense<0xFF800000> : vector<1024xf32>
    %reduce_max3A_1396 = vector.multi_reduction <maximumf>, %dot_general3A_1394, %reduce_max3A_1395 [0] : vector<256x1024xf32> to vector<1024xf32>
    %broadcast_in_dim3A_1397 = vector.shape_cast %reduce_max3A_1396 : vector<1024xf32> to vector<1x1024xf32>
    %iota3A_1398 = tpu.iota {dimensions = array<i32: 0>} : vector<256x1024xi32>
    %ge3A_1399 = vector.broadcast %broadcast_in_dim3A_1397 : vector<1x1024xf32> to vector<256x1024xf32>
    %ge3A_1400 = arith.cmpf oge, %dot_general3A_1394, %ge3A_1399 : vector<256x1024xf32>
    %jit3A_1401 = arith.constant 256 : i32
    %broadcast_in_dim3A_1402 = vector.broadcast %jit3A_1401 : i32 to vector<256x1024xi32>
    %select_n3A_1403 = arith.select %ge3A_1400, %iota3A_1398, %broadcast_in_dim3A_1402 : vector<256x1024xi1>, vector<256x1024xi32>
    %reduce_min3A_1404 = arith.constant dense<2147483647> : vector<1024xi32>
    %reduce_min3A_1405 = vector.multi_reduction <minsi>, %select_n3A_1403, %reduce_min3A_1404 [0] : vector<256x1024xi32> to vector<1024xi32>
    %broadcast_in_dim3A_1406 = vector.shape_cast %reduce_min3A_1405 : vector<1024xi32> to vector<1x1024xi32>
    %get3A_1407 = arith.constant 1184 : index
    %get3A_1408 = arith.constant 0 : index
    %get3A_1409 = vector.load %arg3[%get3A_1407, %get3A_1408] : memref<1536x256xbf16, #tpu.memory_space<vmem>>, vector<16x256xbf16>
    %slice3A_1410 = vector.extract_strided_slice %convert_element_type3A {offsets = [592, 0], sizes = [8, 1024], strides = [1, 1]} : vector<768x1024xbf16> to vector<8x1024xbf16>
    %concatenate3A_1411 = tpu.concatenate %slice3A_1410, %broadcast_in_dim3A_8 in 0 : vector<8x1024xbf16>, vector<8x1024xbf16> -> vector<16x1024xbf16>
    %dot_general3A_1412 = arith.constant dense<0.000000e+00> : vector<256x1024xf32>
    %dot_general3A_1413 = tpu.matmul %get3A_1409, %concatenate3A_1411, %dot_general3A_1412 {dimension_numbers = #tpu.dot_dimension_numbers<[0], [0], [1], [1], [0, 1, 1, 1], [], []>, transpose_lhs_hint = false} : vector<16x256xbf16>, vector<16x1024xbf16>, vector<256x1024xf32> -> vector<256x1024xf32>
    %reduce_max3A_1414 = arith.constant dense<0xFF800000> : vector<1024xf32>
    %reduce_max3A_1415 = vector.multi_reduction <maximumf>, %dot_general3A_1413, %reduce_max3A_1414 [0] : vector<256x1024xf32> to vector<1024xf32>
    %broadcast_in_dim3A_1416 = vector.shape_cast %reduce_max3A_1415 : vector<1024xf32> to vector<1x1024xf32>
    %iota3A_1417 = tpu.iota {dimensions = array<i32: 0>} : vector<256x1024xi32>
    %ge3A_1418 = vector.broadcast %broadcast_in_dim3A_1416 : vector<1x1024xf32> to vector<256x1024xf32>
    %ge3A_1419 = arith.cmpf oge, %dot_general3A_1413, %ge3A_1418 : vector<256x1024xf32>
    %jit3A_1420 = arith.constant 256 : i32
    %broadcast_in_dim3A_1421 = vector.broadcast %jit3A_1420 : i32 to vector<256x1024xi32>
    %select_n3A_1422 = arith.select %ge3A_1419, %iota3A_1417, %broadcast_in_dim3A_1421 : vector<256x1024xi1>, vector<256x1024xi32>
    %reduce_min3A_1423 = arith.constant dense<2147483647> : vector<1024xi32>
    %reduce_min3A_1424 = vector.multi_reduction <minsi>, %select_n3A_1422, %reduce_min3A_1423 [0] : vector<256x1024xi32> to vector<1024xi32>
    %broadcast_in_dim3A_1425 = vector.shape_cast %reduce_min3A_1424 : vector<1024xi32> to vector<1x1024xi32>
    %get3A_1426 = arith.constant 1200 : index
    %get3A_1427 = arith.constant 0 : index
    %get3A_1428 = vector.load %arg3[%get3A_1426, %get3A_1427] : memref<1536x256xbf16, #tpu.memory_space<vmem>>, vector<16x256xbf16>
    %slice3A_1429 = vector.extract_strided_slice %convert_element_type3A {offsets = [600, 0], sizes = [8, 1024], strides = [1, 1]} : vector<768x1024xbf16> to vector<8x1024xbf16>
    %concatenate3A_1430 = tpu.concatenate %slice3A_1429, %broadcast_in_dim3A_8 in 0 : vector<8x1024xbf16>, vector<8x1024xbf16> -> vector<16x1024xbf16>
    %dot_general3A_1431 = arith.constant dense<0.000000e+00> : vector<256x1024xf32>
    %dot_general3A_1432 = tpu.matmul %get3A_1428, %concatenate3A_1430, %dot_general3A_1431 {dimension_numbers = #tpu.dot_dimension_numbers<[0], [0], [1], [1], [0, 1, 1, 1], [], []>, transpose_lhs_hint = false} : vector<16x256xbf16>, vector<16x1024xbf16>, vector<256x1024xf32> -> vector<256x1024xf32>
    %reduce_max3A_1433 = arith.constant dense<0xFF800000> : vector<1024xf32>
    %reduce_max3A_1434 = vector.multi_reduction <maximumf>, %dot_general3A_1432, %reduce_max3A_1433 [0] : vector<256x1024xf32> to vector<1024xf32>
    %broadcast_in_dim3A_1435 = vector.shape_cast %reduce_max3A_1434 : vector<1024xf32> to vector<1x1024xf32>
    %iota3A_1436 = tpu.iota {dimensions = array<i32: 0>} : vector<256x1024xi32>
    %ge3A_1437 = vector.broadcast %broadcast_in_dim3A_1435 : vector<1x1024xf32> to vector<256x1024xf32>
    %ge3A_1438 = arith.cmpf oge, %dot_general3A_1432, %ge3A_1437 : vector<256x1024xf32>
    %jit3A_1439 = arith.constant 256 : i32
    %broadcast_in_dim3A_1440 = vector.broadcast %jit3A_1439 : i32 to vector<256x1024xi32>
    %select_n3A_1441 = arith.select %ge3A_1438, %iota3A_1436, %broadcast_in_dim3A_1440 : vector<256x1024xi1>, vector<256x1024xi32>
    %reduce_min3A_1442 = arith.constant dense<2147483647> : vector<1024xi32>
    %reduce_min3A_1443 = vector.multi_reduction <minsi>, %select_n3A_1441, %reduce_min3A_1442 [0] : vector<256x1024xi32> to vector<1024xi32>
    %broadcast_in_dim3A_1444 = vector.shape_cast %reduce_min3A_1443 : vector<1024xi32> to vector<1x1024xi32>
    %get3A_1445 = arith.constant 1216 : index
    %get3A_1446 = arith.constant 0 : index
    %get3A_1447 = vector.load %arg3[%get3A_1445, %get3A_1446] : memref<1536x256xbf16, #tpu.memory_space<vmem>>, vector<16x256xbf16>
    %slice3A_1448 = vector.extract_strided_slice %convert_element_type3A {offsets = [608, 0], sizes = [8, 1024], strides = [1, 1]} : vector<768x1024xbf16> to vector<8x1024xbf16>
    %concatenate3A_1449 = tpu.concatenate %slice3A_1448, %broadcast_in_dim3A_8 in 0 : vector<8x1024xbf16>, vector<8x1024xbf16> -> vector<16x1024xbf16>
    %dot_general3A_1450 = arith.constant dense<0.000000e+00> : vector<256x1024xf32>
    %dot_general3A_1451 = tpu.matmul %get3A_1447, %concatenate3A_1449, %dot_general3A_1450 {dimension_numbers = #tpu.dot_dimension_numbers<[0], [0], [1], [1], [0, 1, 1, 1], [], []>, transpose_lhs_hint = false} : vector<16x256xbf16>, vector<16x1024xbf16>, vector<256x1024xf32> -> vector<256x1024xf32>
    %reduce_max3A_1452 = arith.constant dense<0xFF800000> : vector<1024xf32>
    %reduce_max3A_1453 = vector.multi_reduction <maximumf>, %dot_general3A_1451, %reduce_max3A_1452 [0] : vector<256x1024xf32> to vector<1024xf32>
    %broadcast_in_dim3A_1454 = vector.shape_cast %reduce_max3A_1453 : vector<1024xf32> to vector<1x1024xf32>
    %iota3A_1455 = tpu.iota {dimensions = array<i32: 0>} : vector<256x1024xi32>
    %ge3A_1456 = vector.broadcast %broadcast_in_dim3A_1454 : vector<1x1024xf32> to vector<256x1024xf32>
    %ge3A_1457 = arith.cmpf oge, %dot_general3A_1451, %ge3A_1456 : vector<256x1024xf32>
    %jit3A_1458 = arith.constant 256 : i32
    %broadcast_in_dim3A_1459 = vector.broadcast %jit3A_1458 : i32 to vector<256x1024xi32>
    %select_n3A_1460 = arith.select %ge3A_1457, %iota3A_1455, %broadcast_in_dim3A_1459 : vector<256x1024xi1>, vector<256x1024xi32>
    %reduce_min3A_1461 = arith.constant dense<2147483647> : vector<1024xi32>
    %reduce_min3A_1462 = vector.multi_reduction <minsi>, %select_n3A_1460, %reduce_min3A_1461 [0] : vector<256x1024xi32> to vector<1024xi32>
    %broadcast_in_dim3A_1463 = vector.shape_cast %reduce_min3A_1462 : vector<1024xi32> to vector<1x1024xi32>
    %get3A_1464 = arith.constant 1232 : index
    %get3A_1465 = arith.constant 0 : index
    %get3A_1466 = vector.load %arg3[%get3A_1464, %get3A_1465] : memref<1536x256xbf16, #tpu.memory_space<vmem>>, vector<16x256xbf16>
    %slice3A_1467 = vector.extract_strided_slice %convert_element_type3A {offsets = [616, 0], sizes = [8, 1024], strides = [1, 1]} : vector<768x1024xbf16> to vector<8x1024xbf16>
    %concatenate3A_1468 = tpu.concatenate %slice3A_1467, %broadcast_in_dim3A_8 in 0 : vector<8x1024xbf16>, vector<8x1024xbf16> -> vector<16x1024xbf16>
    %dot_general3A_1469 = arith.constant dense<0.000000e+00> : vector<256x1024xf32>
    %dot_general3A_1470 = tpu.matmul %get3A_1466, %concatenate3A_1468, %dot_general3A_1469 {dimension_numbers = #tpu.dot_dimension_numbers<[0], [0], [1], [1], [0, 1, 1, 1], [], []>, transpose_lhs_hint = false} : vector<16x256xbf16>, vector<16x1024xbf16>, vector<256x1024xf32> -> vector<256x1024xf32>
    %reduce_max3A_1471 = arith.constant dense<0xFF800000> : vector<1024xf32>
    %reduce_max3A_1472 = vector.multi_reduction <maximumf>, %dot_general3A_1470, %reduce_max3A_1471 [0] : vector<256x1024xf32> to vector<1024xf32>
    %broadcast_in_dim3A_1473 = vector.shape_cast %reduce_max3A_1472 : vector<1024xf32> to vector<1x1024xf32>
    %iota3A_1474 = tpu.iota {dimensions = array<i32: 0>} : vector<256x1024xi32>
    %ge3A_1475 = vector.broadcast %broadcast_in_dim3A_1473 : vector<1x1024xf32> to vector<256x1024xf32>
    %ge3A_1476 = arith.cmpf oge, %dot_general3A_1470, %ge3A_1475 : vector<256x1024xf32>
    %jit3A_1477 = arith.constant 256 : i32
    %broadcast_in_dim3A_1478 = vector.broadcast %jit3A_1477 : i32 to vector<256x1024xi32>
    %select_n3A_1479 = arith.select %ge3A_1476, %iota3A_1474, %broadcast_in_dim3A_1478 : vector<256x1024xi1>, vector<256x1024xi32>
    %reduce_min3A_1480 = arith.constant dense<2147483647> : vector<1024xi32>
    %reduce_min3A_1481 = vector.multi_reduction <minsi>, %select_n3A_1479, %reduce_min3A_1480 [0] : vector<256x1024xi32> to vector<1024xi32>
    %broadcast_in_dim3A_1482 = vector.shape_cast %reduce_min3A_1481 : vector<1024xi32> to vector<1x1024xi32>
    %get3A_1483 = arith.constant 1248 : index
    %get3A_1484 = arith.constant 0 : index
    %get3A_1485 = vector.load %arg3[%get3A_1483, %get3A_1484] : memref<1536x256xbf16, #tpu.memory_space<vmem>>, vector<16x256xbf16>
    %slice3A_1486 = vector.extract_strided_slice %convert_element_type3A {offsets = [624, 0], sizes = [8, 1024], strides = [1, 1]} : vector<768x1024xbf16> to vector<8x1024xbf16>
    %concatenate3A_1487 = tpu.concatenate %slice3A_1486, %broadcast_in_dim3A_8 in 0 : vector<8x1024xbf16>, vector<8x1024xbf16> -> vector<16x1024xbf16>
    %dot_general3A_1488 = arith.constant dense<0.000000e+00> : vector<256x1024xf32>
    %dot_general3A_1489 = tpu.matmul %get3A_1485, %concatenate3A_1487, %dot_general3A_1488 {dimension_numbers = #tpu.dot_dimension_numbers<[0], [0], [1], [1], [0, 1, 1, 1], [], []>, transpose_lhs_hint = false} : vector<16x256xbf16>, vector<16x1024xbf16>, vector<256x1024xf32> -> vector<256x1024xf32>
    %reduce_max3A_1490 = arith.constant dense<0xFF800000> : vector<1024xf32>
    %reduce_max3A_1491 = vector.multi_reduction <maximumf>, %dot_general3A_1489, %reduce_max3A_1490 [0] : vector<256x1024xf32> to vector<1024xf32>
    %broadcast_in_dim3A_1492 = vector.shape_cast %reduce_max3A_1491 : vector<1024xf32> to vector<1x1024xf32>
    %iota3A_1493 = tpu.iota {dimensions = array<i32: 0>} : vector<256x1024xi32>
    %ge3A_1494 = vector.broadcast %broadcast_in_dim3A_1492 : vector<1x1024xf32> to vector<256x1024xf32>
    %ge3A_1495 = arith.cmpf oge, %dot_general3A_1489, %ge3A_1494 : vector<256x1024xf32>
    %jit3A_1496 = arith.constant 256 : i32
    %broadcast_in_dim3A_1497 = vector.broadcast %jit3A_1496 : i32 to vector<256x1024xi32>
    %select_n3A_1498 = arith.select %ge3A_1495, %iota3A_1493, %broadcast_in_dim3A_1497 : vector<256x1024xi1>, vector<256x1024xi32>
    %reduce_min3A_1499 = arith.constant dense<2147483647> : vector<1024xi32>
    %reduce_min3A_1500 = vector.multi_reduction <minsi>, %select_n3A_1498, %reduce_min3A_1499 [0] : vector<256x1024xi32> to vector<1024xi32>
    %broadcast_in_dim3A_1501 = vector.shape_cast %reduce_min3A_1500 : vector<1024xi32> to vector<1x1024xi32>
    %get3A_1502 = arith.constant 1264 : index
    %get3A_1503 = arith.constant 0 : index
    %get3A_1504 = vector.load %arg3[%get3A_1502, %get3A_1503] : memref<1536x256xbf16, #tpu.memory_space<vmem>>, vector<16x256xbf16>
    %slice3A_1505 = vector.extract_strided_slice %convert_element_type3A {offsets = [632, 0], sizes = [8, 1024], strides = [1, 1]} : vector<768x1024xbf16> to vector<8x1024xbf16>
    %concatenate3A_1506 = tpu.concatenate %slice3A_1505, %broadcast_in_dim3A_8 in 0 : vector<8x1024xbf16>, vector<8x1024xbf16> -> vector<16x1024xbf16>
    %dot_general3A_1507 = arith.constant dense<0.000000e+00> : vector<256x1024xf32>
    %dot_general3A_1508 = tpu.matmul %get3A_1504, %concatenate3A_1506, %dot_general3A_1507 {dimension_numbers = #tpu.dot_dimension_numbers<[0], [0], [1], [1], [0, 1, 1, 1], [], []>, transpose_lhs_hint = false} : vector<16x256xbf16>, vector<16x1024xbf16>, vector<256x1024xf32> -> vector<256x1024xf32>
    %reduce_max3A_1509 = arith.constant dense<0xFF800000> : vector<1024xf32>
    %reduce_max3A_1510 = vector.multi_reduction <maximumf>, %dot_general3A_1508, %reduce_max3A_1509 [0] : vector<256x1024xf32> to vector<1024xf32>
    %broadcast_in_dim3A_1511 = vector.shape_cast %reduce_max3A_1510 : vector<1024xf32> to vector<1x1024xf32>
    %iota3A_1512 = tpu.iota {dimensions = array<i32: 0>} : vector<256x1024xi32>
    %ge3A_1513 = vector.broadcast %broadcast_in_dim3A_1511 : vector<1x1024xf32> to vector<256x1024xf32>
    %ge3A_1514 = arith.cmpf oge, %dot_general3A_1508, %ge3A_1513 : vector<256x1024xf32>
    %jit3A_1515 = arith.constant 256 : i32
    %broadcast_in_dim3A_1516 = vector.broadcast %jit3A_1515 : i32 to vector<256x1024xi32>
    %select_n3A_1517 = arith.select %ge3A_1514, %iota3A_1512, %broadcast_in_dim3A_1516 : vector<256x1024xi1>, vector<256x1024xi32>
    %reduce_min3A_1518 = arith.constant dense<2147483647> : vector<1024xi32>
    %reduce_min3A_1519 = vector.multi_reduction <minsi>, %select_n3A_1517, %reduce_min3A_1518 [0] : vector<256x1024xi32> to vector<1024xi32>
    %broadcast_in_dim3A_1520 = vector.shape_cast %reduce_min3A_1519 : vector<1024xi32> to vector<1x1024xi32>
    %get3A_1521 = arith.constant 1280 : index
    %get3A_1522 = arith.constant 0 : index
    %get3A_1523 = vector.load %arg3[%get3A_1521, %get3A_1522] : memref<1536x256xbf16, #tpu.memory_space<vmem>>, vector<16x256xbf16>
    %slice3A_1524 = vector.extract_strided_slice %convert_element_type3A {offsets = [640, 0], sizes = [8, 1024], strides = [1, 1]} : vector<768x1024xbf16> to vector<8x1024xbf16>
    %concatenate3A_1525 = tpu.concatenate %slice3A_1524, %broadcast_in_dim3A_8 in 0 : vector<8x1024xbf16>, vector<8x1024xbf16> -> vector<16x1024xbf16>
    %dot_general3A_1526 = arith.constant dense<0.000000e+00> : vector<256x1024xf32>
    %dot_general3A_1527 = tpu.matmul %get3A_1523, %concatenate3A_1525, %dot_general3A_1526 {dimension_numbers = #tpu.dot_dimension_numbers<[0], [0], [1], [1], [0, 1, 1, 1], [], []>, transpose_lhs_hint = false} : vector<16x256xbf16>, vector<16x1024xbf16>, vector<256x1024xf32> -> vector<256x1024xf32>
    %reduce_max3A_1528 = arith.constant dense<0xFF800000> : vector<1024xf32>
    %reduce_max3A_1529 = vector.multi_reduction <maximumf>, %dot_general3A_1527, %reduce_max3A_1528 [0] : vector<256x1024xf32> to vector<1024xf32>
    %broadcast_in_dim3A_1530 = vector.shape_cast %reduce_max3A_1529 : vector<1024xf32> to vector<1x1024xf32>
    %iota3A_1531 = tpu.iota {dimensions = array<i32: 0>} : vector<256x1024xi32>
    %ge3A_1532 = vector.broadcast %broadcast_in_dim3A_1530 : vector<1x1024xf32> to vector<256x1024xf32>
    %ge3A_1533 = arith.cmpf oge, %dot_general3A_1527, %ge3A_1532 : vector<256x1024xf32>
    %jit3A_1534 = arith.constant 256 : i32
    %broadcast_in_dim3A_1535 = vector.broadcast %jit3A_1534 : i32 to vector<256x1024xi32>
    %select_n3A_1536 = arith.select %ge3A_1533, %iota3A_1531, %broadcast_in_dim3A_1535 : vector<256x1024xi1>, vector<256x1024xi32>
    %reduce_min3A_1537 = arith.constant dense<2147483647> : vector<1024xi32>
    %reduce_min3A_1538 = vector.multi_reduction <minsi>, %select_n3A_1536, %reduce_min3A_1537 [0] : vector<256x1024xi32> to vector<1024xi32>
    %broadcast_in_dim3A_1539 = vector.shape_cast %reduce_min3A_1538 : vector<1024xi32> to vector<1x1024xi32>
    %get3A_1540 = arith.constant 1296 : index
    %get3A_1541 = arith.constant 0 : index
    %get3A_1542 = vector.load %arg3[%get3A_1540, %get3A_1541] : memref<1536x256xbf16, #tpu.memory_space<vmem>>, vector<16x256xbf16>
    %slice3A_1543 = vector.extract_strided_slice %convert_element_type3A {offsets = [648, 0], sizes = [8, 1024], strides = [1, 1]} : vector<768x1024xbf16> to vector<8x1024xbf16>
    %concatenate3A_1544 = tpu.concatenate %slice3A_1543, %broadcast_in_dim3A_8 in 0 : vector<8x1024xbf16>, vector<8x1024xbf16> -> vector<16x1024xbf16>
    %dot_general3A_1545 = arith.constant dense<0.000000e+00> : vector<256x1024xf32>
    %dot_general3A_1546 = tpu.matmul %get3A_1542, %concatenate3A_1544, %dot_general3A_1545 {dimension_numbers = #tpu.dot_dimension_numbers<[0], [0], [1], [1], [0, 1, 1, 1], [], []>, transpose_lhs_hint = false} : vector<16x256xbf16>, vector<16x1024xbf16>, vector<256x1024xf32> -> vector<256x1024xf32>
    %reduce_max3A_1547 = arith.constant dense<0xFF800000> : vector<1024xf32>
    %reduce_max3A_1548 = vector.multi_reduction <maximumf>, %dot_general3A_1546, %reduce_max3A_1547 [0] : vector<256x1024xf32> to vector<1024xf32>
    %broadcast_in_dim3A_1549 = vector.shape_cast %reduce_max3A_1548 : vector<1024xf32> to vector<1x1024xf32>
    %iota3A_1550 = tpu.iota {dimensions = array<i32: 0>} : vector<256x1024xi32>
    %ge3A_1551 = vector.broadcast %broadcast_in_dim3A_1549 : vector<1x1024xf32> to vector<256x1024xf32>
    %ge3A_1552 = arith.cmpf oge, %dot_general3A_1546, %ge3A_1551 : vector<256x1024xf32>
    %jit3A_1553 = arith.constant 256 : i32
    %broadcast_in_dim3A_1554 = vector.broadcast %jit3A_1553 : i32 to vector<256x1024xi32>
    %select_n3A_1555 = arith.select %ge3A_1552, %iota3A_1550, %broadcast_in_dim3A_1554 : vector<256x1024xi1>, vector<256x1024xi32>
    %reduce_min3A_1556 = arith.constant dense<2147483647> : vector<1024xi32>
    %reduce_min3A_1557 = vector.multi_reduction <minsi>, %select_n3A_1555, %reduce_min3A_1556 [0] : vector<256x1024xi32> to vector<1024xi32>
    %broadcast_in_dim3A_1558 = vector.shape_cast %reduce_min3A_1557 : vector<1024xi32> to vector<1x1024xi32>
    %get3A_1559 = arith.constant 1312 : index
    %get3A_1560 = arith.constant 0 : index
    %get3A_1561 = vector.load %arg3[%get3A_1559, %get3A_1560] : memref<1536x256xbf16, #tpu.memory_space<vmem>>, vector<16x256xbf16>
    %slice3A_1562 = vector.extract_strided_slice %convert_element_type3A {offsets = [656, 0], sizes = [8, 1024], strides = [1, 1]} : vector<768x1024xbf16> to vector<8x1024xbf16>
    %concatenate3A_1563 = tpu.concatenate %slice3A_1562, %broadcast_in_dim3A_8 in 0 : vector<8x1024xbf16>, vector<8x1024xbf16> -> vector<16x1024xbf16>
    %dot_general3A_1564 = arith.constant dense<0.000000e+00> : vector<256x1024xf32>
    %dot_general3A_1565 = tpu.matmul %get3A_1561, %concatenate3A_1563, %dot_general3A_1564 {dimension_numbers = #tpu.dot_dimension_numbers<[0], [0], [1], [1], [0, 1, 1, 1], [], []>, transpose_lhs_hint = false} : vector<16x256xbf16>, vector<16x1024xbf16>, vector<256x1024xf32> -> vector<256x1024xf32>
    %reduce_max3A_1566 = arith.constant dense<0xFF800000> : vector<1024xf32>
    %reduce_max3A_1567 = vector.multi_reduction <maximumf>, %dot_general3A_1565, %reduce_max3A_1566 [0] : vector<256x1024xf32> to vector<1024xf32>
    %broadcast_in_dim3A_1568 = vector.shape_cast %reduce_max3A_1567 : vector<1024xf32> to vector<1x1024xf32>
    %iota3A_1569 = tpu.iota {dimensions = array<i32: 0>} : vector<256x1024xi32>
    %ge3A_1570 = vector.broadcast %broadcast_in_dim3A_1568 : vector<1x1024xf32> to vector<256x1024xf32>
    %ge3A_1571 = arith.cmpf oge, %dot_general3A_1565, %ge3A_1570 : vector<256x1024xf32>
    %jit3A_1572 = arith.constant 256 : i32
    %broadcast_in_dim3A_1573 = vector.broadcast %jit3A_1572 : i32 to vector<256x1024xi32>
    %select_n3A_1574 = arith.select %ge3A_1571, %iota3A_1569, %broadcast_in_dim3A_1573 : vector<256x1024xi1>, vector<256x1024xi32>
    %reduce_min3A_1575 = arith.constant dense<2147483647> : vector<1024xi32>
    %reduce_min3A_1576 = vector.multi_reduction <minsi>, %select_n3A_1574, %reduce_min3A_1575 [0] : vector<256x1024xi32> to vector<1024xi32>
    %broadcast_in_dim3A_1577 = vector.shape_cast %reduce_min3A_1576 : vector<1024xi32> to vector<1x1024xi32>
    %get3A_1578 = arith.constant 1328 : index
    %get3A_1579 = arith.constant 0 : index
    %get3A_1580 = vector.load %arg3[%get3A_1578, %get3A_1579] : memref<1536x256xbf16, #tpu.memory_space<vmem>>, vector<16x256xbf16>
    %slice3A_1581 = vector.extract_strided_slice %convert_element_type3A {offsets = [664, 0], sizes = [8, 1024], strides = [1, 1]} : vector<768x1024xbf16> to vector<8x1024xbf16>
    %concatenate3A_1582 = tpu.concatenate %slice3A_1581, %broadcast_in_dim3A_8 in 0 : vector<8x1024xbf16>, vector<8x1024xbf16> -> vector<16x1024xbf16>
    %dot_general3A_1583 = arith.constant dense<0.000000e+00> : vector<256x1024xf32>
    %dot_general3A_1584 = tpu.matmul %get3A_1580, %concatenate3A_1582, %dot_general3A_1583 {dimension_numbers = #tpu.dot_dimension_numbers<[0], [0], [1], [1], [0, 1, 1, 1], [], []>, transpose_lhs_hint = false} : vector<16x256xbf16>, vector<16x1024xbf16>, vector<256x1024xf32> -> vector<256x1024xf32>
    %reduce_max3A_1585 = arith.constant dense<0xFF800000> : vector<1024xf32>
    %reduce_max3A_1586 = vector.multi_reduction <maximumf>, %dot_general3A_1584, %reduce_max3A_1585 [0] : vector<256x1024xf32> to vector<1024xf32>
    %broadcast_in_dim3A_1587 = vector.shape_cast %reduce_max3A_1586 : vector<1024xf32> to vector<1x1024xf32>
    %iota3A_1588 = tpu.iota {dimensions = array<i32: 0>} : vector<256x1024xi32>
    %ge3A_1589 = vector.broadcast %broadcast_in_dim3A_1587 : vector<1x1024xf32> to vector<256x1024xf32>
    %ge3A_1590 = arith.cmpf oge, %dot_general3A_1584, %ge3A_1589 : vector<256x1024xf32>
    %jit3A_1591 = arith.constant 256 : i32
    %broadcast_in_dim3A_1592 = vector.broadcast %jit3A_1591 : i32 to vector<256x1024xi32>
    %select_n3A_1593 = arith.select %ge3A_1590, %iota3A_1588, %broadcast_in_dim3A_1592 : vector<256x1024xi1>, vector<256x1024xi32>
    %reduce_min3A_1594 = arith.constant dense<2147483647> : vector<1024xi32>
    %reduce_min3A_1595 = vector.multi_reduction <minsi>, %select_n3A_1593, %reduce_min3A_1594 [0] : vector<256x1024xi32> to vector<1024xi32>
    %broadcast_in_dim3A_1596 = vector.shape_cast %reduce_min3A_1595 : vector<1024xi32> to vector<1x1024xi32>
    %get3A_1597 = arith.constant 1344 : index
    %get3A_1598 = arith.constant 0 : index
    %get3A_1599 = vector.load %arg3[%get3A_1597, %get3A_1598] : memref<1536x256xbf16, #tpu.memory_space<vmem>>, vector<16x256xbf16>
    %slice3A_1600 = vector.extract_strided_slice %convert_element_type3A {offsets = [672, 0], sizes = [8, 1024], strides = [1, 1]} : vector<768x1024xbf16> to vector<8x1024xbf16>
    %concatenate3A_1601 = tpu.concatenate %slice3A_1600, %broadcast_in_dim3A_8 in 0 : vector<8x1024xbf16>, vector<8x1024xbf16> -> vector<16x1024xbf16>
    %dot_general3A_1602 = arith.constant dense<0.000000e+00> : vector<256x1024xf32>
    %dot_general3A_1603 = tpu.matmul %get3A_1599, %concatenate3A_1601, %dot_general3A_1602 {dimension_numbers = #tpu.dot_dimension_numbers<[0], [0], [1], [1], [0, 1, 1, 1], [], []>, transpose_lhs_hint = false} : vector<16x256xbf16>, vector<16x1024xbf16>, vector<256x1024xf32> -> vector<256x1024xf32>
    %reduce_max3A_1604 = arith.constant dense<0xFF800000> : vector<1024xf32>
    %reduce_max3A_1605 = vector.multi_reduction <maximumf>, %dot_general3A_1603, %reduce_max3A_1604 [0] : vector<256x1024xf32> to vector<1024xf32>
    %broadcast_in_dim3A_1606 = vector.shape_cast %reduce_max3A_1605 : vector<1024xf32> to vector<1x1024xf32>
    %iota3A_1607 = tpu.iota {dimensions = array<i32: 0>} : vector<256x1024xi32>
    %ge3A_1608 = vector.broadcast %broadcast_in_dim3A_1606 : vector<1x1024xf32> to vector<256x1024xf32>
    %ge3A_1609 = arith.cmpf oge, %dot_general3A_1603, %ge3A_1608 : vector<256x1024xf32>
    %jit3A_1610 = arith.constant 256 : i32
    %broadcast_in_dim3A_1611 = vector.broadcast %jit3A_1610 : i32 to vector<256x1024xi32>
    %select_n3A_1612 = arith.select %ge3A_1609, %iota3A_1607, %broadcast_in_dim3A_1611 : vector<256x1024xi1>, vector<256x1024xi32>
    %reduce_min3A_1613 = arith.constant dense<2147483647> : vector<1024xi32>
    %reduce_min3A_1614 = vector.multi_reduction <minsi>, %select_n3A_1612, %reduce_min3A_1613 [0] : vector<256x1024xi32> to vector<1024xi32>
    %broadcast_in_dim3A_1615 = vector.shape_cast %reduce_min3A_1614 : vector<1024xi32> to vector<1x1024xi32>
    %get3A_1616 = arith.constant 1360 : index
    %get3A_1617 = arith.constant 0 : index
    %get3A_1618 = vector.load %arg3[%get3A_1616, %get3A_1617] : memref<1536x256xbf16, #tpu.memory_space<vmem>>, vector<16x256xbf16>
    %slice3A_1619 = vector.extract_strided_slice %convert_element_type3A {offsets = [680, 0], sizes = [8, 1024], strides = [1, 1]} : vector<768x1024xbf16> to vector<8x1024xbf16>
    %concatenate3A_1620 = tpu.concatenate %slice3A_1619, %broadcast_in_dim3A_8 in 0 : vector<8x1024xbf16>, vector<8x1024xbf16> -> vector<16x1024xbf16>
    %dot_general3A_1621 = arith.constant dense<0.000000e+00> : vector<256x1024xf32>
    %dot_general3A_1622 = tpu.matmul %get3A_1618, %concatenate3A_1620, %dot_general3A_1621 {dimension_numbers = #tpu.dot_dimension_numbers<[0], [0], [1], [1], [0, 1, 1, 1], [], []>, transpose_lhs_hint = false} : vector<16x256xbf16>, vector<16x1024xbf16>, vector<256x1024xf32> -> vector<256x1024xf32>
    %reduce_max3A_1623 = arith.constant dense<0xFF800000> : vector<1024xf32>
    %reduce_max3A_1624 = vector.multi_reduction <maximumf>, %dot_general3A_1622, %reduce_max3A_1623 [0] : vector<256x1024xf32> to vector<1024xf32>
    %broadcast_in_dim3A_1625 = vector.shape_cast %reduce_max3A_1624 : vector<1024xf32> to vector<1x1024xf32>
    %iota3A_1626 = tpu.iota {dimensions = array<i32: 0>} : vector<256x1024xi32>
    %ge3A_1627 = vector.broadcast %broadcast_in_dim3A_1625 : vector<1x1024xf32> to vector<256x1024xf32>
    %ge3A_1628 = arith.cmpf oge, %dot_general3A_1622, %ge3A_1627 : vector<256x1024xf32>
    %jit3A_1629 = arith.constant 256 : i32
    %broadcast_in_dim3A_1630 = vector.broadcast %jit3A_1629 : i32 to vector<256x1024xi32>
    %select_n3A_1631 = arith.select %ge3A_1628, %iota3A_1626, %broadcast_in_dim3A_1630 : vector<256x1024xi1>, vector<256x1024xi32>
    %reduce_min3A_1632 = arith.constant dense<2147483647> : vector<1024xi32>
    %reduce_min3A_1633 = vector.multi_reduction <minsi>, %select_n3A_1631, %reduce_min3A_1632 [0] : vector<256x1024xi32> to vector<1024xi32>
    %broadcast_in_dim3A_1634 = vector.shape_cast %reduce_min3A_1633 : vector<1024xi32> to vector<1x1024xi32>
    %get3A_1635 = arith.constant 1376 : index
    %get3A_1636 = arith.constant 0 : index
    %get3A_1637 = vector.load %arg3[%get3A_1635, %get3A_1636] : memref<1536x256xbf16, #tpu.memory_space<vmem>>, vector<16x256xbf16>
    %slice3A_1638 = vector.extract_strided_slice %convert_element_type3A {offsets = [688, 0], sizes = [8, 1024], strides = [1, 1]} : vector<768x1024xbf16> to vector<8x1024xbf16>
    %concatenate3A_1639 = tpu.concatenate %slice3A_1638, %broadcast_in_dim3A_8 in 0 : vector<8x1024xbf16>, vector<8x1024xbf16> -> vector<16x1024xbf16>
    %dot_general3A_1640 = arith.constant dense<0.000000e+00> : vector<256x1024xf32>
    %dot_general3A_1641 = tpu.matmul %get3A_1637, %concatenate3A_1639, %dot_general3A_1640 {dimension_numbers = #tpu.dot_dimension_numbers<[0], [0], [1], [1], [0, 1, 1, 1], [], []>, transpose_lhs_hint = false} : vector<16x256xbf16>, vector<16x1024xbf16>, vector<256x1024xf32> -> vector<256x1024xf32>
    %reduce_max3A_1642 = arith.constant dense<0xFF800000> : vector<1024xf32>
    %reduce_max3A_1643 = vector.multi_reduction <maximumf>, %dot_general3A_1641, %reduce_max3A_1642 [0] : vector<256x1024xf32> to vector<1024xf32>
    %broadcast_in_dim3A_1644 = vector.shape_cast %reduce_max3A_1643 : vector<1024xf32> to vector<1x1024xf32>
    %iota3A_1645 = tpu.iota {dimensions = array<i32: 0>} : vector<256x1024xi32>
    %ge3A_1646 = vector.broadcast %broadcast_in_dim3A_1644 : vector<1x1024xf32> to vector<256x1024xf32>
    %ge3A_1647 = arith.cmpf oge, %dot_general3A_1641, %ge3A_1646 : vector<256x1024xf32>
    %jit3A_1648 = arith.constant 256 : i32
    %broadcast_in_dim3A_1649 = vector.broadcast %jit3A_1648 : i32 to vector<256x1024xi32>
    %select_n3A_1650 = arith.select %ge3A_1647, %iota3A_1645, %broadcast_in_dim3A_1649 : vector<256x1024xi1>, vector<256x1024xi32>
    %reduce_min3A_1651 = arith.constant dense<2147483647> : vector<1024xi32>
    %reduce_min3A_1652 = vector.multi_reduction <minsi>, %select_n3A_1650, %reduce_min3A_1651 [0] : vector<256x1024xi32> to vector<1024xi32>
    %broadcast_in_dim3A_1653 = vector.shape_cast %reduce_min3A_1652 : vector<1024xi32> to vector<1x1024xi32>
    %get3A_1654 = arith.constant 1392 : index
    %get3A_1655 = arith.constant 0 : index
    %get3A_1656 = vector.load %arg3[%get3A_1654, %get3A_1655] : memref<1536x256xbf16, #tpu.memory_space<vmem>>, vector<16x256xbf16>
    %slice3A_1657 = vector.extract_strided_slice %convert_element_type3A {offsets = [696, 0], sizes = [8, 1024], strides = [1, 1]} : vector<768x1024xbf16> to vector<8x1024xbf16>
    %concatenate3A_1658 = tpu.concatenate %slice3A_1657, %broadcast_in_dim3A_8 in 0 : vector<8x1024xbf16>, vector<8x1024xbf16> -> vector<16x1024xbf16>
    %dot_general3A_1659 = arith.constant dense<0.000000e+00> : vector<256x1024xf32>
    %dot_general3A_1660 = tpu.matmul %get3A_1656, %concatenate3A_1658, %dot_general3A_1659 {dimension_numbers = #tpu.dot_dimension_numbers<[0], [0], [1], [1], [0, 1, 1, 1], [], []>, transpose_lhs_hint = false} : vector<16x256xbf16>, vector<16x1024xbf16>, vector<256x1024xf32> -> vector<256x1024xf32>
    %reduce_max3A_1661 = arith.constant dense<0xFF800000> : vector<1024xf32>
    %reduce_max3A_1662 = vector.multi_reduction <maximumf>, %dot_general3A_1660, %reduce_max3A_1661 [0] : vector<256x1024xf32> to vector<1024xf32>
    %broadcast_in_dim3A_1663 = vector.shape_cast %reduce_max3A_1662 : vector<1024xf32> to vector<1x1024xf32>
    %iota3A_1664 = tpu.iota {dimensions = array<i32: 0>} : vector<256x1024xi32>
    %ge3A_1665 = vector.broadcast %broadcast_in_dim3A_1663 : vector<1x1024xf32> to vector<256x1024xf32>
    %ge3A_1666 = arith.cmpf oge, %dot_general3A_1660, %ge3A_1665 : vector<256x1024xf32>
    %jit3A_1667 = arith.constant 256 : i32
    %broadcast_in_dim3A_1668 = vector.broadcast %jit3A_1667 : i32 to vector<256x1024xi32>
    %select_n3A_1669 = arith.select %ge3A_1666, %iota3A_1664, %broadcast_in_dim3A_1668 : vector<256x1024xi1>, vector<256x1024xi32>
    %reduce_min3A_1670 = arith.constant dense<2147483647> : vector<1024xi32>
    %reduce_min3A_1671 = vector.multi_reduction <minsi>, %select_n3A_1669, %reduce_min3A_1670 [0] : vector<256x1024xi32> to vector<1024xi32>
    %broadcast_in_dim3A_1672 = vector.shape_cast %reduce_min3A_1671 : vector<1024xi32> to vector<1x1024xi32>
    %get3A_1673 = arith.constant 1408 : index
    %get3A_1674 = arith.constant 0 : index
    %get3A_1675 = vector.load %arg3[%get3A_1673, %get3A_1674] : memref<1536x256xbf16, #tpu.memory_space<vmem>>, vector<16x256xbf16>
    %slice3A_1676 = vector.extract_strided_slice %convert_element_type3A {offsets = [704, 0], sizes = [8, 1024], strides = [1, 1]} : vector<768x1024xbf16> to vector<8x1024xbf16>
    %concatenate3A_1677 = tpu.concatenate %slice3A_1676, %broadcast_in_dim3A_8 in 0 : vector<8x1024xbf16>, vector<8x1024xbf16> -> vector<16x1024xbf16>
    %dot_general3A_1678 = arith.constant dense<0.000000e+00> : vector<256x1024xf32>
    %dot_general3A_1679 = tpu.matmul %get3A_1675, %concatenate3A_1677, %dot_general3A_1678 {dimension_numbers = #tpu.dot_dimension_numbers<[0], [0], [1], [1], [0, 1, 1, 1], [], []>, transpose_lhs_hint = false} : vector<16x256xbf16>, vector<16x1024xbf16>, vector<256x1024xf32> -> vector<256x1024xf32>
    %reduce_max3A_1680 = arith.constant dense<0xFF800000> : vector<1024xf32>
    %reduce_max3A_1681 = vector.multi_reduction <maximumf>, %dot_general3A_1679, %reduce_max3A_1680 [0] : vector<256x1024xf32> to vector<1024xf32>
    %broadcast_in_dim3A_1682 = vector.shape_cast %reduce_max3A_1681 : vector<1024xf32> to vector<1x1024xf32>
    %iota3A_1683 = tpu.iota {dimensions = array<i32: 0>} : vector<256x1024xi32>
    %ge3A_1684 = vector.broadcast %broadcast_in_dim3A_1682 : vector<1x1024xf32> to vector<256x1024xf32>
    %ge3A_1685 = arith.cmpf oge, %dot_general3A_1679, %ge3A_1684 : vector<256x1024xf32>
    %jit3A_1686 = arith.constant 256 : i32
    %broadcast_in_dim3A_1687 = vector.broadcast %jit3A_1686 : i32 to vector<256x1024xi32>
    %select_n3A_1688 = arith.select %ge3A_1685, %iota3A_1683, %broadcast_in_dim3A_1687 : vector<256x1024xi1>, vector<256x1024xi32>
    %reduce_min3A_1689 = arith.constant dense<2147483647> : vector<1024xi32>
    %reduce_min3A_1690 = vector.multi_reduction <minsi>, %select_n3A_1688, %reduce_min3A_1689 [0] : vector<256x1024xi32> to vector<1024xi32>
    %broadcast_in_dim3A_1691 = vector.shape_cast %reduce_min3A_1690 : vector<1024xi32> to vector<1x1024xi32>
    %get3A_1692 = arith.constant 1424 : index
    %get3A_1693 = arith.constant 0 : index
    %get3A_1694 = vector.load %arg3[%get3A_1692, %get3A_1693] : memref<1536x256xbf16, #tpu.memory_space<vmem>>, vector<16x256xbf16>
    %slice3A_1695 = vector.extract_strided_slice %convert_element_type3A {offsets = [712, 0], sizes = [8, 1024], strides = [1, 1]} : vector<768x1024xbf16> to vector<8x1024xbf16>
    %concatenate3A_1696 = tpu.concatenate %slice3A_1695, %broadcast_in_dim3A_8 in 0 : vector<8x1024xbf16>, vector<8x1024xbf16> -> vector<16x1024xbf16>
    %dot_general3A_1697 = arith.constant dense<0.000000e+00> : vector<256x1024xf32>
    %dot_general3A_1698 = tpu.matmul %get3A_1694, %concatenate3A_1696, %dot_general3A_1697 {dimension_numbers = #tpu.dot_dimension_numbers<[0], [0], [1], [1], [0, 1, 1, 1], [], []>, transpose_lhs_hint = false} : vector<16x256xbf16>, vector<16x1024xbf16>, vector<256x1024xf32> -> vector<256x1024xf32>
    %reduce_max3A_1699 = arith.constant dense<0xFF800000> : vector<1024xf32>
    %reduce_max3A_1700 = vector.multi_reduction <maximumf>, %dot_general3A_1698, %reduce_max3A_1699 [0] : vector<256x1024xf32> to vector<1024xf32>
    %broadcast_in_dim3A_1701 = vector.shape_cast %reduce_max3A_1700 : vector<1024xf32> to vector<1x1024xf32>
    %iota3A_1702 = tpu.iota {dimensions = array<i32: 0>} : vector<256x1024xi32>
    %ge3A_1703 = vector.broadcast %broadcast_in_dim3A_1701 : vector<1x1024xf32> to vector<256x1024xf32>
    %ge3A_1704 = arith.cmpf oge, %dot_general3A_1698, %ge3A_1703 : vector<256x1024xf32>
    %jit3A_1705 = arith.constant 256 : i32
    %broadcast_in_dim3A_1706 = vector.broadcast %jit3A_1705 : i32 to vector<256x1024xi32>
    %select_n3A_1707 = arith.select %ge3A_1704, %iota3A_1702, %broadcast_in_dim3A_1706 : vector<256x1024xi1>, vector<256x1024xi32>
    %reduce_min3A_1708 = arith.constant dense<2147483647> : vector<1024xi32>
    %reduce_min3A_1709 = vector.multi_reduction <minsi>, %select_n3A_1707, %reduce_min3A_1708 [0] : vector<256x1024xi32> to vector<1024xi32>
    %broadcast_in_dim3A_1710 = vector.shape_cast %reduce_min3A_1709 : vector<1024xi32> to vector<1x1024xi32>
    %get3A_1711 = arith.constant 1440 : index
    %get3A_1712 = arith.constant 0 : index
    %get3A_1713 = vector.load %arg3[%get3A_1711, %get3A_1712] : memref<1536x256xbf16, #tpu.memory_space<vmem>>, vector<16x256xbf16>
    %slice3A_1714 = vector.extract_strided_slice %convert_element_type3A {offsets = [720, 0], sizes = [8, 1024], strides = [1, 1]} : vector<768x1024xbf16> to vector<8x1024xbf16>
    %concatenate3A_1715 = tpu.concatenate %slice3A_1714, %broadcast_in_dim3A_8 in 0 : vector<8x1024xbf16>, vector<8x1024xbf16> -> vector<16x1024xbf16>
    %dot_general3A_1716 = arith.constant dense<0.000000e+00> : vector<256x1024xf32>
    %dot_general3A_1717 = tpu.matmul %get3A_1713, %concatenate3A_1715, %dot_general3A_1716 {dimension_numbers = #tpu.dot_dimension_numbers<[0], [0], [1], [1], [0, 1, 1, 1], [], []>, transpose_lhs_hint = false} : vector<16x256xbf16>, vector<16x1024xbf16>, vector<256x1024xf32> -> vector<256x1024xf32>
    %reduce_max3A_1718 = arith.constant dense<0xFF800000> : vector<1024xf32>
    %reduce_max3A_1719 = vector.multi_reduction <maximumf>, %dot_general3A_1717, %reduce_max3A_1718 [0] : vector<256x1024xf32> to vector<1024xf32>
    %broadcast_in_dim3A_1720 = vector.shape_cast %reduce_max3A_1719 : vector<1024xf32> to vector<1x1024xf32>
    %iota3A_1721 = tpu.iota {dimensions = array<i32: 0>} : vector<256x1024xi32>
    %ge3A_1722 = vector.broadcast %broadcast_in_dim3A_1720 : vector<1x1024xf32> to vector<256x1024xf32>
    %ge3A_1723 = arith.cmpf oge, %dot_general3A_1717, %ge3A_1722 : vector<256x1024xf32>
    %jit3A_1724 = arith.constant 256 : i32
    %broadcast_in_dim3A_1725 = vector.broadcast %jit3A_1724 : i32 to vector<256x1024xi32>
    %select_n3A_1726 = arith.select %ge3A_1723, %iota3A_1721, %broadcast_in_dim3A_1725 : vector<256x1024xi1>, vector<256x1024xi32>
    %reduce_min3A_1727 = arith.constant dense<2147483647> : vector<1024xi32>
    %reduce_min3A_1728 = vector.multi_reduction <minsi>, %select_n3A_1726, %reduce_min3A_1727 [0] : vector<256x1024xi32> to vector<1024xi32>
    %broadcast_in_dim3A_1729 = vector.shape_cast %reduce_min3A_1728 : vector<1024xi32> to vector<1x1024xi32>
    %get3A_1730 = arith.constant 1456 : index
    %get3A_1731 = arith.constant 0 : index
    %get3A_1732 = vector.load %arg3[%get3A_1730, %get3A_1731] : memref<1536x256xbf16, #tpu.memory_space<vmem>>, vector<16x256xbf16>
    %slice3A_1733 = vector.extract_strided_slice %convert_element_type3A {offsets = [728, 0], sizes = [8, 1024], strides = [1, 1]} : vector<768x1024xbf16> to vector<8x1024xbf16>
    %concatenate3A_1734 = tpu.concatenate %slice3A_1733, %broadcast_in_dim3A_8 in 0 : vector<8x1024xbf16>, vector<8x1024xbf16> -> vector<16x1024xbf16>
    %dot_general3A_1735 = arith.constant dense<0.000000e+00> : vector<256x1024xf32>
    %dot_general3A_1736 = tpu.matmul %get3A_1732, %concatenate3A_1734, %dot_general3A_1735 {dimension_numbers = #tpu.dot_dimension_numbers<[0], [0], [1], [1], [0, 1, 1, 1], [], []>, transpose_lhs_hint = false} : vector<16x256xbf16>, vector<16x1024xbf16>, vector<256x1024xf32> -> vector<256x1024xf32>
    %reduce_max3A_1737 = arith.constant dense<0xFF800000> : vector<1024xf32>
    %reduce_max3A_1738 = vector.multi_reduction <maximumf>, %dot_general3A_1736, %reduce_max3A_1737 [0] : vector<256x1024xf32> to vector<1024xf32>
    %broadcast_in_dim3A_1739 = vector.shape_cast %reduce_max3A_1738 : vector<1024xf32> to vector<1x1024xf32>
    %iota3A_1740 = tpu.iota {dimensions = array<i32: 0>} : vector<256x1024xi32>
    %ge3A_1741 = vector.broadcast %broadcast_in_dim3A_1739 : vector<1x1024xf32> to vector<256x1024xf32>
    %ge3A_1742 = arith.cmpf oge, %dot_general3A_1736, %ge3A_1741 : vector<256x1024xf32>
    %jit3A_1743 = arith.constant 256 : i32
    %broadcast_in_dim3A_1744 = vector.broadcast %jit3A_1743 : i32 to vector<256x1024xi32>
    %select_n3A_1745 = arith.select %ge3A_1742, %iota3A_1740, %broadcast_in_dim3A_1744 : vector<256x1024xi1>, vector<256x1024xi32>
    %reduce_min3A_1746 = arith.constant dense<2147483647> : vector<1024xi32>
    %reduce_min3A_1747 = vector.multi_reduction <minsi>, %select_n3A_1745, %reduce_min3A_1746 [0] : vector<256x1024xi32> to vector<1024xi32>
    %broadcast_in_dim3A_1748 = vector.shape_cast %reduce_min3A_1747 : vector<1024xi32> to vector<1x1024xi32>
    %get3A_1749 = arith.constant 1472 : index
    %get3A_1750 = arith.constant 0 : index
    %get3A_1751 = vector.load %arg3[%get3A_1749, %get3A_1750] : memref<1536x256xbf16, #tpu.memory_space<vmem>>, vector<16x256xbf16>
    %slice3A_1752 = vector.extract_strided_slice %convert_element_type3A {offsets = [736, 0], sizes = [8, 1024], strides = [1, 1]} : vector<768x1024xbf16> to vector<8x1024xbf16>
    %concatenate3A_1753 = tpu.concatenate %slice3A_1752, %broadcast_in_dim3A_8 in 0 : vector<8x1024xbf16>, vector<8x1024xbf16> -> vector<16x1024xbf16>
    %dot_general3A_1754 = arith.constant dense<0.000000e+00> : vector<256x1024xf32>
    %dot_general3A_1755 = tpu.matmul %get3A_1751, %concatenate3A_1753, %dot_general3A_1754 {dimension_numbers = #tpu.dot_dimension_numbers<[0], [0], [1], [1], [0, 1, 1, 1], [], []>, transpose_lhs_hint = false} : vector<16x256xbf16>, vector<16x1024xbf16>, vector<256x1024xf32> -> vector<256x1024xf32>
    %reduce_max3A_1756 = arith.constant dense<0xFF800000> : vector<1024xf32>
    %reduce_max3A_1757 = vector.multi_reduction <maximumf>, %dot_general3A_1755, %reduce_max3A_1756 [0] : vector<256x1024xf32> to vector<1024xf32>
    %broadcast_in_dim3A_1758 = vector.shape_cast %reduce_max3A_1757 : vector<1024xf32> to vector<1x1024xf32>
    %iota3A_1759 = tpu.iota {dimensions = array<i32: 0>} : vector<256x1024xi32>
    %ge3A_1760 = vector.broadcast %broadcast_in_dim3A_1758 : vector<1x1024xf32> to vector<256x1024xf32>
    %ge3A_1761 = arith.cmpf oge, %dot_general3A_1755, %ge3A_1760 : vector<256x1024xf32>
    %jit3A_1762 = arith.constant 256 : i32
    %broadcast_in_dim3A_1763 = vector.broadcast %jit3A_1762 : i32 to vector<256x1024xi32>
    %select_n3A_1764 = arith.select %ge3A_1761, %iota3A_1759, %broadcast_in_dim3A_1763 : vector<256x1024xi1>, vector<256x1024xi32>
    %reduce_min3A_1765 = arith.constant dense<2147483647> : vector<1024xi32>
    %reduce_min3A_1766 = vector.multi_reduction <minsi>, %select_n3A_1764, %reduce_min3A_1765 [0] : vector<256x1024xi32> to vector<1024xi32>
    %broadcast_in_dim3A_1767 = vector.shape_cast %reduce_min3A_1766 : vector<1024xi32> to vector<1x1024xi32>
    %get3A_1768 = arith.constant 1488 : index
    %get3A_1769 = arith.constant 0 : index
    %get3A_1770 = vector.load %arg3[%get3A_1768, %get3A_1769] : memref<1536x256xbf16, #tpu.memory_space<vmem>>, vector<16x256xbf16>
    %slice3A_1771 = vector.extract_strided_slice %convert_element_type3A {offsets = [744, 0], sizes = [8, 1024], strides = [1, 1]} : vector<768x1024xbf16> to vector<8x1024xbf16>
    %concatenate3A_1772 = tpu.concatenate %slice3A_1771, %broadcast_in_dim3A_8 in 0 : vector<8x1024xbf16>, vector<8x1024xbf16> -> vector<16x1024xbf16>
    %dot_general3A_1773 = arith.constant dense<0.000000e+00> : vector<256x1024xf32>
    %dot_general3A_1774 = tpu.matmul %get3A_1770, %concatenate3A_1772, %dot_general3A_1773 {dimension_numbers = #tpu.dot_dimension_numbers<[0], [0], [1], [1], [0, 1, 1, 1], [], []>, transpose_lhs_hint = false} : vector<16x256xbf16>, vector<16x1024xbf16>, vector<256x1024xf32> -> vector<256x1024xf32>
    %reduce_max3A_1775 = arith.constant dense<0xFF800000> : vector<1024xf32>
    %reduce_max3A_1776 = vector.multi_reduction <maximumf>, %dot_general3A_1774, %reduce_max3A_1775 [0] : vector<256x1024xf32> to vector<1024xf32>
    %broadcast_in_dim3A_1777 = vector.shape_cast %reduce_max3A_1776 : vector<1024xf32> to vector<1x1024xf32>
    %iota3A_1778 = tpu.iota {dimensions = array<i32: 0>} : vector<256x1024xi32>
    %ge3A_1779 = vector.broadcast %broadcast_in_dim3A_1777 : vector<1x1024xf32> to vector<256x1024xf32>
    %ge3A_1780 = arith.cmpf oge, %dot_general3A_1774, %ge3A_1779 : vector<256x1024xf32>
    %jit3A_1781 = arith.constant 256 : i32
    %broadcast_in_dim3A_1782 = vector.broadcast %jit3A_1781 : i32 to vector<256x1024xi32>
    %select_n3A_1783 = arith.select %ge3A_1780, %iota3A_1778, %broadcast_in_dim3A_1782 : vector<256x1024xi1>, vector<256x1024xi32>
    %reduce_min3A_1784 = arith.constant dense<2147483647> : vector<1024xi32>
    %reduce_min3A_1785 = vector.multi_reduction <minsi>, %select_n3A_1783, %reduce_min3A_1784 [0] : vector<256x1024xi32> to vector<1024xi32>
    %broadcast_in_dim3A_1786 = vector.shape_cast %reduce_min3A_1785 : vector<1024xi32> to vector<1x1024xi32>
    %get3A_1787 = arith.constant 1504 : index
    %get3A_1788 = arith.constant 0 : index
    %get3A_1789 = vector.load %arg3[%get3A_1787, %get3A_1788] : memref<1536x256xbf16, #tpu.memory_space<vmem>>, vector<16x256xbf16>
    %slice3A_1790 = vector.extract_strided_slice %convert_element_type3A {offsets = [752, 0], sizes = [8, 1024], strides = [1, 1]} : vector<768x1024xbf16> to vector<8x1024xbf16>
    %concatenate3A_1791 = tpu.concatenate %slice3A_1790, %broadcast_in_dim3A_8 in 0 : vector<8x1024xbf16>, vector<8x1024xbf16> -> vector<16x1024xbf16>
    %dot_general3A_1792 = arith.constant dense<0.000000e+00> : vector<256x1024xf32>
    %dot_general3A_1793 = tpu.matmul %get3A_1789, %concatenate3A_1791, %dot_general3A_1792 {dimension_numbers = #tpu.dot_dimension_numbers<[0], [0], [1], [1], [0, 1, 1, 1], [], []>, transpose_lhs_hint = false} : vector<16x256xbf16>, vector<16x1024xbf16>, vector<256x1024xf32> -> vector<256x1024xf32>
    %reduce_max3A_1794 = arith.constant dense<0xFF800000> : vector<1024xf32>
    %reduce_max3A_1795 = vector.multi_reduction <maximumf>, %dot_general3A_1793, %reduce_max3A_1794 [0] : vector<256x1024xf32> to vector<1024xf32>
    %broadcast_in_dim3A_1796 = vector.shape_cast %reduce_max3A_1795 : vector<1024xf32> to vector<1x1024xf32>
    %iota3A_1797 = tpu.iota {dimensions = array<i32: 0>} : vector<256x1024xi32>
    %ge3A_1798 = vector.broadcast %broadcast_in_dim3A_1796 : vector<1x1024xf32> to vector<256x1024xf32>
    %ge3A_1799 = arith.cmpf oge, %dot_general3A_1793, %ge3A_1798 : vector<256x1024xf32>
    %jit3A_1800 = arith.constant 256 : i32
    %broadcast_in_dim3A_1801 = vector.broadcast %jit3A_1800 : i32 to vector<256x1024xi32>
    %select_n3A_1802 = arith.select %ge3A_1799, %iota3A_1797, %broadcast_in_dim3A_1801 : vector<256x1024xi1>, vector<256x1024xi32>
    %reduce_min3A_1803 = arith.constant dense<2147483647> : vector<1024xi32>
    %reduce_min3A_1804 = vector.multi_reduction <minsi>, %select_n3A_1802, %reduce_min3A_1803 [0] : vector<256x1024xi32> to vector<1024xi32>
    %broadcast_in_dim3A_1805 = vector.shape_cast %reduce_min3A_1804 : vector<1024xi32> to vector<1x1024xi32>
    %get3A_1806 = arith.constant 1520 : index
    %get3A_1807 = arith.constant 0 : index
    %get3A_1808 = vector.load %arg3[%get3A_1806, %get3A_1807] : memref<1536x256xbf16, #tpu.memory_space<vmem>>, vector<16x256xbf16>
    %slice3A_1809 = vector.extract_strided_slice %convert_element_type3A {offsets = [760, 0], sizes = [8, 1024], strides = [1, 1]} : vector<768x1024xbf16> to vector<8x1024xbf16>
    %concatenate3A_1810 = tpu.concatenate %slice3A_1809, %broadcast_in_dim3A_8 in 0 : vector<8x1024xbf16>, vector<8x1024xbf16> -> vector<16x1024xbf16>
    %dot_general3A_1811 = arith.constant dense<0.000000e+00> : vector<256x1024xf32>
    %dot_general3A_1812 = tpu.matmul %get3A_1808, %concatenate3A_1810, %dot_general3A_1811 {dimension_numbers = #tpu.dot_dimension_numbers<[0], [0], [1], [1], [0, 1, 1, 1], [], []>, transpose_lhs_hint = false} : vector<16x256xbf16>, vector<16x1024xbf16>, vector<256x1024xf32> -> vector<256x1024xf32>
    %reduce_max3A_1813 = arith.constant dense<0xFF800000> : vector<1024xf32>
    %reduce_max3A_1814 = vector.multi_reduction <maximumf>, %dot_general3A_1812, %reduce_max3A_1813 [0] : vector<256x1024xf32> to vector<1024xf32>
    %broadcast_in_dim3A_1815 = vector.shape_cast %reduce_max3A_1814 : vector<1024xf32> to vector<1x1024xf32>
    %iota3A_1816 = tpu.iota {dimensions = array<i32: 0>} : vector<256x1024xi32>
    %ge3A_1817 = vector.broadcast %broadcast_in_dim3A_1815 : vector<1x1024xf32> to vector<256x1024xf32>
    %ge3A_1818 = arith.cmpf oge, %dot_general3A_1812, %ge3A_1817 : vector<256x1024xf32>
    %jit3A_1819 = arith.constant 256 : i32
    %broadcast_in_dim3A_1820 = vector.broadcast %jit3A_1819 : i32 to vector<256x1024xi32>
    %select_n3A_1821 = arith.select %ge3A_1818, %iota3A_1816, %broadcast_in_dim3A_1820 : vector<256x1024xi1>, vector<256x1024xi32>
    %reduce_min3A_1822 = arith.constant dense<2147483647> : vector<1024xi32>
    %reduce_min3A_1823 = vector.multi_reduction <minsi>, %select_n3A_1821, %reduce_min3A_1822 [0] : vector<256x1024xi32> to vector<1024xi32>
    %broadcast_in_dim3A_1824 = vector.shape_cast %reduce_min3A_1823 : vector<1024xi32> to vector<1x1024xi32>
    %concatenate3A_1825 = tpu.concatenate %broadcast_in_dim3A_19, %broadcast_in_dim3A_38, %broadcast_in_dim3A_57, %broadcast_in_dim3A_76, %broadcast_in_dim3A_95, %broadcast_in_dim3A_114, %broadcast_in_dim3A_133, %broadcast_in_dim3A_152, %broadcast_in_dim3A_171, %broadcast_in_dim3A_190, %broadcast_in_dim3A_209, %broadcast_in_dim3A_228, %broadcast_in_dim3A_247, %broadcast_in_dim3A_266, %broadcast_in_dim3A_285, %broadcast_in_dim3A_304, %broadcast_in_dim3A_323, %broadcast_in_dim3A_342, %broadcast_in_dim3A_361, %broadcast_in_dim3A_380, %broadcast_in_dim3A_399, %broadcast_in_dim3A_418, %broadcast_in_dim3A_437, %broadcast_in_dim3A_456, %broadcast_in_dim3A_475, %broadcast_in_dim3A_494, %broadcast_in_dim3A_513, %broadcast_in_dim3A_532, %broadcast_in_dim3A_551, %broadcast_in_dim3A_570, %broadcast_in_dim3A_589, %broadcast_in_dim3A_608, %broadcast_in_dim3A_627, %broadcast_in_dim3A_646, %broadcast_in_dim3A_665, %broadcast_in_dim3A_684, %broadcast_in_dim3A_703, %broadcast_in_dim3A_722, %broadcast_in_dim3A_741, %broadcast_in_dim3A_760, %broadcast_in_dim3A_779, %broadcast_in_dim3A_798, %broadcast_in_dim3A_817, %broadcast_in_dim3A_836, %broadcast_in_dim3A_855, %broadcast_in_dim3A_874, %broadcast_in_dim3A_893, %broadcast_in_dim3A_912, %broadcast_in_dim3A_931, %broadcast_in_dim3A_950, %broadcast_in_dim3A_969, %broadcast_in_dim3A_988, %broadcast_in_dim3A_1007, %broadcast_in_dim3A_1026, %broadcast_in_dim3A_1045, %broadcast_in_dim3A_1064, %broadcast_in_dim3A_1083, %broadcast_in_dim3A_1102, %broadcast_in_dim3A_1121, %broadcast_in_dim3A_1140, %broadcast_in_dim3A_1159, %broadcast_in_dim3A_1178, %broadcast_in_dim3A_1197, %broadcast_in_dim3A_1216, %broadcast_in_dim3A_1235, %broadcast_in_dim3A_1254, %broadcast_in_dim3A_1273, %broadcast_in_dim3A_1292, %broadcast_in_dim3A_1311, %broadcast_in_dim3A_1330, %broadcast_in_dim3A_1349, %broadcast_in_dim3A_1368, %broadcast_in_dim3A_1387, %broadcast_in_dim3A_1406, %broadcast_in_dim3A_1425, %broadcast_in_dim3A_1444, %broadcast_in_dim3A_1463, %broadcast_in_dim3A_1482, %broadcast_in_dim3A_1501, %broadcast_in_dim3A_1520, %broadcast_in_dim3A_1539, %broadcast_in_dim3A_1558, %broadcast_in_dim3A_1577, %broadcast_in_dim3A_1596, %broadcast_in_dim3A_1615, %broadcast_in_dim3A_1634, %broadcast_in_dim3A_1653, %broadcast_in_dim3A_1672, %broadcast_in_dim3A_1691, %broadcast_in_dim3A_1710, %broadcast_in_dim3A_1729, %broadcast_in_dim3A_1748, %broadcast_in_dim3A_1767, %broadcast_in_dim3A_1786, %broadcast_in_dim3A_1805, %broadcast_in_dim3A_1824 in 0 : vector<1x1024xi32>, vector<1x1024xi32>, vector<1x1024xi32>, vector<1x1024xi32>, vector<1x1024xi32>, vector<1x1024xi32>, vector<1x1024xi32>, vector<1x1024xi32>, vector<1x1024xi32>, vector<1x1024xi32>, vector<1x1024xi32>, vector<1x1024xi32>, vector<1x1024xi32>, vector<1x1024xi32>, vector<1x1024xi32>, vector<1x1024xi32>, vector<1x1024xi32>, vector<1x1024xi32>, vector<1x1024xi32>, vector<1x1024xi32>, vector<1x1024xi32>, vector<1x1024xi32>, vector<1x1024xi32>, vector<1x1024xi32>, vector<1x1024xi32>, vector<1x1024xi32>, vector<1x1024xi32>, vector<1x1024xi32>, vector<1x1024xi32>, vector<1x1024xi32>, vector<1x1024xi32>, vector<1x1024xi32>, vector<1x1024xi32>, vector<1x1024xi32>, vector<1x1024xi32>, vector<1x1024xi32>, vector<1x1024xi32>, vector<1x1024xi32>, vector<1x1024xi32>, vector<1x1024xi32>, vector<1x1024xi32>, vector<1x1024xi32>, vector<1x1024xi32>, vector<1x1024xi32>, vector<1x1024xi32>, vector<1x1024xi32>, vector<1x1024xi32>, vector<1x1024xi32>, vector<1x1024xi32>, vector<1x1024xi32>, vector<1x1024xi32>, vector<1x1024xi32>, vector<1x1024xi32>, vector<1x1024xi32>, vector<1x1024xi32>, vector<1x1024xi32>, vector<1x1024xi32>, vector<1x1024xi32>, vector<1x1024xi32>, vector<1x1024xi32>, vector<1x1024xi32>, vector<1x1024xi32>, vector<1x1024xi32>, vector<1x1024xi32>, vector<1x1024xi32>, vector<1x1024xi32>, vector<1x1024xi32>, vector<1x1024xi32>, vector<1x1024xi32>, vector<1x1024xi32>, vector<1x1024xi32>, vector<1x1024xi32>, vector<1x1024xi32>, vector<1x1024xi32>, vector<1x1024xi32>, vector<1x1024xi32>, vector<1x1024xi32>, vector<1x1024xi32>, vector<1x1024xi32>, vector<1x1024xi32>, vector<1x1024xi32>, vector<1x1024xi32>, vector<1x1024xi32>, vector<1x1024xi32>, vector<1x1024xi32>, vector<1x1024xi32>, vector<1x1024xi32>, vector<1x1024xi32>, vector<1x1024xi32>, vector<1x1024xi32>, vector<1x1024xi32>, vector<1x1024xi32>, vector<1x1024xi32>, vector<1x1024xi32>, vector<1x1024xi32>, vector<1x1024xi32> -> vector<96x1024xi32>
    %broadcast_in_dim3A_1826 = vector.shape_cast %concatenate3A_1825 : vector<96x1024xi32> to vector<1x96x1024xi32>
    %swap3A_1827 = arith.constant 0 : index
    %swap3A_1828 = arith.constant 0 : index
    %swap3A_1829 = arith.constant 0 : index
    %swap3A_1830 = vector.load %arg5[%swap3A_1827, %swap3A_1828, %swap3A_1829] : memref<1x96x1024xi32, #tpu.memory_space<vmem>>, vector<1x96x1024xi32>
    tpu.vector_store %arg5[%swap3A_1827, %swap3A_1828, %swap3A_1829], %broadcast_in_dim3A_1826 {strides = array<i32>} : memref<1x96x1024xi32, #tpu.memory_space<vmem>>, vector<1x96x1024xi32>,
    return
  }
  func.func @transform_0(%arg0: i32) -> (i32, i32) {
    %c0_i32 = arith.constant 0 : i32
    %c0_i32_0 = arith.constant 0 : i32
    %c0_i32_1 = arith.constant 0 : i32
    return %c0_i32, %c0_i32_0 : i32, i32
  }
  func.func @transform_1(%arg0: i32) -> (i32, i32) {
    %c0_i32 = arith.constant 0 : i32
    %c0_i32_0 = arith.constant 0 : i32
    return %arg0, %c0_i32 : i32, i32
  }
  func.func @transform_2(%arg0: i32) -> (i32, i32) {
    %c0_i32 = arith.constant 0 : i32
    %c0_i32_0 = arith.constant 0 : i32
    %c0_i32_1 = arith.constant 0 : i32
    return %c0_i32, %c0_i32_0 : i32, i32
  }
  func.func @transform_3(%arg0: i32) -> (i32, i32) {
    %c0_i32 = arith.constant 0 : i32
    %c0_i32_0 = arith.constant 0 : i32
    return %c0_i32, %arg0 : i32, i32
  }
  func.func @transform_4(%arg0: i32) -> (i32, i32, i32) {
    %c0_i32 = arith.constant 0 : i32
    %c0_i32_0 = arith.constant 0 : i32
    %c0_i32_1 = arith.constant 0 : i32
    return %arg0, %c0_i32, %c0_i32_0 : i32, i32, i32
  }
}

module attributes {stable_mosaic.version = 14 : i64} {
  func.func @_loss_body(%arg0: i32, %arg1: memref<256x768xf32, #tpu.memory_space<vmem>>, %arg2: memref<768x768xbf16, #tpu.memory_space<vmem>>, %arg3: memref<2048x768xbf16, #tpu.memory_space<vmem>>, %arg4: memref<768x2048xbf16, #tpu.memory_space<vmem>>, %arg5: memref<2x768x1024xf32, #tpu.memory_space<vmem>>, %arg6: memref<1x1xf32, #tpu.memory_space<smem>>, %arg7: memref<1x1xf32, #tpu.memory_space<smem>>) attributes {dimension_semantics = [#tpu.dimension_semantics<arbitrary>], iteration_bounds = array<i64: 4>, scalar_prefetch = 0 : i64, scratch_operands = 0 : i64, tpu.core_type = #tpu.core_type<tc>, window_params = [{transform_indices = @transform_0, window_bounds = array<i64: 256, 768>}, {pipeline_mode = #tpu.pipeline_mode<synchronous>, transform_indices = @transform_1, window_bounds = array<i64: 768, 768>}, {pipeline_mode = #tpu.pipeline_mode<synchronous>, transform_indices = @transform_2, window_bounds = array<i64: 2048, 768>}, {pipeline_mode = #tpu.pipeline_mode<synchronous>, transform_indices = @transform_3, window_bounds = array<i64: 768, 2048>}, {pipeline_mode = #tpu.pipeline_mode<synchronous>, transform_indices = @transform_4, window_bounds = array<i64: 2, 768, 1024>}, {transform_indices = @transform_5, window_bounds = array<i64: 1, 1>}, {transform_indices = @transform_6, window_bounds = array<i64: 1, 1>}]} {
    %eq3A = arith.constant 0 : i32
    %eq3A_0 = arith.cmpi eq, %arg0, %eq3A : i32
    %convert_element_type3A = arith.extui %eq3A_0 : i1 to i32
    %cond3A = arith.constant 0 : i32
    %cond3A_1 = arith.cmpi ne, %convert_element_type3A, %cond3A : i32
    scf.if %cond3A_1 {
      %swap3A_103 = arith.constant 0.000000e+00 : f32
      %swap3A_104 = arith.constant 0 : index
      %swap3A_105 = arith.constant 0 : index
      %swap3A_106 = memref.load %arg6[%swap3A_104, %swap3A_105] : memref<1x1xf32, #tpu.memory_space<smem>>
      memref.store %swap3A_103, %arg6[%swap3A_104, %swap3A_105] : memref<1x1xf32, #tpu.memory_space<smem>>
      %swap3A_107 = arith.constant 0.000000e+00 : f32
      %swap3A_108 = arith.constant 0 : index
      %swap3A_109 = arith.constant 0 : index
      %swap3A_110 = memref.load %arg7[%swap3A_108, %swap3A_109] : memref<1x1xf32, #tpu.memory_space<smem>>
      memref.store %swap3A_107, %arg7[%swap3A_108, %swap3A_109] : memref<1x1xf32, #tpu.memory_space<smem>>
    } else {
    }
    %get3A = arith.constant 0 : index
    %get3A_2 = arith.constant 0 : index
    %get3A_3 = vector.load %arg1[%get3A, %get3A_2] : memref<256x768xf32, #tpu.memory_space<vmem>>, vector<256x768xf32>
    %convert_element_type3A_4 = arith.truncf %get3A_3 : vector<256x768xf32> to vector<256x768xbf16>
    %get3A_5 = arith.constant 0 : index
    %get3A_6 = arith.constant 0 : index
    %get3A_7 = vector.load %arg2[%get3A_5, %get3A_6] : memref<768x768xbf16, #tpu.memory_space<vmem>>, vector<768x768xbf16>
    %dot_general3A = arith.constant dense<0.000000e+00> : vector<256x768xf32>
    %dot_general3A_8 = tpu.matmul %convert_element_type3A_4, %get3A_7, %dot_general3A {dimension_numbers = #tpu.dot_dimension_numbers<[1], [1], [0], [0], [0, 0, 1, 0], [], []>, transpose_lhs_hint = false} : vector<256x768xbf16>, vector<768x768xbf16>, vector<256x768xf32> -> vector<256x768xf32>
    %convert_element_type3A_9 = arith.truncf %dot_general3A_8 : vector<256x768xf32> to vector<256x768xbf16>
    %get3A_10 = arith.constant 0 : index
    %get3A_11 = arith.constant 0 : index
    %get3A_12 = vector.load %arg3[%get3A_10, %get3A_11] : memref<2048x768xbf16, #tpu.memory_space<vmem>>, vector<2048x768xbf16>
    %dot_general3A_13 = arith.constant dense<0.000000e+00> : vector<256x2048xf32>
    %dot_general3A_14 = tpu.matmul %convert_element_type3A_4, %get3A_12, %dot_general3A_13 {dimension_numbers = #tpu.dot_dimension_numbers<[1], [1], [0], [0], [0, 0, 1, 0], [], []>, transpose_lhs_hint = false} : vector<256x768xbf16>, vector<2048x768xbf16>, vector<256x2048xf32> -> vector<256x2048xf32>
    %reduce_max3A = arith.constant dense<0xFF800000> : vector<256xf32>
    %reduce_max3A_15 = vector.multi_reduction <maximumf>, %dot_general3A_14, %reduce_max3A [1] : vector<256x2048xf32> to vector<256xf32>
    %broadcast_in_dim3A = vector.shape_cast %reduce_max3A_15 : vector<256xf32> to vector<256x1xf32>
    %sub3A = vector.broadcast %broadcast_in_dim3A : vector<256x1xf32> to vector<256x2048xf32>
    %sub3A_16 = arith.subf %dot_general3A_14, %sub3A : vector<256x2048xf32>
    %exp3A = math.exp %sub3A_16 : vector<256x2048xf32>
    %reduce_sum3A = arith.constant dense<0.000000e+00> : vector<256xf32>
    %reduce_sum3A_17 = vector.multi_reduction <add>, %exp3A, %reduce_sum3A [1] : vector<256x2048xf32> to vector<256xf32>
    %broadcast_in_dim3A_18 = vector.shape_cast %reduce_sum3A_17 : vector<256xf32> to vector<256x1xf32>
    %div3A = vector.broadcast %broadcast_in_dim3A_18 : vector<256x1xf32> to vector<256x2048xf32>
    %div3A_19 = arith.divf %exp3A, %div3A : vector<256x2048xf32>
    %get3A_20 = arith.constant 0 : index
    %get3A_21 = arith.constant 0 : index
    %get3A_22 = vector.load %arg4[%get3A_20, %get3A_21] : memref<768x2048xbf16, #tpu.memory_space<vmem>>, vector<768x2048xbf16>
    %dot_general3A_23 = arith.constant dense<0.000000e+00> : vector<256x2048xf32>
    %dot_general3A_24 = tpu.matmul %convert_element_type3A_9, %get3A_22, %dot_general3A_23 {dimension_numbers = #tpu.dot_dimension_numbers<[1], [0], [0], [1], [0, 0, 1, 1], [], []>, transpose_lhs_hint = false} : vector<256x768xbf16>, vector<768x2048xbf16>, vector<256x2048xf32> -> vector<256x2048xf32>
    %get3A_25 = arith.constant 0 : index
    %get3A_26 = arith.constant 0 : index
    %get3A_27 = arith.constant 0 : index
    %get3A_28 = vector.load %arg5[%get3A_25, %get3A_26, %get3A_27] : memref<2x768x1024xf32, #tpu.memory_space<vmem>>, vector<1x768x1024xf32>
    %get3A_29 = vector.shape_cast %get3A_28 : vector<1x768x1024xf32> to vector<768x1024xf32>
    %convert_element_type3A_30 = arith.truncf %get3A_29 : vector<768x1024xf32> to vector<768x1024xbf16>
    %get3A_31 = arith.constant 1 : index
    %get3A_32 = arith.constant 0 : index
    %get3A_33 = arith.constant 0 : index
    %get3A_34 = vector.load %arg5[%get3A_31, %get3A_32, %get3A_33] : memref<2x768x1024xf32, #tpu.memory_space<vmem>>, vector<1x768x1024xf32>
    %get3A_35 = vector.shape_cast %get3A_34 : vector<1x768x1024xf32> to vector<768x1024xf32>
    %convert_element_type3A_36 = arith.truncf %get3A_35 : vector<768x1024xf32> to vector<768x1024xbf16>
    %dot_general3A_37 = arith.constant dense<0.000000e+00> : vector<256x1024xf32>
    %dot_general3A_38 = tpu.matmul %convert_element_type3A_9, %convert_element_type3A_30, %dot_general3A_37 {dimension_numbers = #tpu.dot_dimension_numbers<[1], [0], [0], [1], [0, 0, 1, 1], [], []>, transpose_lhs_hint = false} : vector<256x768xbf16>, vector<768x1024xbf16>, vector<256x1024xf32> -> vector<256x1024xf32>
    %dot_general3A_39 = arith.constant dense<0.000000e+00> : vector<256x1024xf32>
    %dot_general3A_40 = tpu.matmul %convert_element_type3A_9, %convert_element_type3A_36, %dot_general3A_39 {dimension_numbers = #tpu.dot_dimension_numbers<[1], [0], [0], [1], [0, 0, 1, 1], [], []>, transpose_lhs_hint = false} : vector<256x768xbf16>, vector<768x1024xbf16>, vector<256x1024xf32> -> vector<256x1024xf32>
    %concatenate3A = tpu.concatenate %dot_general3A_38, %dot_general3A_40 in 1 : vector<256x1024xf32>, vector<256x1024xf32> -> vector<256x2048xf32>
    %get3A_41 = arith.constant 0 : index
    %get3A_42 = arith.constant 0 : index
    %get3A_43 = memref.load %arg6[%get3A_41, %get3A_42] : memref<1x1xf32, #tpu.memory_space<smem>>
    %reduce_max3A_44 = arith.constant dense<0xFF800000> : vector<256xf32>
    %reduce_max3A_45 = vector.multi_reduction <maximumf>, %dot_general3A_24, %reduce_max3A_44 [1] : vector<256x2048xf32> to vector<256xf32>
    %broadcast_in_dim3A_46 = vector.shape_cast %reduce_max3A_45 : vector<256xf32> to vector<256x1xf32>
    %sub3A_47 = vector.broadcast %broadcast_in_dim3A_46 : vector<256x1xf32> to vector<256x2048xf32>
    %sub3A_48 = arith.subf %dot_general3A_24, %sub3A_47 : vector<256x2048xf32>
    %exp3A_49 = math.exp %sub3A_48 : vector<256x2048xf32>
    %reduce_sum3A_50 = arith.constant dense<0.000000e+00> : vector<256xf32>
    %reduce_sum3A_51 = vector.multi_reduction <add>, %exp3A_49, %reduce_sum3A_50 [1] : vector<256x2048xf32> to vector<256xf32>
    %broadcast_in_dim3A_52 = vector.shape_cast %reduce_sum3A_51 : vector<256xf32> to vector<256x1xf32>
    %div3A_53 = vector.broadcast %broadcast_in_dim3A_52 : vector<256x1xf32> to vector<256x2048xf32>
    %div3A_54 = arith.divf %exp3A_49, %div3A_53 : vector<256x2048xf32>
    %add3A = arith.constant 9.99999997E-7 : f32
    %add3A_55 = vector.broadcast %add3A : f32 to vector<256x2048xf32>
    %add3A_56 = arith.addf %div3A_54, %add3A_55 : vector<256x2048xf32>
    %log3A = math.log %add3A_56 : vector<256x2048xf32>
    %neg3A = arith.constant 0.000000e+00 : f32
    %neg3A_57 = vector.broadcast %neg3A : f32 to vector<256x2048xf32>
    %neg3A_58 = arith.subf %neg3A_57, %log3A : vector<256x2048xf32>
    %mul3A = arith.mulf %div3A_19, %neg3A_58 : vector<256x2048xf32>
    %reduce_sum3A_59 = vector.shape_cast %mul3A : vector<256x2048xf32> to vector<1x256x2048xf32>
    %reduce_sum3A_60 = arith.constant dense<0.000000e+00> : vector<1xf32>
    %reduce_sum3A_61 = vector.multi_reduction <add>, %reduce_sum3A_59, %reduce_sum3A_60 [1, 2] : vector<1x256x2048xf32> to vector<1xf32>
    %reduce_sum3A_62 = vector.shape_cast %reduce_sum3A_61 : vector<1xf32> to vector<1x1x1xf32>
    %reduce_sum3A_63 = vector.extract %reduce_sum3A_62[0, 0, 0] : f32 from vector<1x1x1xf32>
    %add3A_64 = arith.addf %get3A_43, %reduce_sum3A_63 : f32
    %swap3A = arith.constant 0 : index
    %swap3A_65 = arith.constant 0 : index
    %swap3A_66 = memref.load %arg6[%swap3A, %swap3A_65] : memref<1x1xf32, #tpu.memory_space<smem>>
    memref.store %add3A_64, %arg6[%swap3A, %swap3A_65] : memref<1x1xf32, #tpu.memory_space<smem>>
    %get3A_67 = arith.constant 0 : index
    %get3A_68 = arith.constant 0 : index
    %get3A_69 = memref.load %arg7[%get3A_67, %get3A_68] : memref<1x1xf32, #tpu.memory_space<smem>>
    %reduce_max3A_70 = arith.constant dense<0xFF800000> : vector<256xf32>
    %reduce_max3A_71 = vector.multi_reduction <maximumf>, %concatenate3A, %reduce_max3A_70 [1] : vector<256x2048xf32> to vector<256xf32>
    %broadcast_in_dim3A_72 = vector.shape_cast %reduce_max3A_71 : vector<256xf32> to vector<256x1xf32>
    %sub3A_73 = vector.broadcast %broadcast_in_dim3A_72 : vector<256x1xf32> to vector<256x2048xf32>
    %sub3A_74 = arith.subf %concatenate3A, %sub3A_73 : vector<256x2048xf32>
    %exp3A_75 = math.exp %sub3A_74 : vector<256x2048xf32>
    %reduce_sum3A_76 = arith.constant dense<0.000000e+00> : vector<256xf32>
    %reduce_sum3A_77 = vector.multi_reduction <add>, %exp3A_75, %reduce_sum3A_76 [1] : vector<256x2048xf32> to vector<256xf32>
    %broadcast_in_dim3A_78 = vector.shape_cast %reduce_sum3A_77 : vector<256xf32> to vector<256x1xf32>
    %div3A_79 = vector.broadcast %broadcast_in_dim3A_78 : vector<256x1xf32> to vector<256x2048xf32>
    %div3A_80 = arith.divf %exp3A_75, %div3A_79 : vector<256x2048xf32>
    %add3A_81 = arith.constant 9.99999997E-7 : f32
    %add3A_82 = vector.broadcast %add3A_81 : f32 to vector<256x2048xf32>
    %add3A_83 = arith.addf %div3A_80, %add3A_82 : vector<256x2048xf32>
    %log3A_84 = math.log %add3A_83 : vector<256x2048xf32>
    %neg3A_85 = arith.constant 0.000000e+00 : f32
    %neg3A_86 = vector.broadcast %neg3A_85 : f32 to vector<256x2048xf32>
    %neg3A_87 = arith.subf %neg3A_86, %log3A_84 : vector<256x2048xf32>
    %mul3A_88 = arith.mulf %div3A_19, %neg3A_87 : vector<256x2048xf32>
    %reduce_sum3A_89 = vector.shape_cast %mul3A_88 : vector<256x2048xf32> to vector<1x256x2048xf32>
    %reduce_sum3A_90 = arith.constant dense<0.000000e+00> : vector<1xf32>
    %reduce_sum3A_91 = vector.multi_reduction <add>, %reduce_sum3A_89, %reduce_sum3A_90 [1, 2] : vector<1x256x2048xf32> to vector<1xf32>
    %reduce_sum3A_92 = vector.shape_cast %reduce_sum3A_91 : vector<1xf32> to vector<1x1x1xf32>
    %reduce_sum3A_93 = vector.extract %reduce_sum3A_92[0, 0, 0] : f32 from vector<1x1x1xf32>
    %add3A_94 = arith.addf %get3A_69, %reduce_sum3A_93 : f32
    %swap3A_95 = arith.constant 0 : index
    %swap3A_96 = arith.constant 0 : index
    %swap3A_97 = memref.load %arg7[%swap3A_95, %swap3A_96] : memref<1x1xf32, #tpu.memory_space<smem>>
    memref.store %add3A_94, %arg7[%swap3A_95, %swap3A_96] : memref<1x1xf32, #tpu.memory_space<smem>>
    %eq3A_98 = arith.constant 3 : i32
    %eq3A_99 = arith.cmpi eq, %arg0, %eq3A_98 : i32
    %convert_element_type3A_100 = arith.extui %eq3A_99 : i1 to i32
    %cond3A_101 = arith.constant 0 : i32
    %cond3A_102 = arith.cmpi ne, %convert_element_type3A_100, %cond3A_101 : i32
    scf.if %cond3A_102 {
      %get3A_103 = arith.constant 0 : index
      %get3A_104 = arith.constant 0 : index
      %get3A_105 = memref.load %arg6[%get3A_103, %get3A_104] : memref<1x1xf32, #tpu.memory_space<smem>>
      %mul3A_106 = arith.constant 9.765625E-4 : f32
      %mul3A_107 = arith.mulf %get3A_105, %mul3A_106 : f32
      %swap3A_108 = arith.constant 0 : index
      %swap3A_109 = arith.constant 0 : index
      %swap3A_110 = memref.load %arg6[%swap3A_108, %swap3A_109] : memref<1x1xf32, #tpu.memory_space<smem>>
      memref.store %mul3A_107, %arg6[%swap3A_108, %swap3A_109] : memref<1x1xf32, #tpu.memory_space<smem>>
      %get3A_111 = arith.constant 0 : index
      %get3A_112 = arith.constant 0 : index
      %get3A_113 = memref.load %arg7[%get3A_111, %get3A_112] : memref<1x1xf32, #tpu.memory_space<smem>>
      %mul3A_114 = arith.constant 9.765625E-4 : f32
      %mul3A_115 = arith.mulf %get3A_113, %mul3A_114 : f32
      %swap3A_116 = arith.constant 0 : index
      %swap3A_117 = arith.constant 0 : index
      %swap3A_118 = memref.load %arg7[%swap3A_116, %swap3A_117] : memref<1x1xf32, #tpu.memory_space<smem>>
      memref.store %mul3A_115, %arg7[%swap3A_116, %swap3A_117] : memref<1x1xf32, #tpu.memory_space<smem>>
    } else {
    }
    return
  }
  func.func @transform_0(%arg0: i32) -> (i32, i32) {
    %c0_i32 = arith.constant 0 : i32
    %c0_i32_0 = arith.constant 0 : i32
    return %arg0, %c0_i32 : i32, i32
  }
  func.func @transform_1(%arg0: i32) -> (i32, i32) {
    %c0_i32 = arith.constant 0 : i32
    %c0_i32_0 = arith.constant 0 : i32
    %c0_i32_1 = arith.constant 0 : i32
    return %c0_i32, %c0_i32_0 : i32, i32
  }
  func.func @transform_2(%arg0: i32) -> (i32, i32) {
    %c0_i32 = arith.constant 0 : i32
    %c0_i32_0 = arith.constant 0 : i32
    %c0_i32_1 = arith.constant 0 : i32
    return %c0_i32, %c0_i32_0 : i32, i32
  }
  func.func @transform_3(%arg0: i32) -> (i32, i32) {
    %c0_i32 = arith.constant 0 : i32
    %c0_i32_0 = arith.constant 0 : i32
    %c0_i32_1 = arith.constant 0 : i32
    return %c0_i32, %c0_i32_0 : i32, i32
  }
  func.func @transform_4(%arg0: i32) -> (i32, i32, i32) {
    %c0_i32 = arith.constant 0 : i32
    %c0_i32_0 = arith.constant 0 : i32
    %c0_i32_1 = arith.constant 0 : i32
    %c0_i32_2 = arith.constant 0 : i32
    return %c0_i32, %c0_i32_0, %c0_i32_1 : i32, i32, i32
  }
  func.func @transform_5(%arg0: i32) -> (i32, i32) {
    %c0_i32 = arith.constant 0 : i32
    %c0_i32_0 = arith.constant 0 : i32
    %c0_i32_1 = arith.constant 0 : i32
    return %c0_i32, %c0_i32_0 : i32, i32
  }
  func.func @transform_6(%arg0: i32) -> (i32, i32) {
    %c0_i32 = arith.constant 0 : i32
    %c0_i32_0 = arith.constant 0 : i32
    %c0_i32_1 = arith.constant 0 : i32
    return %c0_i32, %c0_i32_0 : i32, i32
  }
}

</mosaic_0001>

<sc_bundles>
// kernel: kernel.5.cloned.1.call-start
scs
__scs_entry_jumppad:
0x0: {  	(pc) =	sbr.rel $0x88, $3  }
0x1: {  	(tag) =	ssettag $0x0;
	lr =	simm.s32 $0x1  }
0x2: {  	[smem:$0x3F9C] =	sst lr;
	_ =	strace $0xD0000000  }
0x3: {  	_ = 	snop  }
0x4: {  	_ = 	snop  }
0x5: {  	_ = 	snop  }
0x6: {  	_ = 	snop  }
0x7: {  	_ = 	snop  }
__scs_overlays_trampoline_lowered:
0x8: {  	[smem:$0x3FAB] =	sst s0  }
0x9: {  	[smem:$0x3FAC] =	sst s1  }
0xa: {  	[smem:$0x3FAD] =	sst s2  }
0xb: {  	[smem:$0x3FAE] =	sst s3  }
0xc: {  	[smem:$0x3FAF] =	sst s4  }
0xd: {  	[smem:$0x3FB0] =	sst s5  }
0xe: {  	[smem:$0x3FB1] =	sst s6  }
0xf: {  	[smem:$0x3FB2] =	sst s7  }
0x10: {  	[smem:$0x3FB3] =	sst s8  }
0x11: {  	[smem:$0x3FB4] =	sst s9;
	s0 =	simm.s32 @!p0 $0x0  }
0x12: {  	s1 =	sld [smem:$0x3F9A];
	s0 =	simm.s32 @p0 $0x1  }
0x13: {  	[smem:$0x3FB5] =	sst s0;
	s0 =	simm.s32 @!p1 $0x0  }
0x14: {  	s2 =	sld [smem:$0x3F99];
	s0 =	simm.s32 @p1 $0x1  }
0x15: {  	[smem:$0x3FB6] =	sst s0;
	s0 =	simm.s32 @!p2 $0x0  }
0x16: {  	s3 =	sld [smem:$0x3FDB];
	s0 =	simm.s32 @p2 $0x1  }
0x17: {  	s4 =	simm.s32 $0x1BF5;
	[smem:$0x3FB8] =	sst s0  }
0x18: {  	s0 =	sld [smem:$0x3F9B];
	_ =	swait.ge [sflag:s4], $0x0  }
0x19: {  	s7 =	sld [smem:$0x3F9C]  }
0x1a: {  	s8 =	sadd.s32 $0xFFFFE003, lr  }
0x1b: {  	s9 =	sadd.s32 $0xFFFFFEF7, lr;
	s5 =	simm.s32 $0xFFFFFFFF;
	p2 =	slt.u32 s8, $0xFFFFF086  }
0x1c: {  	p1 =	slt.u32 s9, $0xF7A;
	s5 =	simm.s32 @!p2 $0x0  }
0x1d: {  	s5 =	simm.s32 @p1 $0x1;
	p0 =	seq.s32 s7, s2  }
0x1e: {  	s7 =	smul.u32 @!p0 $0xF7A, s2;
	p2 =	seq.s32 @!p0 s5, $0x0  }
0x1f: {  	s9 =	smul.u32 $0xF7A, s1;
	s8 =	simm.s32 @!p0 $0x1BF5;
	p2 =	por !p2, p0  }
0x20: {  	[sflag:s8] =	ssyncset.s32 @!p0 $0xFFFFF086;
	s6 =	sadd.s32 @!p0 s3, s7;
	s7 =	simm.s32 @!p0 $0x108  }
0x21: {  	s3 =	sadd.s32 s3, s9;
	s6 =	sadd.s32 @!p0 $0x88, s6;
	s7 =	simm.s32 @p2 $0x1082  }
0x22: {  	[simem:s7], [sflag:s8] =	dma.local @!p0 [hbm:s6], $0xF7A  }
0x23: {  	s9 =	sor.u32 $0xD0000000, s2;
	s6 =	simm.s32 $0x108;
	_ =	swait.ge @!p0 [sflag:s8], $0x0  }
0x24: {  	s3 =	sadd.s32 $0x88, s3;
	s6 =	simm.s32 @!p1 $0x1082;
	[sflag:s4] =	ssyncset.s32 $0xFFFFF086  }
0x25: {  	[simem:s6], [sflag:s4] =	dma.local [hbm:s3], $0xF7A  }
0x26: {  	[smem:$0x3F9C] =	sst s1;
	(tag) =	ssettag s2;
	_ =	strace s9  }
0x27: {  	s1 =	sld [smem:$0x3FAC]  }
0x28: {  	s2 =	sld [smem:$0x3FAD]  }
0x29: {  	s4 =	sld [smem:$0x3FAF]  }
0x2a: {  	p0 =	seq.s32 s5, $0x0;
	s5 =	sld [smem:$0x3FB0]  }
0x2b: {  	s6 =	sld [smem:$0x3FB1]  }
0x2c: {  	s7 =	sld [smem:$0x3FB2]  }
0x2d: {  	s3 =	simm.s32 $0x108;
	s8 =	sld [smem:$0x3FB3]  }
0x2e: {  	s3 =	simm.s32 @!p0 $0x1082;
	s9 =	sld [smem:$0x3FB4]  }
0x2f: {  	lr =	sadd.s32 s0, s3;
	s0 =	sld [smem:$0x3FAB]  }
0x30: {  	s3 =	sld [smem:$0x3FAE]  }
0x31: {  	[smem:$0x3FB7] =	sst s10  }
0x32: {  	s10 =	sld [smem:$0x3FB5];
	_ =	sdelay $0x3  }
0x33: {  	p0 =	seq.s32 s10, $0x1;
	s10 =	sld [smem:$0x3FB7];
	_ =	sdelay $0x3  }
0x34: {  	[smem:$0x3FB7] =	sst s10  }
0x35: {  	s10 =	sld [smem:$0x3FB6];
	_ =	sdelay $0x3  }
0x36: {  	p1 =	seq.s32 s10, $0x1;
	s10 =	sld [smem:$0x3FB7];
	_ =	sdelay $0x3  }
0x37: {  	[smem:$0x3FB7] =	sst s10  }
0x38: {  	s10 =	sld [smem:$0x3FB8]  }
0x39: {  	_ = 	snop;
	(pc) =	sbr.ind lr, $3  }
0x3a: {  	_ = 	snop  }
0x3b: {  	_ = 	snop  }
0x3c: {  	p2 =	seq.s32 s10, $0x1;
	s10 =	sld [smem:$0x3FB7]  }
0x3d: {  	_ =	shalt  }
0x3e: {  	_ =	shalt  }
0x3f: {  	_ =	shalt  }
0x40: {  	_ =	shalt  }
0x41: {  	_ =	shalt  }
0x42: {  	_ =	shalt  }
0x43: {  	_ =	shalt  }
0x44: {  	_ =	shalt  }
0x45: {  	_ =	shalt  }
0x46: {  	_ =	shalt  }
0x47: {  	_ =	shalt  }
0x48: {  	_ =	shalt  }
0x49: {  	_ =	shalt  }
0x4a: {  	_ =	shalt  }
0x4b: {  	_ =	shalt  }
0x4c: {  	_ =	shalt  }
0x4d: {  	_ =	shalt  }
0x4e: {  	_ =	shalt  }
0x4f: {  	_ =	shalt  }
0x50: {  	_ =	shalt  }
0x51: {  	_ =	shalt  }
0x52: {  	_ =	shalt  }
0x53: {  	_ =	shalt  }
0x54: {  	_ =	shalt  }
0x55: {  	_ =	shalt  }
0x56: {  	_ =	shalt  }
0x57: {  	_ =	shalt  }
0x58: {  	_ =	shalt  }
0x59: {  	_ =	shalt  }
0x5a: {  	_ =	shalt  }
0x5b: {  	_ =	shalt  }
0x5c: {  	_ =	shalt  }
0x5d: {  	_ =	shalt  }
0x5e: {  	_ =	shalt  }
0x5f: {  	_ =	shalt  }
0x60: {  	_ =	shalt  }
0x61: {  	_ =	shalt  }
0x62: {  	_ =	shalt  }
0x63: {  	_ =	shalt  }
0x64: {  	_ =	shalt  }
0x65: {  	_ =	shalt  }
0x66: {  	_ =	shalt  }
0x67: {  	_ =	shalt  }
0x68: {  	_ =	shalt  }
0x69: {  	_ =	shalt  }
0x6a: {  	_ =	shalt  }
0x6b: {  	_ =	shalt  }
0x6c: {  	_ =	shalt  }
0x6d: {  	_ =	shalt  }
0x6e: {  	_ =	shalt  }
0x6f: {  	_ =	shalt  }
0x70: {  	_ =	shalt  }
0x71: {  	_ =	shalt  }
0x72: {  	_ =	shalt  }
0x73: {  	_ =	shalt  }
0x74: {  	_ =	shalt  }
0x75: {  	_ =	shalt  }
0x76: {  	_ =	shalt  }
0x77: {  	_ =	shalt  }
0x78: {  	_ =	shalt  }
0x79: {  	_ =	shalt  }
0x7a: {  	_ =	shalt  }
0x7b: {  	_ =	shalt  }
0x7c: {  	_ =	shalt  }
0x7d: {  	_ =	shalt  }
0x7e: {  	_ =	shalt  }
0x7f: {  	_ =	shalt  }
0x80: {  	_ =	shalt  }
0x81: {  	_ =	shalt  }
0x82: {  	_ =	shalt  }
0x83: {  	_ =	shalt  }
0x84: {  	_ =	shalt  }
0x85: {  	_ =	shalt  }
0x86: {  	_ =	shalt  }
0x87: {  	_ =	shalt  }
.Lfunc_end0:
.L_simem_size_0:
called_computation_lowered:
.L_overlay_start_0:
0x88: {  	s2 =	sld [smem:$0x3FD9]  }
0x89: {  	s3 =	sld [smem:$0x3FFE];
	_ =	sdelay $0x1  }
0x8a: {  	s1 =	srdreg.scid  }
0x8b: {  	s0 =	sand.u32 $0x1, s1  }
0x8c: {  	s16 =	sshll.u32 s0, $0xA;
	s2 =	sadd.s32 s3, s2  }
0x8d: {  	s2 =	sadd.s32 s2, s16  }
0x8e: {  	[smem:$0x3FC3] =	sst s2  }
0x8f: {  	_ = 	snop  }
0x90: {  	(tm) =	ssettm $0x1  }
0x91: {  	s17 =	sld [smem:$0x3FFB];
	_ =	sdelay $0x3  }
0x92: {  	_ =	strace s17  }
0x93: {  	s2 =	sld [smem:$0x3FFC];
	_ =	sdelay $0x3  }
0x94: {  	_ =	strace s2  }
0x95: {  	s2 =	sld [smem:$0x3FFD];
	_ =	sdelay $0x3  }
0x96: {  	_ =	strace s2  }
0x97: {  	_ =	strace $0x8FFFFFFF  }
0x98: {  	s18 =	sld [smem:$0x3FDB];
	_ =	sdelay $0x1  }
0x99: {  	s19 =	simm.s32 $_scs_section_size  }
0x9a: {  	s4 =	simm.s32 $_size__tile_overlayer_lowered;
	s5 =	simm.s32 $_tile_overlayer_lowered  }
0x9b: {  	s22 =	simm.s32 $0x1BFF;
	s21 =	sshll.u32 s5, $0x1;
	s2 =	sadd.s32 s19, s18  }
0x9c: {  	s6 =	simm.s32 $0x0;
	s20 =	sshll.u32 s4, $0x1;
	s4 =	sadd.s32 s21, s2  }
0x9d: {  	[timem:s6], [sflag:s22] =	dma.local [hbm:s4], s20  }
0x9e: {  	_ =	swait.ge [sflag:s22], s20  }
0x9f: {  	s3 =	ssub.s32 $0x0, s20;
	[sflag:s22] =	ssyncset.done $0x0  }
0xa0: {  	[sflag:s22] =	ssyncadd.s32 s3;
	_ =	sdelay $0x1  }
0xa1: {  	s23 =	simm.s32 $0x1B8B  }
0xa2: {  	_ =	swait.ge [sflag:s23], $0x1  }
0xa3: {  	[sflag:s23] =	ssyncset.done $0x0  }
0xa4: {  	s25 =	simm.s32 $0x1B8E;
	s24 =	sld [smem:$0x3FFE];
	[sflag:s23] =	ssyncadd.s32 $0xFFFFFFFF  }
0xa5: {  	s26 =	simm.s32 $execute0_lowered;
	[smem:$0x3FD2] =	sst s25  }
0xa6: {  	s4 =	sshll.u32 s26, $0x1;
	_ =	strace $0x80000046;
	[dreg:$0x1] =	wrdreg $0xFFFFFFFF  }
0xa7: {  	s28 =	simm.s32 $_size_execute0_lowered;
	s2 =	sadd.s32 s2, s4;
	[dreg:$0x0] =	wrdreg $0x0  }
0xa8: {  	s4 =	sshll.u32 s28, $0x1;
	[dreg:$0x2] =	wrdreg s2  }
0xa9: {  	[dreg:$0x3] =	wrdreg s4  }
0xaa: {  	[dreg:$0x4] =	wrdreg $0xC0  }
0xab: {  	_ =	task [dreg:s6], $0x5FFFF  }
0xac: {  	[dreg:$0x1] =	wrdreg $0xFFFFFFFF  }
0xad: {  	[dreg:$0x0] =	wrdreg $0x60  }
0xae: {  	[dreg:$0x2] =	wrdreg s24  }
0xaf: {  	[dreg:$0x3] =	wrdreg $0x9  }
0xb0: {  	_ =	task.clear_ibuf [dreg:s6], $0x4FFFF;
	_ =	strace $0x90000046  }
0xb1: {  	s29 =	simm.s32 $0x9;
	_ =	strace $0x80000048  }
0xb2: {  	_ =	swait.ge [sflag:s29], $0x1  }
0xb3: {  	[sflag:s29] =	ssyncadd.s32 $0xFFFFFFFF  }
0xb4: {  	_ =	strace $0x90000048  }
0xb5: {  	_ =	sfence  }
0xb6: {  	s30 =	sld [smem:$0x0];
	_ =	sdelay $0x2  }
0xb7: {  	s31 =	sshll.u32 s1, $0xD;
	s1 =	sshrl.u32 s1, $0x2  }
0xb8: {  	s3 =	sand.u32 $0x4000, s31;
	s1 =	sadd.s32 s1, s30  }
0xb9: {  	s0 =	sor.u32 s3, s0;
	s1 =	sshll.u32 s1, $0x11  }
0xba: {  	s0 =	sor.u32 s1, s0  }
0xbb: {  	s0 =	sadd.s32 $0x8F2B, s0  }
0xbc: {  	[sflag:s0] =	ssyncadd.remote.s32 $0x1  }
0xbd: {  	_ =	sfence.sel $0xFFFF  }
0xbe: {  	[dreg:$0x0] =	wrdreg $0xFFFFFFFF;
	(pc) =	sbr.abs _section_cstart, $3  }
0xbf: {  	[dreg:$0x1] =	wrdreg $0xFFFFFFFF  }
0xc0: {  	_ =	task.clear_ibuf [dreg:s6], $0x2FFFF;
	_ =	strace $0x9FFFFFFF  }
0xc1: {  	(tm) =	ssettm $0x7FFFFFFF  }
tec
execute0_lowered:
.L_overlay_start_1:
0x0: {  	(tag) =	ssettag $0x1  }
0x1: {  	s3 =	rddreg [dreg:$0x0];
	s1 =	srdreg.scid  }
0x2: {  	s0 =	rddreg [dreg:$0x1];
	s2 =	simm.s32 $0x0;
	s4 =	sand.u32 $0x1, s1  }
0x3: {  	s12 =	simm.s32 $0x3300;
	s1 =	stileid.u32;
	s5 =	sshll.u32 s4, $0x4  }
0x4: {  	s13 =	simm.s32 $0x9300;
	s14 =	simm.s32 $0x0;
	s5 =	sor.u32 s1, s5  }
0x5: {  	[smem:$0x7FF] =	sst s2;
	s7 =	sadd.s32 $0x1000, s3;
	s6 =	smul.u32 $0x360, s5  }
0x6: {  	s11 =	sadd.s32 $0xDC00, s3;
	s4 =	ssub.s32 $0x2, s4;
	s8 =	smul.u32 $0x3, s5  }
0x7: {  	_ =	strace $0x80000047;
	s9 =	sshrl.u32 s4, $0x1;
	s10 =	smul.u32 $0x180, s5  }
0x8: {  	s9 =	ssub.s32 s4, s9;
	s30 =	smul.u32 $0xC00, s5;
	s6 =	sadd.s32 s6, s3  }
0x9: {  	s8 =	sadd.s32 $0x60, s8;
	s3 =	sadd.s32 s7, s10;
	s10 =	simm.s32 $0xC00  }
0xa: {  	s29 =	sshll.u32 s8, $0x7;
	s5 =	sadd.s32 $0x7000, s6;
	s31 =	sshll.u32 s8, $0xA  }
0xb: {  	s6 =	sadd.s32 s11, s30;
	s8 =	smax.u32 s9, $0x1;
	s9 =	simm.s32 $0x1  }
0xc: {  	s4 =	sadd.s32 s7, s29;
	s7 =	sadd.s32 s11, s31;
	s11 =	simm.s32 $0x1800  }
.LBB2_1:
0xd: {  	[tilespmem:s2], [sflag:$0x1] =	stream.linear.gather [hbm4b:s3+s2], $0xC00, $0x38;
	[tilespmem:$0xF300] =	vst v63  }
0xe: {  	_ =	swait.ge [sflag:s9], $0xC00  }
0xf: {  	[sflag:s9] =	ssyncset.done $0x0  }
0x10: {  	[sflag:s9] =	ssyncadd.s32 $0xFFFFF400  }
0x11: {  	[tilespmem:s10], [sflag:$0x1] =	stream.linear.gather [hbm4b:s4+s2], $0xC00, $0x38;
	[tilespmem:$0xF300] =	vst v63  }
0x12: {  	_ =	swait.ge [sflag:s9], $0xC00  }
0x13: {  	[sflag:s9] =	ssyncset.done $0x0  }
0x14: {  	[sflag:s9] =	ssyncadd.s32 $0xFFFFF400  }
0x15: {  	[tilespmem:s11], [sflag:$0x1] =	stream.linear.gather [hbm4b:s5+s2], $0x1B00, $0x38;
	[tilespmem:$0xF300] =	vst v63  }
0x16: {  	_ =	swait.ge [sflag:s9], $0x1B00  }
0x17: {  	s15 =	simm.s32 $0x0;
	[sflag:s9] =	ssyncset.done $0x0  }
0x18: {  	s16 =	simm.s32 $0x0;
	s17 =	simm.s32 $0x0;
	[sflag:s9] =	ssyncadd.s32 $0xFFFFE500  }
.LBB2_2:
0x19: {  	v0 =	vld [tilespmem:s15+$0x0];
	_ =	sdelay $0x4  }
0x1a: {  	v0 =	vmul.u32 $0x9, v0;
	_ =	sdelay $0x5  }
0x1b: {  	v1 =	vld.idx.msk [tilespmem:v0+s11+$0x0], $0xffff  }
0x1c: {  	v2 =	vadd.s32 $0x1, v0;
	_ =	sdelay $0x1  }
0x1d: {  	s18 =	sand.u32 $0x70, s17;
	s19 =	sand.u32 $0x1C00, s16  }
0x1e: {  	s18 =	sor.u32 s18, s19  }
0x1f: {  	[tilespmem:s18+$0x3300] =	vst v1  }
0x20: {  	v1 =	vld.idx.msk [tilespmem:v2+s11+$0x0], $0xffff  }
0x21: {  	v25 =	vadd.s32 $0x2, v0;
	_ =	sdelay $0x3  }
0x22: {  	[tilespmem:s18+$0x3380] =	vst v1  }
0x23: {  	v1 =	vld.idx.msk [tilespmem:v25+s11+$0x0], $0xffff  }
0x24: {  	v26 =	vadd.s32 $0x3, v0;
	_ =	sdelay $0x3  }
0x25: {  	[tilespmem:s18+$0x3400] =	vst v1  }
0x26: {  	v1 =	vld.idx.msk [tilespmem:v26+s11+$0x0], $0xffff  }
0x27: {  	v27 =	vadd.s32 $0x4, v0;
	_ =	sdelay $0x3  }
0x28: {  	[tilespmem:s18+$0x3480] =	vst v1  }
0x29: {  	v1 =	vld.idx.msk [tilespmem:v27+s11+$0x0], $0xffff  }
0x2a: {  	v28 =	vadd.s32 $0x5, v0;
	_ =	sdelay $0x3  }
0x2b: {  	[tilespmem:s18+$0x3500] =	vst v1  }
0x2c: {  	v1 =	vld.idx.msk [tilespmem:v28+s11+$0x0], $0xffff  }
0x2d: {  	v29 =	vadd.s32 $0x6, v0;
	_ =	sdelay $0x3  }
0x2e: {  	[tilespmem:s18+$0x3580] =	vst v1  }
0x2f: {  	v1 =	vld.idx.msk [tilespmem:v29+s11+$0x0], $0xffff  }
0x30: {  	v0 =	vadd.s32 $0x7, v0;
	_ =	sdelay $0x3  }
0x31: {  	[tilespmem:s18+$0x3600] =	vst v1  }
0x32: {  	v0 =	vld.idx.msk [tilespmem:v0+s11+$0x0], $0xffff;
	_ =	sdelay $0x2  }
0x33: {  	s30 =	sor.u32 s16, s17  }
0x34: {  	s19 =	sor.u32 $0x380, s30  }
0x35: {  	s31 =	sand.u32 $0x3F0, s17;
	[tilespmem:s19+$0x3300] =	vst v0  }
0x36: {  	v0 =	vld [tilespmem:s31+$0x400];
	_ =	sdelay $0x4  }
0x37: {  	v0 =	vmul.u32 $0x9, v0;
	_ =	sdelay $0x1  }
0x38: {  	v30 =	vadd.s32 $0x900, v0;
	_ =	sdelay $0x4  }
0x39: {  	v1 =	vld.idx.msk [tilespmem:v30+s11+$0x0], $0xffff  }
0x3a: {  	v31 =	vadd.s32 $0x901, v0;
	_ =	sdelay $0x3  }
0x3b: {  	[tilespmem:s18+$0x5300] =	vst v1  }
0x3c: {  	v1 =	vld.idx.msk [tilespmem:v31+s11+$0x0], $0xffff  }
0x3d: {  	v32 =	vadd.s32 $0x902, v0;
	_ =	sdelay $0x3  }
0x3e: {  	[tilespmem:s18+$0x5380] =	vst v1  }
0x3f: {  	v1 =	vld.idx.msk [tilespmem:v32+s11+$0x0], $0xffff  }
0x40: {  	v33 =	vadd.s32 $0x903, v0;
	_ =	sdelay $0x3  }
0x41: {  	[tilespmem:s18+$0x5400] =	vst v1  }
0x42: {  	v1 =	vld.idx.msk [tilespmem:v33+s11+$0x0], $0xffff  }
0x43: {  	v34 =	vadd.s32 $0x904, v0;
	_ =	sdelay $0x3  }
0x44: {  	[tilespmem:s18+$0x5480] =	vst v1  }
0x45: {  	v1 =	vld.idx.msk [tilespmem:v34+s11+$0x0], $0xffff  }
0x46: {  	v35 =	vadd.s32 $0x905, v0;
	_ =	sdelay $0x3  }
0x47: {  	[tilespmem:s18+$0x5500] =	vst v1  }
0x48: {  	v1 =	vld.idx.msk [tilespmem:v35+s11+$0x0], $0xffff  }
0x49: {  	v36 =	vadd.s32 $0x906, v0;
	_ =	sdelay $0x3  }
0x4a: {  	[tilespmem:s18+$0x5580] =	vst v1  }
0x4b: {  	v1 =	vld.idx.msk [tilespmem:v36+s11+$0x0], $0xffff  }
0x4c: {  	v0 =	vadd.s32 $0x907, v0;
	_ =	sdelay $0x3  }
0x4d: {  	[tilespmem:s18+$0x5600] =	vst v1  }
0x4e: {  	v0 =	vld.idx.msk [tilespmem:v0+s11+$0x0], $0xffff;
	_ =	sdelay $0x4  }
0x4f: {  	[tilespmem:s18+$0x5680] =	vst v0  }
0x50: {  	v0 =	vld [tilespmem:s31+$0x800];
	_ =	sdelay $0x4  }
0x51: {  	v0 =	vmul.u32 $0x9, v0;
	_ =	sdelay $0x1  }
0x52: {  	v37 =	vadd.s32 $0x1200, v0;
	_ =	sdelay $0x4  }
0x53: {  	v1 =	vld.idx.msk [tilespmem:v37+s11+$0x0], $0xffff  }
0x54: {  	v38 =	vadd.s32 $0x1201, v0;
	_ =	sdelay $0x3  }
0x55: {  	[tilespmem:s18+$0x7300] =	vst v1  }
0x56: {  	v1 =	vld.idx.msk [tilespmem:v38+s11+$0x0], $0xffff  }
0x57: {  	v39 =	vadd.s32 $0x1202, v0;
	_ =	sdelay $0x3  }
0x58: {  	[tilespmem:s18+$0x7380] =	vst v1  }
0x59: {  	v1 =	vld.idx.msk [tilespmem:v39+s11+$0x0], $0xffff  }
0x5a: {  	v40 =	vadd.s32 $0x1203, v0;
	_ =	sdelay $0x3  }
0x5b: {  	[tilespmem:s18+$0x7400] =	vst v1  }
0x5c: {  	v1 =	vld.idx.msk [tilespmem:v40+s11+$0x0], $0xffff  }
0x5d: {  	v41 =	vadd.s32 $0x1204, v0;
	_ =	sdelay $0x3  }
0x5e: {  	[tilespmem:s18+$0x7480] =	vst v1  }
0x5f: {  	v1 =	vld.idx.msk [tilespmem:v41+s11+$0x0], $0xffff  }
0x60: {  	v42 =	vadd.s32 $0x1205, v0;
	_ =	sdelay $0x3  }
0x61: {  	[tilespmem:s18+$0x7500] =	vst v1  }
0x62: {  	v1 =	vld.idx.msk [tilespmem:v42+s11+$0x0], $0xffff  }
0x63: {  	v43 =	vadd.s32 $0x1206, v0;
	_ =	sdelay $0x3  }
0x64: {  	[tilespmem:s18+$0x7580] =	vst v1  }
0x65: {  	v1 =	vld.idx.msk [tilespmem:v43+s11+$0x0], $0xffff  }
0x66: {  	v0 =	vadd.s32 $0x1207, v0;
	_ =	sdelay $0x3  }
0x67: {  	[tilespmem:s18+$0x7600] =	vst v1  }
0x68: {  	v0 =	vld.idx.msk [tilespmem:v0+s11+$0x0], $0xffff;
	_ =	sdelay $0x4  }
0x69: {  	[tilespmem:s18+$0x7680] =	vst v0  }
0x6a: {  	v0 =	vld [tilespmem:s31+$0xC00];
	_ =	sdelay $0x4  }
0x6b: {  	v0 =	vmul.u32 $0x9, v0;
	_ =	sdelay $0x5  }
0x6c: {  	v1 =	vld.idx.msk [tilespmem:v0+s11+$0x0], $0xffff  }
0x6d: {  	v44 =	vadd.s32 $0x1, v0;
	_ =	sdelay $0x3  }
0x6e: {  	[tilespmem:s18+$0x9300] =	vst v1  }
0x6f: {  	v1 =	vld.idx.msk [tilespmem:v44+s11+$0x0], $0xffff  }
0x70: {  	v45 =	vadd.s32 $0x2, v0;
	_ =	sdelay $0x3  }
0x71: {  	[tilespmem:s18+$0x9380] =	vst v1  }
0x72: {  	v1 =	vld.idx.msk [tilespmem:v45+s11+$0x0], $0xffff  }
0x73: {  	v46 =	vadd.s32 $0x3, v0;
	_ =	sdelay $0x3  }
0x74: {  	[tilespmem:s18+$0x9400] =	vst v1  }
0x75: {  	v1 =	vld.idx.msk [tilespmem:v46+s11+$0x0], $0xffff  }
0x76: {  	v47 =	vadd.s32 $0x4, v0;
	_ =	sdelay $0x3  }
0x77: {  	[tilespmem:s18+$0x9480] =	vst v1  }
0x78: {  	v1 =	vld.idx.msk [tilespmem:v47+s11+$0x0], $0xffff  }
0x79: {  	v48 =	vadd.s32 $0x5, v0;
	_ =	sdelay $0x3  }
0x7a: {  	[tilespmem:s18+$0x9500] =	vst v1  }
0x7b: {  	v1 =	vld.idx.msk [tilespmem:v48+s11+$0x0], $0xffff  }
0x7c: {  	v49 =	vadd.s32 $0x6, v0;
	_ =	sdelay $0x3  }
0x7d: {  	[tilespmem:s18+$0x9580] =	vst v1  }
0x7e: {  	v1 =	vld.idx.msk [tilespmem:v49+s11+$0x0], $0xffff  }
0x7f: {  	v0 =	vadd.s32 $0x7, v0;
	_ =	sdelay $0x3  }
0x80: {  	[tilespmem:s18+$0x9600] =	vst v1  }
0x81: {  	v0 =	vld.idx.msk [tilespmem:v0+s11+$0x0], $0xffff;
	_ =	sdelay $0x4  }
0x82: {  	[tilespmem:s18+$0x9680] =	vst v0  }
0x83: {  	v0 =	vld [tilespmem:s31+$0x1000];
	_ =	sdelay $0x4  }
0x84: {  	v0 =	vmul.u32 $0x9, v0;
	_ =	sdelay $0x1  }
0x85: {  	v50 =	vadd.s32 $0x900, v0;
	_ =	sdelay $0x4  }
0x86: {  	v1 =	vld.idx.msk [tilespmem:v50+s11+$0x0], $0xffff  }
0x87: {  	v51 =	vadd.s32 $0x901, v0;
	_ =	sdelay $0x3  }
0x88: {  	[tilespmem:s18+$0xB300] =	vst v1  }
0x89: {  	v1 =	vld.idx.msk [tilespmem:v51+s11+$0x0], $0xffff  }
0x8a: {  	v52 =	vadd.s32 $0x902, v0;
	_ =	sdelay $0x3  }
0x8b: {  	[tilespmem:s18+$0xB380] =	vst v1  }
0x8c: {  	v1 =	vld.idx.msk [tilespmem:v52+s11+$0x0], $0xffff  }
0x8d: {  	v53 =	vadd.s32 $0x903, v0;
	_ =	sdelay $0x3  }
0x8e: {  	[tilespmem:s18+$0xB400] =	vst v1  }
0x8f: {  	v1 =	vld.idx.msk [tilespmem:v53+s11+$0x0], $0xffff  }
0x90: {  	v54 =	vadd.s32 $0x904, v0;
	_ =	sdelay $0x3  }
0x91: {  	[tilespmem:s18+$0xB480] =	vst v1  }
0x92: {  	v1 =	vld.idx.msk [tilespmem:v54+s11+$0x0], $0xffff  }
0x93: {  	v55 =	vadd.s32 $0x905, v0;
	_ =	sdelay $0x3  }
0x94: {  	[tilespmem:s18+$0xB500] =	vst v1  }
0x95: {  	v1 =	vld.idx.msk [tilespmem:v55+s11+$0x0], $0xffff  }
0x96: {  	v56 =	vadd.s32 $0x906, v0;
	_ =	sdelay $0x3  }
0x97: {  	[tilespmem:s18+$0xB580] =	vst v1  }
0x98: {  	v1 =	vld.idx.msk [tilespmem:v56+s11+$0x0], $0xffff  }
0x99: {  	v0 =	vadd.s32 $0x907, v0;
	_ =	sdelay $0x3  }
0x9a: {  	[tilespmem:s18+$0xB600] =	vst v1  }
0x9b: {  	v0 =	vld.idx.msk [tilespmem:v0+s11+$0x0], $0xffff;
	_ =	sdelay $0x4  }
0x9c: {  	[tilespmem:s18+$0xB680] =	vst v0  }
0x9d: {  	v0 =	vld [tilespmem:s31+$0x1400];
	_ =	sdelay $0x4  }
0x9e: {  	v0 =	vmul.u32 $0x9, v0;
	_ =	sdelay $0x1  }
0x9f: {  	v57 =	vadd.s32 $0x1200, v0;
	_ =	sdelay $0x4  }
0xa0: {  	v1 =	vld.idx.msk [tilespmem:v57+s11+$0x0], $0xffff  }
0xa1: {  	v58 =	vadd.s32 $0x1201, v0;
	_ =	sdelay $0x3  }
0xa2: {  	[tilespmem:s18+$0xD300] =	vst v1  }
0xa3: {  	v1 =	vld.idx.msk [tilespmem:v58+s11+$0x0], $0xffff  }
0xa4: {  	v59 =	vadd.s32 $0x1202, v0;
	_ =	sdelay $0x3  }
0xa5: {  	[tilespmem:s18+$0xD380] =	vst v1  }
0xa6: {  	v1 =	vld.idx.msk [tilespmem:v59+s11+$0x0], $0xffff  }
0xa7: {  	v60 =	vadd.s32 $0x1203, v0;
	_ =	sdelay $0x3  }
0xa8: {  	[tilespmem:s18+$0xD400] =	vst v1  }
0xa9: {  	v1 =	vld.idx.msk [tilespmem:v60+s11+$0x0], $0xffff  }
0xaa: {  	v61 =	vadd.s32 $0x1204, v0;
	_ =	sdelay $0x3  }
0xab: {  	[tilespmem:s18+$0xD480] =	vst v1  }
0xac: {  	v1 =	vld.idx.msk [tilespmem:v61+s11+$0x0], $0xffff  }
0xad: {  	v62 =	vadd.s32 $0x1205, v0;
	_ =	sdelay $0x3  }
0xae: {  	[tilespmem:s18+$0xD500] =	vst v1  }
0xaf: {  	v1 =	vld.idx.msk [tilespmem:v62+s11+$0x0], $0xffff  }
0xb0: {  	v63 =	vadd.s32 $0x1206, v0;
	_ =	sdelay $0x3  }
0xb1: {  	[tilespmem:s18+$0xD580] =	vst v1  }
0xb2: {  	v1 =	vld.idx.msk [tilespmem:v63+s11+$0x0], $0xffff  }
0xb3: {  	v0 =	vadd.s32 $0x1207, v0;
	_ =	sdelay $0x3  }
0xb4: {  	[tilespmem:s18+$0xD600] =	vst v1  }
0xb5: {  	p0 =	sne.s32 s17, $0x3F0;
	v0 =	vld.idx.msk [tilespmem:v0+s11+$0x0], $0xffff  }
.Ltmp0:
0xb6: {  	_ = 	snop;
	(pc) =	sbr.rel @p0 .LBB2_2-.Ltmp0, $2  }
0xb7: {  	_ =	sdelay $0x2  }
0xb8: {  	s16 =	sadd.s32 $0x80, s16;
	s15 =	sadd.s32 $0x10, s15;
	s17 =	sadd.s32 $0x10, s17;
	[tilespmem:s18+$0xD680] =	vst v0  }
0xb9: {  	[hbm4b:s6+s2] =	stream.linear.scatter [tilespmem:s12], [sflag:$0x1], $0x6000, $0x38;
	[tilespmem:$0xF300] =	vst v63  }
0xba: {  	s14 =	sadd.s32 $0x1, s14;
	_ =	swait.ge [sflag:s9], $0x6000  }
0xbb: {  	p0 =	sne.s32 s14, s8;
	[sflag:s9] =	ssyncset.done $0x0  }
.Ltmp1:
0xbc: {  	[sflag:s9] =	ssyncadd.s32 $0xFFFFA000;
	(pc) =	sbr.rel @p0 .LBB2_1-.Ltmp1, $4  }
0xbd: {  	[hbm4b:s7+s2] =	stream.linear.scatter [tilespmem:s13], [sflag:$0x1], $0x6000, $0x38;
	[tilespmem:$0xF300] =	vst v63  }
0xbe: {  	_ =	swait.ge [sflag:s9], $0x6000  }
0xbf: {  	[sflag:s9] =	ssyncset.done $0x0  }
0xc0: {  	[sflag:s9] =	ssyncadd.s32 $0xFFFFA000  }
0xc1: {  	_ =	sfence.sel $0x180000  }
0xc2: {  	[bflag:$0x0] =	sbarrier.arrive $0xFFFF  }
0xc3: {  	p0 =	sne.s32 s1, $0x0;
	_ =	strace $0x90000047  }
0xc4: {  	s0 =	sadd.s32 @!p0 $0x100000, s0;
	[bflag:$0x2] =	sbarrier.arrive $0xFFFF  }
0xc5: {  	[sflag:s0] =	ssyncadd.tile.s32 @!p0 $0x1;
	_ =	shalt  }
.Lfunc_end2:
_tile_overlayer_lowered:
.L_overlay_start_2:
0xc6: {  	(tag) =	ssettag $0x2  }
0xc7: {  	s0 =	rddreg [dreg:$0x0];
	s2 =	stileid.u32  }
0xc8: {  	s1 =	rddreg [dreg:$0x1];
	p0 =	sne.s32 s2, $0x0  }
0xc9: {  	s3 =	rddreg [dreg:$0x2];
	[bflag:$0x3] =	sbarrier.arrive $0xFFFF;
	s2 =	simm.s32 @!p0 $0x1C01  }
0xca: {  	[timem:s3], [sflag:s2] =	dma.local @!p0 [hbm:s0], s1  }
0xcb: {  	s0 =	simm.s32 @!p0 $0x1  }
0xcc: {  	_ =	swait.ge @!p0 [sflag:s0], s1  }
0xcd: {  	s1 =	ssub.s32 @!p0 $0x0, s1;
	[sflag:s0] =	ssyncset.done @!p0 $0x0  }
0xce: {  	[sflag:s0] =	ssyncadd.s32 @!p0 s1  }
0xcf: {  	[bflag:$0x3] =	sbarrier.arrive $0xFFFF  }
0xd0: {  	_ =	shalt  }

</sc_bundles>
